<compile_context>
chip_gen: v7x
topology: tpu7x:2x2x1
jax: 0.10.2.dev20260603
libtpu: 0.0.44.dev20260713+nightly
codegen_flags: <defaults>
</compile_context>

<pallas_src>
import functools

import jax
import jax.numpy as jnp
import numpy as np
from jax import lax
from jax.experimental import pallas as pl
from jax.experimental.pallas import tpu as pltpu
from jax.experimental.pallas import tpu_sc as plsc

B, C, H, W = 16, 768, 32, 32
RANGES = (0.1, 0.3)

NC, NS = 2, 16
NWORK = NC * NS
NPAIR = B // 2
QPP = NWORK // NPAIR

CT = C // 128
BPI = H * (W // 8) * CT
SPAN = BPI // QPP
CH = 12
NCHUNK = SPAN // CH
NSLOT = 4
NBLK = B * BPI


def _static_plan():
    rng = np.random.RandomState(0)
    mix = []
    for i in range(0, B - 1, 2):
        frac = rng.rand() * (RANGES[1] - RANGES[0]) + RANGES[0]
        num_first = int(C * frac)
        perm = rng.permutation(C)
        mix.append(perm[:num_first].copy())
    num_first = int(C * (rng.rand() * (RANGES[1] - RANGES[0]) + RANGES[0]))
    num_second = int(C * (rng.rand() * (RANGES[1] - RANGES[0]) + RANGES[0]))
    perm = rng.permutation(C)
    drop = perm[num_first:num_first + num_second].copy()

    keep = np.ones(C, np.float32)
    keep[drop] = 0.0
    w0 = np.tile(keep, (NPAIR, 1))
    w1 = np.zeros((NPAIR, C), np.float32)
    for k, chans in enumerate(mix):
        w1[k, chans] = keep[chans]
        w0[k, chans] = 0.0
    return (w0.reshape(NPAIR, CT, 128),
            w1.reshape(NPAIR, CT, 128),
            keep.reshape(CT, 128))


_W0, _W1, _KEEP = _static_plan()


def _body(a, w0_h, w1_h, kp_h, out, w0_v, w1_v, kp_v,
          be0, bo0, be1, bo1, be2, bo2, be3, bo3,
          si0, si1, si2, si3, so0, so1, so2, so3):
    wid = lax.axis_index("s") * NC + lax.axis_index("c")
    k = wid // QPP
    q = wid % QPP
    ebase = (2 * k) * BPI + q * SPAN
    obase = ebase + BPI

    pltpu.sync_copy(w0_h.at[k], w0_v)
    pltpu.sync_copy(w1_h.at[k], w1_v)
    pltpu.sync_copy(kp_h, kp_v)

    bes = (be0, be1, be2, be3)
    bos = (bo0, bo1, bo2, bo3)
    sis = (si0, si1, si2, si3)
    sos = (so0, so1, so2, so3)

    def start_in(j, p):
        off = j * CH
        pltpu.async_copy(a.at[pl.ds(ebase + off, CH)], bes[p], sis[p])
        pltpu.async_copy(a.at[pl.ds(obase + off, CH)], bos[p], sis[p])

    def wait_in(p):
        pltpu.make_async_copy(a.at[pl.ds(ebase, CH)], bes[p], sis[p]).wait()
        pltpu.make_async_copy(a.at[pl.ds(obase, CH)], bos[p], sis[p]).wait()

    def start_out(j, p):
        off = j * CH
        pltpu.async_copy(bes[p], out.at[pl.ds(ebase + off, CH)], sos[p])
        pltpu.async_copy(bos[p], out.at[pl.ds(obase + off, CH)], sos[p])

    def wait_out(p):
        pltpu.make_async_copy(bes[p], out.at[pl.ds(ebase, CH)], sos[p]).wait()
        pltpu.make_async_copy(bos[p], out.at[pl.ds(obase, CH)], sos[p]).wait()

    def compute(p):
        be, bo = bes[p], bos[p]

        @plsc.parallel_loop(0, CH * 8, 1, unroll=4)
        def blk_body(i, be=be, bo=bo):
            m = lax.div(i, 8)
            l = lax.rem(i, 8)
            ct = lax.rem(m, CT)
            sl = pl.ds(l * 16, 16)
            w0v = w0_v[ct, sl]
            w1v = w1_v[ct, sl]
            kv = kp_v[ct, sl]
            for s in range(8):
                ve = be[m, s, sl]
                vo = bo[m, s, sl]
                be[m, s, sl] = ve * w0v + vo * w1v
                bo[m, s, sl] = vo * kv

    start_in(0, 0)
    start_in(1, 1)
    start_in(2, 2)

    def ring(jj, _):
        for s in range(NSLOT):
            t = jj * NSLOT + s
            wait_in(s)
            compute(s)
            start_out(t, s)
            r = (s - 1) % NSLOT
            if s == 0:
                @pl.when(jj == 0)
                def _first_fill():
                    start_in(NSLOT - 1, NSLOT - 1)

                @pl.when(jj > 0)
                def _refill0(t=t):
                    wait_out(r)
                    start_in(t + NSLOT - 1, r)
            else:
                @pl.when(t + NSLOT - 1 < NCHUNK)
                def _refill(t=t, s=s, r=r):
                    wait_out(r)
                    start_in(t + NSLOT - 1, r)
        return _

    lax.fori_loop(0, NCHUNK // NSLOT, ring, None)
    for s in range(NSLOT):
        wait_out(s)


def kernel(y):
    a6 = (y.transpose(0, 2, 3, 1)
           .reshape(B, H, W // 8, 8, C // 128, 128)
           .transpose(0, 1, 2, 4, 3, 5))
    a = a6.reshape(NBLK, 8, 128)
    mesh = plsc.VectorSubcoreMesh(core_axis_name="c", subcore_axis_name="s",
                                  num_cores=NC, num_subcores=NS)
    run = pl.kernel(
        _body,
        out_type=jax.ShapeDtypeStruct((NBLK, 8, 128), jnp.float32),
        mesh=mesh,
        scratch_types=(
            [pltpu.VMEM((CT, 128), jnp.float32)] * 3
            + [pltpu.VMEM((CH, 8, 128), jnp.float32)] * (2 * NSLOT)
            + [pltpu.SemaphoreType.DMA] * (2 * NSLOT)
        ),
    )
    o = run(a, jnp.asarray(_W0), jnp.asarray(_W1), jnp.asarray(_KEEP))
    o6 = o.reshape(B, H, W // 8, C // 128, 8, 128)
    return (o6.transpose(0, 1, 2, 4, 3, 5)
              .reshape(B, H, W, C)
              .transpose(0, 3, 1, 2))

# --- scband reference (transcript-rebuilt; emitter-appended) ---
"""Pipeline reference for scband-content-fa-57930518888645 (READ-ONLY COPY).

The authoritative reference and input builder live on the scoring server;
editing this copy changes nothing except your own understanding.
"""

import jax, jax.numpy as jnp
import numpy as np

B, C, H, W = 16, 768, 32, 32
RANGES = (0.1, 0.3)


def _plan():
    # Deterministic stand-in for python random / torch.rand / torch.randperm.
    # prob_FA_con = 1.0 so both mix() and drop() branches always fire.
    rng = np.random.RandomState(0)
    mix_plan = []
    for i in range(0, B - 1, 2):
        frac = rng.rand() * (RANGES[1] - RANGES[0]) + RANGES[0]
        num_first = int(C * frac)
        perm = rng.permutation(C)
        mix_plan.append((i, perm[:num_first].copy()))
    num_first = int(C * (rng.rand() * (RANGES[1] - RANGES[0]) + RANGES[0]))
    num_second = int(C * (rng.rand() * (RANGES[1] - RANGES[0]) + RANGES[0]))
    perm = rng.permutation(C)
    drop_idx = perm[num_first:num_first + num_second].copy()
    return mix_plan, drop_idx


def setup_inputs(seed: int = 0) -> dict:
    key = jax.random.key(seed)
    y = jax.random.normal(key, (B, C, H, W), dtype=jnp.float32)
    return {"y": y}


def reference(y):
    mix_plan, drop_idx = _plan()
    ans = y
    # mix(): swap selected channels between adjacent instances.
    # Faithful to the torch in-place aliasing: `ans = y` aliases, so the
    # second write reads the already-updated row i. We replicate that by
    # reading from the current functional `ans` sequentially.
    for i, ch_first in mix_plan:
        idx = jnp.asarray(ch_first, dtype=jnp.int32)
        ans = ans.at[i, idx].set(ans[i + 1, idx])
        ans = ans.at[i + 1, idx].set(ans[i, idx])
    # drop(): zero out a random contiguous slice of a channel permutation
    didx = jnp.asarray(drop_idx, dtype=jnp.int32)
    ans = ans.at[:, didx].set(0.0)
    return ans

if __name__ == "__main__":
    import jax
    _d = setup_inputs()
    print(jax.jit(kernel)(*tuple(_d.values())))

</pallas_src>

<mosaic_0001>
#map = affine_map<(d0, d1) -> (0, 0, 0)>
#map1 = affine_map<(d0, d1) -> (0, 0)>
module attributes {stable_mosaic.version = 14 : i64} {
  func.func @_body(%arg0: i32, %arg1: i32, %arg2: memref<12288x8x128xf32, #tpu.memory_space<hbm>>, %arg3: memref<8x6x128xf32, #tpu.memory_space<hbm>>, %arg4: memref<8x6x128xf32, #tpu.memory_space<hbm>>, %arg5: memref<6x128xf32, #tpu.memory_space<hbm>>, %arg6: memref<12288x8x128xf32, #tpu.memory_space<hbm>>, %arg7: memref<6x128xf32, #tpu.memory_space<vmem>>, %arg8: memref<6x128xf32, #tpu.memory_space<vmem>>, %arg9: memref<6x128xf32, #tpu.memory_space<vmem>>, %arg10: memref<12x8x128xf32, #tpu.memory_space<vmem>>, %arg11: memref<12x8x128xf32, #tpu.memory_space<vmem>>, %arg12: memref<12x8x128xf32, #tpu.memory_space<vmem>>, %arg13: memref<12x8x128xf32, #tpu.memory_space<vmem>>, %arg14: memref<12x8x128xf32, #tpu.memory_space<vmem>>, %arg15: memref<12x8x128xf32, #tpu.memory_space<vmem>>, %arg16: memref<12x8x128xf32, #tpu.memory_space<vmem>>, %arg17: memref<12x8x128xf32, #tpu.memory_space<vmem>>, %arg18: memref<!tpu.dma_semaphore, #tpu.memory_space<semaphore_mem>>, %arg19: memref<!tpu.dma_semaphore, #tpu.memory_space<semaphore_mem>>, %arg20: memref<!tpu.dma_semaphore, #tpu.memory_space<semaphore_mem>>, %arg21: memref<!tpu.dma_semaphore, #tpu.memory_space<semaphore_mem>>, %arg22: memref<!tpu.dma_semaphore, #tpu.memory_space<semaphore_mem>>, %arg23: memref<!tpu.dma_semaphore, #tpu.memory_space<semaphore_mem>>, %arg24: memref<!tpu.dma_semaphore, #tpu.memory_space<semaphore_mem>>, %arg25: memref<!tpu.dma_semaphore, #tpu.memory_space<semaphore_mem>>) attributes {dimension_semantics = [#tpu.dimension_semantics<core_parallel>, #tpu.dimension_semantics<subcore_parallel>], iteration_bounds = array<i64: 2, 16>, scalar_prefetch = 0 : i64, scratch_operands = 19 : i64, tpu.core_type = #tpu.core_type<sc_vector_subcore>, window_params = [{transform_indices = #map}, {transform_indices = #map}, {transform_indices = #map}, {transform_indices = #map1}, {transform_indices = #map}]} {
    %mul3A = arith.constant 2 : i32
    %mul3A_0 = arith.muli %arg1, %mul3A : i32
    %add3A = arith.addi %mul3A_0, %arg0 : i32
    %jit3A = arith.constant 4 : i32
    %div3A = arith.divsi %add3A, %jit3A : i32
    %sign3A = arith.constant 0 : i32
    %sign3A_1 = arith.cmpi sgt, %add3A, %sign3A : i32
    %sign3A_2 = arith.extui %sign3A_1 : i1 to i32
    %sign3A_3 = arith.constant 0 : i32
    %sign3A_4 = arith.cmpi slt, %add3A, %sign3A_3 : i32
    %sign3A_5 = arith.extui %sign3A_4 : i1 to i32
    %sign3A_6 = arith.subi %sign3A_2, %sign3A_5 : i32
    %sign3A_7 = arith.constant 0 : i32
    %sign3A_8 = arith.cmpi sgt, %jit3A, %sign3A_7 : i32
    %sign3A_9 = arith.extui %sign3A_8 : i1 to i32
    %sign3A_10 = arith.constant 0 : i32
    %sign3A_11 = arith.cmpi slt, %jit3A, %sign3A_10 : i32
    %sign3A_12 = arith.extui %sign3A_11 : i1 to i32
    %sign3A_13 = arith.subi %sign3A_9, %sign3A_12 : i32
    %ne3A = arith.cmpi ne, %sign3A_6, %sign3A_13 : i32
    %rem3A = arith.remsi %add3A, %jit3A : i32
    %ne3A_14 = arith.constant 0 : i32
    %ne3A_15 = arith.cmpi ne, %rem3A, %ne3A_14 : i32
    %and3A = arith.andi %ne3A, %ne3A_15 : i1
    %sub3A = arith.constant 1 : i32
    %sub3A_16 = arith.subi %div3A, %sub3A : i32
    %select_n3A = arith.select %and3A, %sub3A_16, %div3A : i32
    %jit3A_17 = arith.constant 4 : i32
    %eq3A = arith.constant 0 : i32
    %eq3A_18 = arith.cmpi eq, %jit3A_17, %eq3A : i32
    %jit3A_19 = arith.constant 1 : i32
    %select_n3A_20 = arith.select %eq3A_18, %jit3A_19, %jit3A_17 : i32
    %rem3A_21 = arith.remsi %add3A, %select_n3A_20 : i32
    %ne3A_22 = arith.constant 0 : i32
    %ne3A_23 = arith.cmpi ne, %rem3A_21, %ne3A_22 : i32
    %lt3A = arith.constant 0 : i32
    %lt3A_24 = arith.cmpi slt, %rem3A_21, %lt3A : i32
    %lt3A_25 = arith.constant 0 : i32
    %lt3A_26 = arith.cmpi slt, %select_n3A_20, %lt3A_25 : i32
    %ne3A_27 = arith.xori %lt3A_24, %lt3A_26 : i1
    %and3A_28 = arith.andi %ne3A_27, %ne3A_23 : i1
    %add3A_29 = arith.addi %rem3A_21, %select_n3A_20 : i32
    %select_n3A_30 = arith.select %and3A_28, %add3A_29, %rem3A_21 : i32
    %mul3A_31 = arith.constant 2 : i32
    %mul3A_32 = arith.muli %mul3A_31, %select_n3A : i32
    %mul3A_33 = arith.constant 768 : i32
    %mul3A_34 = arith.muli %mul3A_32, %mul3A_33 : i32
    %mul3A_35 = arith.constant 192 : i32
    %mul3A_36 = arith.muli %select_n3A_30, %mul3A_35 : i32
    %add3A_37 = arith.addi %mul3A_34, %mul3A_36 : i32
    %add3A_38 = arith.constant 768 : i32
    %add3A_39 = arith.addi %add3A_37, %add3A_38 : i32
    "tpu.region"() ({
      %run_scoped3A = tpu.sem_alloc : memref<!tpu.dma_semaphore, #tpu.memory_space<semaphore_mem>>
      %dma_start3A_138 = arith.constant 0 : i32
      %dma_start3A_139 = arith.constant 0 : i32
      %dma_start3A_140 = tpu.memref_slice %arg3[%select_n3A, %dma_start3A_138, %dma_start3A_139] : memref<8x6x128xf32, #tpu.memory_space<hbm>> -> memref<1x6x128xf32, #tpu.memory_space<hbm>>
      %dma_start3A_141 = tpu.memref_squeeze %dma_start3A_140 : memref<1x6x128xf32, #tpu.memory_space<hbm>> -> memref<6x128xf32, #tpu.memory_space<hbm>>
      %dma_start3A_142 = arith.constant 0 : i32
      %dma_start3A_143 = arith.constant 0 : i32
      %dma_start3A_144 = tpu.memref_slice %arg3[%select_n3A, %dma_start3A_142, %dma_start3A_143] : memref<8x6x128xf32, #tpu.memory_space<hbm>> -> memref<1x6x128xf32, #tpu.memory_space<hbm>>
      %dma_start3A_145 = tpu.memref_squeeze %dma_start3A_144 : memref<1x6x128xf32, #tpu.memory_space<hbm>> -> memref<6x128xf32, #tpu.memory_space<hbm>>
      tpu.enqueue_dma source(%dma_start3A_145 : memref<6x128xf32, #tpu.memory_space<hbm>>) target(%arg7 : memref<6x128xf32, #tpu.memory_space<vmem>>) target_semaphore(%run_scoped3A : memref<!tpu.dma_semaphore, #tpu.memory_space<semaphore_mem>>)
      %dma_wait3A_146 = arith.constant 0 : i32
      %dma_wait3A_147 = arith.constant 0 : i32
      %dma_wait3A_148 = tpu.memref_slice %arg3[%select_n3A, %dma_wait3A_146, %dma_wait3A_147] : memref<8x6x128xf32, #tpu.memory_space<hbm>> -> memref<1x6x128xf32, #tpu.memory_space<hbm>>
      %dma_wait3A_149 = tpu.memref_squeeze %dma_wait3A_148 : memref<1x6x128xf32, #tpu.memory_space<hbm>> -> memref<6x128xf32, #tpu.memory_space<hbm>>
      %dma_wait3A_150 = arith.constant 0 : i32
      %dma_wait3A_151 = arith.constant 0 : i32
      %dma_wait3A_152 = tpu.memref_slice %arg3[%select_n3A, %dma_wait3A_150, %dma_wait3A_151] : memref<8x6x128xf32, #tpu.memory_space<hbm>> -> memref<1x6x128xf32, #tpu.memory_space<hbm>>
      %dma_wait3A_153 = tpu.memref_squeeze %dma_wait3A_152 : memref<1x6x128xf32, #tpu.memory_space<hbm>> -> memref<6x128xf32, #tpu.memory_space<hbm>>
      tpu.wait_dma2 semaphore(%run_scoped3A : memref<!tpu.dma_semaphore, #tpu.memory_space<semaphore_mem>>) src(%dma_wait3A_153 : memref<6x128xf32, #tpu.memory_space<hbm>>) dst(%arg7 : memref<6x128xf32, #tpu.memory_space<vmem>>)
      tpu.yield
    }) : () -> ()
    "tpu.region"() ({
      %run_scoped3A = tpu.sem_alloc : memref<!tpu.dma_semaphore, #tpu.memory_space<semaphore_mem>>
      %dma_start3A_138 = arith.constant 0 : i32
      %dma_start3A_139 = arith.constant 0 : i32
      %dma_start3A_140 = tpu.memref_slice %arg4[%select_n3A, %dma_start3A_138, %dma_start3A_139] : memref<8x6x128xf32, #tpu.memory_space<hbm>> -> memref<1x6x128xf32, #tpu.memory_space<hbm>>
      %dma_start3A_141 = tpu.memref_squeeze %dma_start3A_140 : memref<1x6x128xf32, #tpu.memory_space<hbm>> -> memref<6x128xf32, #tpu.memory_space<hbm>>
      %dma_start3A_142 = arith.constant 0 : i32
      %dma_start3A_143 = arith.constant 0 : i32
      %dma_start3A_144 = tpu.memref_slice %arg4[%select_n3A, %dma_start3A_142, %dma_start3A_143] : memref<8x6x128xf32, #tpu.memory_space<hbm>> -> memref<1x6x128xf32, #tpu.memory_space<hbm>>
      %dma_start3A_145 = tpu.memref_squeeze %dma_start3A_144 : memref<1x6x128xf32, #tpu.memory_space<hbm>> -> memref<6x128xf32, #tpu.memory_space<hbm>>
      tpu.enqueue_dma source(%dma_start3A_145 : memref<6x128xf32, #tpu.memory_space<hbm>>) target(%arg8 : memref<6x128xf32, #tpu.memory_space<vmem>>) target_semaphore(%run_scoped3A : memref<!tpu.dma_semaphore, #tpu.memory_space<semaphore_mem>>)
      %dma_wait3A_146 = arith.constant 0 : i32
      %dma_wait3A_147 = arith.constant 0 : i32
      %dma_wait3A_148 = tpu.memref_slice %arg4[%select_n3A, %dma_wait3A_146, %dma_wait3A_147] : memref<8x6x128xf32, #tpu.memory_space<hbm>> -> memref<1x6x128xf32, #tpu.memory_space<hbm>>
      %dma_wait3A_149 = tpu.memref_squeeze %dma_wait3A_148 : memref<1x6x128xf32, #tpu.memory_space<hbm>> -> memref<6x128xf32, #tpu.memory_space<hbm>>
      %dma_wait3A_150 = arith.constant 0 : i32
      %dma_wait3A_151 = arith.constant 0 : i32
      %dma_wait3A_152 = tpu.memref_slice %arg4[%select_n3A, %dma_wait3A_150, %dma_wait3A_151] : memref<8x6x128xf32, #tpu.memory_space<hbm>> -> memref<1x6x128xf32, #tpu.memory_space<hbm>>
      %dma_wait3A_153 = tpu.memref_squeeze %dma_wait3A_152 : memref<1x6x128xf32, #tpu.memory_space<hbm>> -> memref<6x128xf32, #tpu.memory_space<hbm>>
      tpu.wait_dma2 semaphore(%run_scoped3A : memref<!tpu.dma_semaphore, #tpu.memory_space<semaphore_mem>>) src(%dma_wait3A_153 : memref<6x128xf32, #tpu.memory_space<hbm>>) dst(%arg8 : memref<6x128xf32, #tpu.memory_space<vmem>>)
      tpu.yield
    }) : () -> ()
    "tpu.region"() ({
      %run_scoped3A = tpu.sem_alloc : memref<!tpu.dma_semaphore, #tpu.memory_space<semaphore_mem>>
      tpu.enqueue_dma source(%arg5 : memref<6x128xf32, #tpu.memory_space<hbm>>) target(%arg9 : memref<6x128xf32, #tpu.memory_space<vmem>>) target_semaphore(%run_scoped3A : memref<!tpu.dma_semaphore, #tpu.memory_space<semaphore_mem>>)
      tpu.wait_dma2 semaphore(%run_scoped3A : memref<!tpu.dma_semaphore, #tpu.memory_space<semaphore_mem>>) src(%arg5 : memref<6x128xf32, #tpu.memory_space<hbm>>) dst(%arg9 : memref<6x128xf32, #tpu.memory_space<vmem>>)
      tpu.yield
    }) : () -> ()
    %add3A_40 = arith.constant 0 : i32
    %add3A_41 = arith.addi %add3A_37, %add3A_40 : i32
    %dma_start3A = arith.constant 0 : i32
    %dma_start3A_42 = arith.constant 0 : i32
    %dma_start3A_43 = tpu.memref_slice %arg2[%add3A_41, %dma_start3A, %dma_start3A_42] : memref<12288x8x128xf32, #tpu.memory_space<hbm>> -> memref<12x8x128xf32, #tpu.memory_space<hbm>>
    %dma_start3A_44 = arith.constant 0 : i32
    %dma_start3A_45 = arith.constant 0 : i32
    %dma_start3A_46 = tpu.memref_slice %arg2[%add3A_41, %dma_start3A_44, %dma_start3A_45] : memref<12288x8x128xf32, #tpu.memory_space<hbm>> -> memref<12x8x128xf32, #tpu.memory_space<hbm>>
    tpu.enqueue_dma source(%dma_start3A_46 : memref<12x8x128xf32, #tpu.memory_space<hbm>>) target(%arg10 : memref<12x8x128xf32, #tpu.memory_space<vmem>>) target_semaphore(%arg18 : memref<!tpu.dma_semaphore, #tpu.memory_space<semaphore_mem>>)
    %add3A_47 = arith.constant 0 : i32
    %add3A_48 = arith.addi %add3A_39, %add3A_47 : i32
    %dma_start3A_49 = arith.constant 0 : i32
    %dma_start3A_50 = arith.constant 0 : i32
    %dma_start3A_51 = tpu.memref_slice %arg2[%add3A_48, %dma_start3A_49, %dma_start3A_50] : memref<12288x8x128xf32, #tpu.memory_space<hbm>> -> memref<12x8x128xf32, #tpu.memory_space<hbm>>
    %dma_start3A_52 = arith.constant 0 : i32
    %dma_start3A_53 = arith.constant 0 : i32
    %dma_start3A_54 = tpu.memref_slice %arg2[%add3A_48, %dma_start3A_52, %dma_start3A_53] : memref<12288x8x128xf32, #tpu.memory_space<hbm>> -> memref<12x8x128xf32, #tpu.memory_space<hbm>>
    tpu.enqueue_dma source(%dma_start3A_54 : memref<12x8x128xf32, #tpu.memory_space<hbm>>) target(%arg11 : memref<12x8x128xf32, #tpu.memory_space<vmem>>) target_semaphore(%arg18 : memref<!tpu.dma_semaphore, #tpu.memory_space<semaphore_mem>>)
    %add3A_55 = arith.constant 12 : i32
    %add3A_56 = arith.addi %add3A_37, %add3A_55 : i32
    %dma_start3A_57 = arith.constant 0 : i32
    %dma_start3A_58 = arith.constant 0 : i32
    %dma_start3A_59 = tpu.memref_slice %arg2[%add3A_56, %dma_start3A_57, %dma_start3A_58] : memref<12288x8x128xf32, #tpu.memory_space<hbm>> -> memref<12x8x128xf32, #tpu.memory_space<hbm>>
    %dma_start3A_60 = arith.constant 0 : i32
    %dma_start3A_61 = arith.constant 0 : i32
    %dma_start3A_62 = tpu.memref_slice %arg2[%add3A_56, %dma_start3A_60, %dma_start3A_61] : memref<12288x8x128xf32, #tpu.memory_space<hbm>> -> memref<12x8x128xf32, #tpu.memory_space<hbm>>
    tpu.enqueue_dma source(%dma_start3A_62 : memref<12x8x128xf32, #tpu.memory_space<hbm>>) target(%arg12 : memref<12x8x128xf32, #tpu.memory_space<vmem>>) target_semaphore(%arg19 : memref<!tpu.dma_semaphore, #tpu.memory_space<semaphore_mem>>)
    %add3A_63 = arith.constant 12 : i32
    %add3A_64 = arith.addi %add3A_39, %add3A_63 : i32
    %dma_start3A_65 = arith.constant 0 : i32
    %dma_start3A_66 = arith.constant 0 : i32
    %dma_start3A_67 = tpu.memref_slice %arg2[%add3A_64, %dma_start3A_65, %dma_start3A_66] : memref<12288x8x128xf32, #tpu.memory_space<hbm>> -> memref<12x8x128xf32, #tpu.memory_space<hbm>>
    %dma_start3A_68 = arith.constant 0 : i32
    %dma_start3A_69 = arith.constant 0 : i32
    %dma_start3A_70 = tpu.memref_slice %arg2[%add3A_64, %dma_start3A_68, %dma_start3A_69] : memref<12288x8x128xf32, #tpu.memory_space<hbm>> -> memref<12x8x128xf32, #tpu.memory_space<hbm>>
    tpu.enqueue_dma source(%dma_start3A_70 : memref<12x8x128xf32, #tpu.memory_space<hbm>>) target(%arg13 : memref<12x8x128xf32, #tpu.memory_space<vmem>>) target_semaphore(%arg19 : memref<!tpu.dma_semaphore, #tpu.memory_space<semaphore_mem>>)
    %add3A_71 = arith.constant 24 : i32
    %add3A_72 = arith.addi %add3A_37, %add3A_71 : i32
    %dma_start3A_73 = arith.constant 0 : i32
    %dma_start3A_74 = arith.constant 0 : i32
    %dma_start3A_75 = tpu.memref_slice %arg2[%add3A_72, %dma_start3A_73, %dma_start3A_74] : memref<12288x8x128xf32, #tpu.memory_space<hbm>> -> memref<12x8x128xf32, #tpu.memory_space<hbm>>
    %dma_start3A_76 = arith.constant 0 : i32
    %dma_start3A_77 = arith.constant 0 : i32
    %dma_start3A_78 = tpu.memref_slice %arg2[%add3A_72, %dma_start3A_76, %dma_start3A_77] : memref<12288x8x128xf32, #tpu.memory_space<hbm>> -> memref<12x8x128xf32, #tpu.memory_space<hbm>>
    tpu.enqueue_dma source(%dma_start3A_78 : memref<12x8x128xf32, #tpu.memory_space<hbm>>) target(%arg14 : memref<12x8x128xf32, #tpu.memory_space<vmem>>) target_semaphore(%arg20 : memref<!tpu.dma_semaphore, #tpu.memory_space<semaphore_mem>>)
    %add3A_79 = arith.constant 24 : i32
    %add3A_80 = arith.addi %add3A_39, %add3A_79 : i32
    %dma_start3A_81 = arith.constant 0 : i32
    %dma_start3A_82 = arith.constant 0 : i32
    %dma_start3A_83 = tpu.memref_slice %arg2[%add3A_80, %dma_start3A_81, %dma_start3A_82] : memref<12288x8x128xf32, #tpu.memory_space<hbm>> -> memref<12x8x128xf32, #tpu.memory_space<hbm>>
    %dma_start3A_84 = arith.constant 0 : i32
    %dma_start3A_85 = arith.constant 0 : i32
    %dma_start3A_86 = tpu.memref_slice %arg2[%add3A_80, %dma_start3A_84, %dma_start3A_85] : memref<12288x8x128xf32, #tpu.memory_space<hbm>> -> memref<12x8x128xf32, #tpu.memory_space<hbm>>
    tpu.enqueue_dma source(%dma_start3A_86 : memref<12x8x128xf32, #tpu.memory_space<hbm>>) target(%arg15 : memref<12x8x128xf32, #tpu.memory_space<vmem>>) target_semaphore(%arg20 : memref<!tpu.dma_semaphore, #tpu.memory_space<semaphore_mem>>)
    %scan3A = arith.constant 0 : i32
    %scan3A_87 = arith.constant 4 : i32
    %scan3A_88 = arith.addi %scan3A, %scan3A_87 : i32
    %scan3A_89 = arith.constant 1 : i32
    scf.for %scan3A_138 = %scan3A to %scan3A_88 step %scan3A_89  : i32 {
      %mul3A_139 = arith.constant 4 : i32
      %mul3A_140 = arith.muli %scan3A_138, %mul3A_139 : i32
      %add3A_141 = arith.constant 0 : i32
      %add3A_142 = arith.addi %mul3A_140, %add3A_141 : i32
      %dma_wait3A_143 = arith.constant 0 : i32
      %dma_wait3A_144 = arith.constant 0 : i32
      %dma_wait3A_145 = tpu.memref_slice %arg2[%add3A_37, %dma_wait3A_143, %dma_wait3A_144] : memref<12288x8x128xf32, #tpu.memory_space<hbm>> -> memref<12x8x128xf32, #tpu.memory_space<hbm>>
      %dma_wait3A_146 = arith.constant 0 : i32
      %dma_wait3A_147 = arith.constant 0 : i32
      %dma_wait3A_148 = tpu.memref_slice %arg2[%add3A_37, %dma_wait3A_146, %dma_wait3A_147] : memref<12288x8x128xf32, #tpu.memory_space<hbm>> -> memref<12x8x128xf32, #tpu.memory_space<hbm>>
      tpu.wait_dma2 semaphore(%arg18 : memref<!tpu.dma_semaphore, #tpu.memory_space<semaphore_mem>>) src(%dma_wait3A_148 : memref<12x8x128xf32, #tpu.memory_space<hbm>>) dst(%arg10 : memref<12x8x128xf32, #tpu.memory_space<vmem>>)
      %dma_wait3A_149 = arith.constant 0 : i32
      %dma_wait3A_150 = arith.constant 0 : i32
      %dma_wait3A_151 = tpu.memref_slice %arg2[%add3A_39, %dma_wait3A_149, %dma_wait3A_150] : memref<12288x8x128xf32, #tpu.memory_space<hbm>> -> memref<12x8x128xf32, #tpu.memory_space<hbm>>
      %dma_wait3A_152 = arith.constant 0 : i32
      %dma_wait3A_153 = arith.constant 0 : i32
      %dma_wait3A_154 = tpu.memref_slice %arg2[%add3A_39, %dma_wait3A_152, %dma_wait3A_153] : memref<12288x8x128xf32, #tpu.memory_space<hbm>> -> memref<12x8x128xf32, #tpu.memory_space<hbm>>
      tpu.wait_dma2 semaphore(%arg18 : memref<!tpu.dma_semaphore, #tpu.memory_space<semaphore_mem>>) src(%dma_wait3A_154 : memref<12x8x128xf32, #tpu.memory_space<hbm>>) dst(%arg11 : memref<12x8x128xf32, #tpu.memory_space<vmem>>)
      %parallel_loop3A = arith.constant 0 : i32
      %parallel_loop3A_155 = arith.constant 96 : i32
      %parallel_loop3A_156 = arith.constant 1 : i32
      scf.for %parallel_loop3A_312 = %parallel_loop3A to %parallel_loop3A_155 step %parallel_loop3A_156  : i32 {
        %parallel_loop3A_313 = arith.constant 8 : i32
        %parallel_loop3A_314 = arith.divsi %parallel_loop3A_312, %parallel_loop3A_313 : i32
        %parallel_loop3A_315 = arith.constant 8 : i32
        %parallel_loop3A_316 = arith.remsi %parallel_loop3A_312, %parallel_loop3A_315 : i32
        %parallel_loop3A_317 = arith.constant 6 : i32
        %parallel_loop3A_318 = arith.remsi %parallel_loop3A_314, %parallel_loop3A_317 : i32
        %parallel_loop3A_319 = arith.constant 16 : i32
        %parallel_loop3A_320 = arith.muli %parallel_loop3A_316, %parallel_loop3A_319 : i32
        %parallel_loop3A_321 = arith.index_cast %parallel_loop3A_318 : i32 to index
        %parallel_loop3A_322 = arith.index_cast %parallel_loop3A_320 : i32 to index
        %parallel_loop3A_323 = tpu.vector_load %arg7[%parallel_loop3A_321, %parallel_loop3A_322] {strides = array<i32>} : memref<6x128xf32, #tpu.memory_space<vmem>>, vector<1x16xf32>,
        %parallel_loop3A_324 = vector.shape_cast %parallel_loop3A_323 : vector<1x16xf32> to vector<16xf32>
        %parallel_loop3A_325 = arith.index_cast %parallel_loop3A_318 : i32 to index
        %parallel_loop3A_326 = arith.index_cast %parallel_loop3A_320 : i32 to index
        %parallel_loop3A_327 = tpu.vector_load %arg8[%parallel_loop3A_325, %parallel_loop3A_326] {strides = array<i32>} : memref<6x128xf32, #tpu.memory_space<vmem>>, vector<1x16xf32>,
        %parallel_loop3A_328 = vector.shape_cast %parallel_loop3A_327 : vector<1x16xf32> to vector<16xf32>
        %parallel_loop3A_329 = arith.index_cast %parallel_loop3A_318 : i32 to index
        %parallel_loop3A_330 = arith.index_cast %parallel_loop3A_320 : i32 to index
        %parallel_loop3A_331 = tpu.vector_load %arg9[%parallel_loop3A_329, %parallel_loop3A_330] {strides = array<i32>} : memref<6x128xf32, #tpu.memory_space<vmem>>, vector<1x16xf32>,
        %parallel_loop3A_332 = vector.shape_cast %parallel_loop3A_331 : vector<1x16xf32> to vector<16xf32>
        %parallel_loop3A_333 = arith.constant 0 : i32
        %parallel_loop3A_334 = arith.index_cast %parallel_loop3A_314 : i32 to index
        %parallel_loop3A_335 = arith.index_cast %parallel_loop3A_333 : i32 to index
        %parallel_loop3A_336 = arith.index_cast %parallel_loop3A_320 : i32 to index
        %parallel_loop3A_337 = tpu.vector_load %arg10[%parallel_loop3A_334, %parallel_loop3A_335, %parallel_loop3A_336] {strides = array<i32>} : memref<12x8x128xf32, #tpu.memory_space<vmem>>, vector<1x1x16xf32>,
        %parallel_loop3A_338 = vector.shape_cast %parallel_loop3A_337 : vector<1x1x16xf32> to vector<16xf32>
        %parallel_loop3A_339 = arith.constant 0 : i32
        %parallel_loop3A_340 = arith.index_cast %parallel_loop3A_314 : i32 to index
        %parallel_loop3A_341 = arith.index_cast %parallel_loop3A_339 : i32 to index
        %parallel_loop3A_342 = arith.index_cast %parallel_loop3A_320 : i32 to index
        %parallel_loop3A_343 = tpu.vector_load %arg11[%parallel_loop3A_340, %parallel_loop3A_341, %parallel_loop3A_342] {strides = array<i32>} : memref<12x8x128xf32, #tpu.memory_space<vmem>>, vector<1x1x16xf32>,
        %parallel_loop3A_344 = vector.shape_cast %parallel_loop3A_343 : vector<1x1x16xf32> to vector<16xf32>
        %parallel_loop3A_345 = arith.mulf %parallel_loop3A_338, %parallel_loop3A_324 : vector<16xf32>
        %parallel_loop3A_346 = arith.mulf %parallel_loop3A_344, %parallel_loop3A_328 : vector<16xf32>
        %parallel_loop3A_347 = arith.addf %parallel_loop3A_345, %parallel_loop3A_346 : vector<16xf32>
        %parallel_loop3A_348 = arith.constant 0 : i32
        %parallel_loop3A_349 = arith.index_cast %parallel_loop3A_314 : i32 to index
        %parallel_loop3A_350 = arith.index_cast %parallel_loop3A_348 : i32 to index
        %parallel_loop3A_351 = arith.index_cast %parallel_loop3A_320 : i32 to index
        %parallel_loop3A_352 = tpu.vector_load %arg10[%parallel_loop3A_349, %parallel_loop3A_350, %parallel_loop3A_351] {strides = array<i32>} : memref<12x8x128xf32, #tpu.memory_space<vmem>>, vector<1x1x16xf32>,
        %parallel_loop3A_353 = vector.shape_cast %parallel_loop3A_352 : vector<1x1x16xf32> to vector<16xf32>
        %parallel_loop3A_354 = vector.shape_cast %parallel_loop3A_347 : vector<16xf32> to vector<1x1x16xf32>
        tpu.vector_store %arg10[%parallel_loop3A_349, %parallel_loop3A_350, %parallel_loop3A_351], %parallel_loop3A_354 {strides = array<i32>} : memref<12x8x128xf32, #tpu.memory_space<vmem>>, vector<1x1x16xf32>,
        %parallel_loop3A_355 = arith.mulf %parallel_loop3A_344, %parallel_loop3A_332 : vector<16xf32>
        %parallel_loop3A_356 = arith.constant 0 : i32
        %parallel_loop3A_357 = arith.index_cast %parallel_loop3A_314 : i32 to index
        %parallel_loop3A_358 = arith.index_cast %parallel_loop3A_356 : i32 to index
        %parallel_loop3A_359 = arith.index_cast %parallel_loop3A_320 : i32 to index
        %parallel_loop3A_360 = tpu.vector_load %arg11[%parallel_loop3A_357, %parallel_loop3A_358, %parallel_loop3A_359] {strides = array<i32>} : memref<12x8x128xf32, #tpu.memory_space<vmem>>, vector<1x1x16xf32>,
        %parallel_loop3A_361 = vector.shape_cast %parallel_loop3A_360 : vector<1x1x16xf32> to vector<16xf32>
        %parallel_loop3A_362 = vector.shape_cast %parallel_loop3A_355 : vector<16xf32> to vector<1x1x16xf32>
        tpu.vector_store %arg11[%parallel_loop3A_357, %parallel_loop3A_358, %parallel_loop3A_359], %parallel_loop3A_362 {strides = array<i32>} : memref<12x8x128xf32, #tpu.memory_space<vmem>>, vector<1x1x16xf32>,
        %parallel_loop3A_363 = arith.constant 1 : i32
        %parallel_loop3A_364 = arith.index_cast %parallel_loop3A_314 : i32 to index
        %parallel_loop3A_365 = arith.index_cast %parallel_loop3A_363 : i32 to index
        %parallel_loop3A_366 = arith.index_cast %parallel_loop3A_320 : i32 to index
        %parallel_loop3A_367 = tpu.vector_load %arg10[%parallel_loop3A_364, %parallel_loop3A_365, %parallel_loop3A_366] {strides = array<i32>} : memref<12x8x128xf32, #tpu.memory_space<vmem>>, vector<1x1x16xf32>,
        %parallel_loop3A_368 = vector.shape_cast %parallel_loop3A_367 : vector<1x1x16xf32> to vector<16xf32>
        %parallel_loop3A_369 = arith.constant 1 : i32
        %parallel_loop3A_370 = arith.index_cast %parallel_loop3A_314 : i32 to index
        %parallel_loop3A_371 = arith.index_cast %parallel_loop3A_369 : i32 to index
        %parallel_loop3A_372 = arith.index_cast %parallel_loop3A_320 : i32 to index
        %parallel_loop3A_373 = tpu.vector_load %arg11[%parallel_loop3A_370, %parallel_loop3A_371, %parallel_loop3A_372] {strides = array<i32>} : memref<12x8x128xf32, #tpu.memory_space<vmem>>, vector<1x1x16xf32>,
        %parallel_loop3A_374 = vector.shape_cast %parallel_loop3A_373 : vector<1x1x16xf32> to vector<16xf32>
        %parallel_loop3A_375 = arith.mulf %parallel_loop3A_368, %parallel_loop3A_324 : vector<16xf32>
        %parallel_loop3A_376 = arith.mulf %parallel_loop3A_374, %parallel_loop3A_328 : vector<16xf32>
        %parallel_loop3A_377 = arith.addf %parallel_loop3A_375, %parallel_loop3A_376 : vector<16xf32>
        %parallel_loop3A_378 = arith.constant 1 : i32
        %parallel_loop3A_379 = arith.index_cast %parallel_loop3A_314 : i32 to index
        %parallel_loop3A_380 = arith.index_cast %parallel_loop3A_378 : i32 to index
        %parallel_loop3A_381 = arith.index_cast %parallel_loop3A_320 : i32 to index
        %parallel_loop3A_382 = tpu.vector_load %arg10[%parallel_loop3A_379, %parallel_loop3A_380, %parallel_loop3A_381] {strides = array<i32>} : memref<12x8x128xf32, #tpu.memory_space<vmem>>, vector<1x1x16xf32>,
        %parallel_loop3A_383 = vector.shape_cast %parallel_loop3A_382 : vector<1x1x16xf32> to vector<16xf32>
        %parallel_loop3A_384 = vector.shape_cast %parallel_loop3A_377 : vector<16xf32> to vector<1x1x16xf32>
        tpu.vector_store %arg10[%parallel_loop3A_379, %parallel_loop3A_380, %parallel_loop3A_381], %parallel_loop3A_384 {strides = array<i32>} : memref<12x8x128xf32, #tpu.memory_space<vmem>>, vector<1x1x16xf32>,
        %parallel_loop3A_385 = arith.mulf %parallel_loop3A_374, %parallel_loop3A_332 : vector<16xf32>
        %parallel_loop3A_386 = arith.constant 1 : i32
        %parallel_loop3A_387 = arith.index_cast %parallel_loop3A_314 : i32 to index
        %parallel_loop3A_388 = arith.index_cast %parallel_loop3A_386 : i32 to index
        %parallel_loop3A_389 = arith.index_cast %parallel_loop3A_320 : i32 to index
        %parallel_loop3A_390 = tpu.vector_load %arg11[%parallel_loop3A_387, %parallel_loop3A_388, %parallel_loop3A_389] {strides = array<i32>} : memref<12x8x128xf32, #tpu.memory_space<vmem>>, vector<1x1x16xf32>,
        %parallel_loop3A_391 = vector.shape_cast %parallel_loop3A_390 : vector<1x1x16xf32> to vector<16xf32>
        %parallel_loop3A_392 = vector.shape_cast %parallel_loop3A_385 : vector<16xf32> to vector<1x1x16xf32>
        tpu.vector_store %arg11[%parallel_loop3A_387, %parallel_loop3A_388, %parallel_loop3A_389], %parallel_loop3A_392 {strides = array<i32>} : memref<12x8x128xf32, #tpu.memory_space<vmem>>, vector<1x1x16xf32>,
        %parallel_loop3A_393 = arith.constant 2 : i32
        %parallel_loop3A_394 = arith.index_cast %parallel_loop3A_314 : i32 to index
        %parallel_loop3A_395 = arith.index_cast %parallel_loop3A_393 : i32 to index
        %parallel_loop3A_396 = arith.index_cast %parallel_loop3A_320 : i32 to index
        %parallel_loop3A_397 = tpu.vector_load %arg10[%parallel_loop3A_394, %parallel_loop3A_395, %parallel_loop3A_396] {strides = array<i32>} : memref<12x8x128xf32, #tpu.memory_space<vmem>>, vector<1x1x16xf32>,
        %parallel_loop3A_398 = vector.shape_cast %parallel_loop3A_397 : vector<1x1x16xf32> to vector<16xf32>
        %parallel_loop3A_399 = arith.constant 2 : i32
        %parallel_loop3A_400 = arith.index_cast %parallel_loop3A_314 : i32 to index
        %parallel_loop3A_401 = arith.index_cast %parallel_loop3A_399 : i32 to index
        %parallel_loop3A_402 = arith.index_cast %parallel_loop3A_320 : i32 to index
        %parallel_loop3A_403 = tpu.vector_load %arg11[%parallel_loop3A_400, %parallel_loop3A_401, %parallel_loop3A_402] {strides = array<i32>} : memref<12x8x128xf32, #tpu.memory_space<vmem>>, vector<1x1x16xf32>,
        %parallel_loop3A_404 = vector.shape_cast %parallel_loop3A_403 : vector<1x1x16xf32> to vector<16xf32>
        %parallel_loop3A_405 = arith.mulf %parallel_loop3A_398, %parallel_loop3A_324 : vector<16xf32>
        %parallel_loop3A_406 = arith.mulf %parallel_loop3A_404, %parallel_loop3A_328 : vector<16xf32>
        %parallel_loop3A_407 = arith.addf %parallel_loop3A_405, %parallel_loop3A_406 : vector<16xf32>
        %parallel_loop3A_408 = arith.constant 2 : i32
        %parallel_loop3A_409 = arith.index_cast %parallel_loop3A_314 : i32 to index
        %parallel_loop3A_410 = arith.index_cast %parallel_loop3A_408 : i32 to index
        %parallel_loop3A_411 = arith.index_cast %parallel_loop3A_320 : i32 to index
        %parallel_loop3A_412 = tpu.vector_load %arg10[%parallel_loop3A_409, %parallel_loop3A_410, %parallel_loop3A_411] {strides = array<i32>} : memref<12x8x128xf32, #tpu.memory_space<vmem>>, vector<1x1x16xf32>,
        %parallel_loop3A_413 = vector.shape_cast %parallel_loop3A_412 : vector<1x1x16xf32> to vector<16xf32>
        %parallel_loop3A_414 = vector.shape_cast %parallel_loop3A_407 : vector<16xf32> to vector<1x1x16xf32>
        tpu.vector_store %arg10[%parallel_loop3A_409, %parallel_loop3A_410, %parallel_loop3A_411], %parallel_loop3A_414 {strides = array<i32>} : memref<12x8x128xf32, #tpu.memory_space<vmem>>, vector<1x1x16xf32>,
        %parallel_loop3A_415 = arith.mulf %parallel_loop3A_404, %parallel_loop3A_332 : vector<16xf32>
        %parallel_loop3A_416 = arith.constant 2 : i32
        %parallel_loop3A_417 = arith.index_cast %parallel_loop3A_314 : i32 to index
        %parallel_loop3A_418 = arith.index_cast %parallel_loop3A_416 : i32 to index
        %parallel_loop3A_419 = arith.index_cast %parallel_loop3A_320 : i32 to index
        %parallel_loop3A_420 = tpu.vector_load %arg11[%parallel_loop3A_417, %parallel_loop3A_418, %parallel_loop3A_419] {strides = array<i32>} : memref<12x8x128xf32, #tpu.memory_space<vmem>>, vector<1x1x16xf32>,
        %parallel_loop3A_421 = vector.shape_cast %parallel_loop3A_420 : vector<1x1x16xf32> to vector<16xf32>
        %parallel_loop3A_422 = vector.shape_cast %parallel_loop3A_415 : vector<16xf32> to vector<1x1x16xf32>
        tpu.vector_store %arg11[%parallel_loop3A_417, %parallel_loop3A_418, %parallel_loop3A_419], %parallel_loop3A_422 {strides = array<i32>} : memref<12x8x128xf32, #tpu.memory_space<vmem>>, vector<1x1x16xf32>,
        %parallel_loop3A_423 = arith.constant 3 : i32
        %parallel_loop3A_424 = arith.index_cast %parallel_loop3A_314 : i32 to index
        %parallel_loop3A_425 = arith.index_cast %parallel_loop3A_423 : i32 to index
        %parallel_loop3A_426 = arith.index_cast %parallel_loop3A_320 : i32 to index
        %parallel_loop3A_427 = tpu.vector_load %arg10[%parallel_loop3A_424, %parallel_loop3A_425, %parallel_loop3A_426] {strides = array<i32>} : memref<12x8x128xf32, #tpu.memory_space<vmem>>, vector<1x1x16xf32>,
        %parallel_loop3A_428 = vector.shape_cast %parallel_loop3A_427 : vector<1x1x16xf32> to vector<16xf32>
        %parallel_loop3A_429 = arith.constant 3 : i32
        %parallel_loop3A_430 = arith.index_cast %parallel_loop3A_314 : i32 to index
        %parallel_loop3A_431 = arith.index_cast %parallel_loop3A_429 : i32 to index
        %parallel_loop3A_432 = arith.index_cast %parallel_loop3A_320 : i32 to index
        %parallel_loop3A_433 = tpu.vector_load %arg11[%parallel_loop3A_430, %parallel_loop3A_431, %parallel_loop3A_432] {strides = array<i32>} : memref<12x8x128xf32, #tpu.memory_space<vmem>>, vector<1x1x16xf32>,
        %parallel_loop3A_434 = vector.shape_cast %parallel_loop3A_433 : vector<1x1x16xf32> to vector<16xf32>
        %parallel_loop3A_435 = arith.mulf %parallel_loop3A_428, %parallel_loop3A_324 : vector<16xf32>
        %parallel_loop3A_436 = arith.mulf %parallel_loop3A_434, %parallel_loop3A_328 : vector<16xf32>
        %parallel_loop3A_437 = arith.addf %parallel_loop3A_435, %parallel_loop3A_436 : vector<16xf32>
        %parallel_loop3A_438 = arith.constant 3 : i32
        %parallel_loop3A_439 = arith.index_cast %parallel_loop3A_314 : i32 to index
        %parallel_loop3A_440 = arith.index_cast %parallel_loop3A_438 : i32 to index
        %parallel_loop3A_441 = arith.index_cast %parallel_loop3A_320 : i32 to index
        %parallel_loop3A_442 = tpu.vector_load %arg10[%parallel_loop3A_439, %parallel_loop3A_440, %parallel_loop3A_441] {strides = array<i32>} : memref<12x8x128xf32, #tpu.memory_space<vmem>>, vector<1x1x16xf32>,
        %parallel_loop3A_443 = vector.shape_cast %parallel_loop3A_442 : vector<1x1x16xf32> to vector<16xf32>
        %parallel_loop3A_444 = vector.shape_cast %parallel_loop3A_437 : vector<16xf32> to vector<1x1x16xf32>
        tpu.vector_store %arg10[%parallel_loop3A_439, %parallel_loop3A_440, %parallel_loop3A_441], %parallel_loop3A_444 {strides = array<i32>} : memref<12x8x128xf32, #tpu.memory_space<vmem>>, vector<1x1x16xf32>,
        %parallel_loop3A_445 = arith.mulf %parallel_loop3A_434, %parallel_loop3A_332 : vector<16xf32>
        %parallel_loop3A_446 = arith.constant 3 : i32
        %parallel_loop3A_447 = arith.index_cast %parallel_loop3A_314 : i32 to index
        %parallel_loop3A_448 = arith.index_cast %parallel_loop3A_446 : i32 to index
        %parallel_loop3A_449 = arith.index_cast %parallel_loop3A_320 : i32 to index
        %parallel_loop3A_450 = tpu.vector_load %arg11[%parallel_loop3A_447, %parallel_loop3A_448, %parallel_loop3A_449] {strides = array<i32>} : memref<12x8x128xf32, #tpu.memory_space<vmem>>, vector<1x1x16xf32>,
        %parallel_loop3A_451 = vector.shape_cast %parallel_loop3A_450 : vector<1x1x16xf32> to vector<16xf32>
        %parallel_loop3A_452 = vector.shape_cast %parallel_loop3A_445 : vector<16xf32> to vector<1x1x16xf32>
        tpu.vector_store %arg11[%parallel_loop3A_447, %parallel_loop3A_448, %parallel_loop3A_449], %parallel_loop3A_452 {strides = array<i32>} : memref<12x8x128xf32, #tpu.memory_space<vmem>>, vector<1x1x16xf32>,
        %parallel_loop3A_453 = arith.constant 4 : i32
        %parallel_loop3A_454 = arith.index_cast %parallel_loop3A_314 : i32 to index
        %parallel_loop3A_455 = arith.index_cast %parallel_loop3A_453 : i32 to index
        %parallel_loop3A_456 = arith.index_cast %parallel_loop3A_320 : i32 to index
        %parallel_loop3A_457 = tpu.vector_load %arg10[%parallel_loop3A_454, %parallel_loop3A_455, %parallel_loop3A_456] {strides = array<i32>} : memref<12x8x128xf32, #tpu.memory_space<vmem>>, vector<1x1x16xf32>,
        %parallel_loop3A_458 = vector.shape_cast %parallel_loop3A_457 : vector<1x1x16xf32> to vector<16xf32>
        %parallel_loop3A_459 = arith.constant 4 : i32
        %parallel_loop3A_460 = arith.index_cast %parallel_loop3A_314 : i32 to index
        %parallel_loop3A_461 = arith.index_cast %parallel_loop3A_459 : i32 to index
        %parallel_loop3A_462 = arith.index_cast %parallel_loop3A_320 : i32 to index
        %parallel_loop3A_463 = tpu.vector_load %arg11[%parallel_loop3A_460, %parallel_loop3A_461, %parallel_loop3A_462] {strides = array<i32>} : memref<12x8x128xf32, #tpu.memory_space<vmem>>, vector<1x1x16xf32>,
        %parallel_loop3A_464 = vector.shape_cast %parallel_loop3A_463 : vector<1x1x16xf32> to vector<16xf32>
        %parallel_loop3A_465 = arith.mulf %parallel_loop3A_458, %parallel_loop3A_324 : vector<16xf32>
        %parallel_loop3A_466 = arith.mulf %parallel_loop3A_464, %parallel_loop3A_328 : vector<16xf32>
        %parallel_loop3A_467 = arith.addf %parallel_loop3A_465, %parallel_loop3A_466 : vector<16xf32>
        %parallel_loop3A_468 = arith.constant 4 : i32
        %parallel_loop3A_469 = arith.index_cast %parallel_loop3A_314 : i32 to index
        %parallel_loop3A_470 = arith.index_cast %parallel_loop3A_468 : i32 to index
        %parallel_loop3A_471 = arith.index_cast %parallel_loop3A_320 : i32 to index
        %parallel_loop3A_472 = tpu.vector_load %arg10[%parallel_loop3A_469, %parallel_loop3A_470, %parallel_loop3A_471] {strides = array<i32>} : memref<12x8x128xf32, #tpu.memory_space<vmem>>, vector<1x1x16xf32>,
        %parallel_loop3A_473 = vector.shape_cast %parallel_loop3A_472 : vector<1x1x16xf32> to vector<16xf32>
        %parallel_loop3A_474 = vector.shape_cast %parallel_loop3A_467 : vector<16xf32> to vector<1x1x16xf32>
        tpu.vector_store %arg10[%parallel_loop3A_469, %parallel_loop3A_470, %parallel_loop3A_471], %parallel_loop3A_474 {strides = array<i32>} : memref<12x8x128xf32, #tpu.memory_space<vmem>>, vector<1x1x16xf32>,
        %parallel_loop3A_475 = arith.mulf %parallel_loop3A_464, %parallel_loop3A_332 : vector<16xf32>
        %parallel_loop3A_476 = arith.constant 4 : i32
        %parallel_loop3A_477 = arith.index_cast %parallel_loop3A_314 : i32 to index
        %parallel_loop3A_478 = arith.index_cast %parallel_loop3A_476 : i32 to index
        %parallel_loop3A_479 = arith.index_cast %parallel_loop3A_320 : i32 to index
        %parallel_loop3A_480 = tpu.vector_load %arg11[%parallel_loop3A_477, %parallel_loop3A_478, %parallel_loop3A_479] {strides = array<i32>} : memref<12x8x128xf32, #tpu.memory_space<vmem>>, vector<1x1x16xf32>,
        %parallel_loop3A_481 = vector.shape_cast %parallel_loop3A_480 : vector<1x1x16xf32> to vector<16xf32>
        %parallel_loop3A_482 = vector.shape_cast %parallel_loop3A_475 : vector<16xf32> to vector<1x1x16xf32>
        tpu.vector_store %arg11[%parallel_loop3A_477, %parallel_loop3A_478, %parallel_loop3A_479], %parallel_loop3A_482 {strides = array<i32>} : memref<12x8x128xf32, #tpu.memory_space<vmem>>, vector<1x1x16xf32>,
        %parallel_loop3A_483 = arith.constant 5 : i32
        %parallel_loop3A_484 = arith.index_cast %parallel_loop3A_314 : i32 to index
        %parallel_loop3A_485 = arith.index_cast %parallel_loop3A_483 : i32 to index
        %parallel_loop3A_486 = arith.index_cast %parallel_loop3A_320 : i32 to index
        %parallel_loop3A_487 = tpu.vector_load %arg10[%parallel_loop3A_484, %parallel_loop3A_485, %parallel_loop3A_486] {strides = array<i32>} : memref<12x8x128xf32, #tpu.memory_space<vmem>>, vector<1x1x16xf32>,
        %parallel_loop3A_488 = vector.shape_cast %parallel_loop3A_487 : vector<1x1x16xf32> to vector<16xf32>
        %parallel_loop3A_489 = arith.constant 5 : i32
        %parallel_loop3A_490 = arith.index_cast %parallel_loop3A_314 : i32 to index
        %parallel_loop3A_491 = arith.index_cast %parallel_loop3A_489 : i32 to index
        %parallel_loop3A_492 = arith.index_cast %parallel_loop3A_320 : i32 to index
        %parallel_loop3A_493 = tpu.vector_load %arg11[%parallel_loop3A_490, %parallel_loop3A_491, %parallel_loop3A_492] {strides = array<i32>} : memref<12x8x128xf32, #tpu.memory_space<vmem>>, vector<1x1x16xf32>,
        %parallel_loop3A_494 = vector.shape_cast %parallel_loop3A_493 : vector<1x1x16xf32> to vector<16xf32>
        %parallel_loop3A_495 = arith.mulf %parallel_loop3A_488, %parallel_loop3A_324 : vector<16xf32>
        %parallel_loop3A_496 = arith.mulf %parallel_loop3A_494, %parallel_loop3A_328 : vector<16xf32>
        %parallel_loop3A_497 = arith.addf %parallel_loop3A_495, %parallel_loop3A_496 : vector<16xf32>
        %parallel_loop3A_498 = arith.constant 5 : i32
        %parallel_loop3A_499 = arith.index_cast %parallel_loop3A_314 : i32 to index
        %parallel_loop3A_500 = arith.index_cast %parallel_loop3A_498 : i32 to index
        %parallel_loop3A_501 = arith.index_cast %parallel_loop3A_320 : i32 to index
        %parallel_loop3A_502 = tpu.vector_load %arg10[%parallel_loop3A_499, %parallel_loop3A_500, %parallel_loop3A_501] {strides = array<i32>} : memref<12x8x128xf32, #tpu.memory_space<vmem>>, vector<1x1x16xf32>,
        %parallel_loop3A_503 = vector.shape_cast %parallel_loop3A_502 : vector<1x1x16xf32> to vector<16xf32>
        %parallel_loop3A_504 = vector.shape_cast %parallel_loop3A_497 : vector<16xf32> to vector<1x1x16xf32>
        tpu.vector_store %arg10[%parallel_loop3A_499, %parallel_loop3A_500, %parallel_loop3A_501], %parallel_loop3A_504 {strides = array<i32>} : memref<12x8x128xf32, #tpu.memory_space<vmem>>, vector<1x1x16xf32>,
        %parallel_loop3A_505 = arith.mulf %parallel_loop3A_494, %parallel_loop3A_332 : vector<16xf32>
        %parallel_loop3A_506 = arith.constant 5 : i32
        %parallel_loop3A_507 = arith.index_cast %parallel_loop3A_314 : i32 to index
        %parallel_loop3A_508 = arith.index_cast %parallel_loop3A_506 : i32 to index
        %parallel_loop3A_509 = arith.index_cast %parallel_loop3A_320 : i32 to index
        %parallel_loop3A_510 = tpu.vector_load %arg11[%parallel_loop3A_507, %parallel_loop3A_508, %parallel_loop3A_509] {strides = array<i32>} : memref<12x8x128xf32, #tpu.memory_space<vmem>>, vector<1x1x16xf32>,
        %parallel_loop3A_511 = vector.shape_cast %parallel_loop3A_510 : vector<1x1x16xf32> to vector<16xf32>
        %parallel_loop3A_512 = vector.shape_cast %parallel_loop3A_505 : vector<16xf32> to vector<1x1x16xf32>
        tpu.vector_store %arg11[%parallel_loop3A_507, %parallel_loop3A_508, %parallel_loop3A_509], %parallel_loop3A_512 {strides = array<i32>} : memref<12x8x128xf32, #tpu.memory_space<vmem>>, vector<1x1x16xf32>,
        %parallel_loop3A_513 = arith.constant 6 : i32
        %parallel_loop3A_514 = arith.index_cast %parallel_loop3A_314 : i32 to index
        %parallel_loop3A_515 = arith.index_cast %parallel_loop3A_513 : i32 to index
        %parallel_loop3A_516 = arith.index_cast %parallel_loop3A_320 : i32 to index
        %parallel_loop3A_517 = tpu.vector_load %arg10[%parallel_loop3A_514, %parallel_loop3A_515, %parallel_loop3A_516] {strides = array<i32>} : memref<12x8x128xf32, #tpu.memory_space<vmem>>, vector<1x1x16xf32>,
        %parallel_loop3A_518 = vector.shape_cast %parallel_loop3A_517 : vector<1x1x16xf32> to vector<16xf32>
        %parallel_loop3A_519 = arith.constant 6 : i32
        %parallel_loop3A_520 = arith.index_cast %parallel_loop3A_314 : i32 to index
        %parallel_loop3A_521 = arith.index_cast %parallel_loop3A_519 : i32 to index
        %parallel_loop3A_522 = arith.index_cast %parallel_loop3A_320 : i32 to index
        %parallel_loop3A_523 = tpu.vector_load %arg11[%parallel_loop3A_520, %parallel_loop3A_521, %parallel_loop3A_522] {strides = array<i32>} : memref<12x8x128xf32, #tpu.memory_space<vmem>>, vector<1x1x16xf32>,
        %parallel_loop3A_524 = vector.shape_cast %parallel_loop3A_523 : vector<1x1x16xf32> to vector<16xf32>
        %parallel_loop3A_525 = arith.mulf %parallel_loop3A_518, %parallel_loop3A_324 : vector<16xf32>
        %parallel_loop3A_526 = arith.mulf %parallel_loop3A_524, %parallel_loop3A_328 : vector<16xf32>
        %parallel_loop3A_527 = arith.addf %parallel_loop3A_525, %parallel_loop3A_526 : vector<16xf32>
        %parallel_loop3A_528 = arith.constant 6 : i32
        %parallel_loop3A_529 = arith.index_cast %parallel_loop3A_314 : i32 to index
        %parallel_loop3A_530 = arith.index_cast %parallel_loop3A_528 : i32 to index
        %parallel_loop3A_531 = arith.index_cast %parallel_loop3A_320 : i32 to index
        %parallel_loop3A_532 = tpu.vector_load %arg10[%parallel_loop3A_529, %parallel_loop3A_530, %parallel_loop3A_531] {strides = array<i32>} : memref<12x8x128xf32, #tpu.memory_space<vmem>>, vector<1x1x16xf32>,
        %parallel_loop3A_533 = vector.shape_cast %parallel_loop3A_532 : vector<1x1x16xf32> to vector<16xf32>
        %parallel_loop3A_534 = vector.shape_cast %parallel_loop3A_527 : vector<16xf32> to vector<1x1x16xf32>
        tpu.vector_store %arg10[%parallel_loop3A_529, %parallel_loop3A_530, %parallel_loop3A_531], %parallel_loop3A_534 {strides = array<i32>} : memref<12x8x128xf32, #tpu.memory_space<vmem>>, vector<1x1x16xf32>,
        %parallel_loop3A_535 = arith.mulf %parallel_loop3A_524, %parallel_loop3A_332 : vector<16xf32>
        %parallel_loop3A_536 = arith.constant 6 : i32
        %parallel_loop3A_537 = arith.index_cast %parallel_loop3A_314 : i32 to index
        %parallel_loop3A_538 = arith.index_cast %parallel_loop3A_536 : i32 to index
        %parallel_loop3A_539 = arith.index_cast %parallel_loop3A_320 : i32 to index
        %parallel_loop3A_540 = tpu.vector_load %arg11[%parallel_loop3A_537, %parallel_loop3A_538, %parallel_loop3A_539] {strides = array<i32>} : memref<12x8x128xf32, #tpu.memory_space<vmem>>, vector<1x1x16xf32>,
        %parallel_loop3A_541 = vector.shape_cast %parallel_loop3A_540 : vector<1x1x16xf32> to vector<16xf32>
        %parallel_loop3A_542 = vector.shape_cast %parallel_loop3A_535 : vector<16xf32> to vector<1x1x16xf32>
        tpu.vector_store %arg11[%parallel_loop3A_537, %parallel_loop3A_538, %parallel_loop3A_539], %parallel_loop3A_542 {strides = array<i32>} : memref<12x8x128xf32, #tpu.memory_space<vmem>>, vector<1x1x16xf32>,
        %parallel_loop3A_543 = arith.constant 7 : i32
        %parallel_loop3A_544 = arith.index_cast %parallel_loop3A_314 : i32 to index
        %parallel_loop3A_545 = arith.index_cast %parallel_loop3A_543 : i32 to index
        %parallel_loop3A_546 = arith.index_cast %parallel_loop3A_320 : i32 to index
        %parallel_loop3A_547 = tpu.vector_load %arg10[%parallel_loop3A_544, %parallel_loop3A_545, %parallel_loop3A_546] {strides = array<i32>} : memref<12x8x128xf32, #tpu.memory_space<vmem>>, vector<1x1x16xf32>,
        %parallel_loop3A_548 = vector.shape_cast %parallel_loop3A_547 : vector<1x1x16xf32> to vector<16xf32>
        %parallel_loop3A_549 = arith.constant 7 : i32
        %parallel_loop3A_550 = arith.index_cast %parallel_loop3A_314 : i32 to index
        %parallel_loop3A_551 = arith.index_cast %parallel_loop3A_549 : i32 to index
        %parallel_loop3A_552 = arith.index_cast %parallel_loop3A_320 : i32 to index
        %parallel_loop3A_553 = tpu.vector_load %arg11[%parallel_loop3A_550, %parallel_loop3A_551, %parallel_loop3A_552] {strides = array<i32>} : memref<12x8x128xf32, #tpu.memory_space<vmem>>, vector<1x1x16xf32>,
        %parallel_loop3A_554 = vector.shape_cast %parallel_loop3A_553 : vector<1x1x16xf32> to vector<16xf32>
        %parallel_loop3A_555 = arith.mulf %parallel_loop3A_548, %parallel_loop3A_324 : vector<16xf32>
        %parallel_loop3A_556 = arith.mulf %parallel_loop3A_554, %parallel_loop3A_328 : vector<16xf32>
        %parallel_loop3A_557 = arith.addf %parallel_loop3A_555, %parallel_loop3A_556 : vector<16xf32>
        %parallel_loop3A_558 = arith.constant 7 : i32
        %parallel_loop3A_559 = arith.index_cast %parallel_loop3A_314 : i32 to index
        %parallel_loop3A_560 = arith.index_cast %parallel_loop3A_558 : i32 to index
        %parallel_loop3A_561 = arith.index_cast %parallel_loop3A_320 : i32 to index
        %parallel_loop3A_562 = tpu.vector_load %arg10[%parallel_loop3A_559, %parallel_loop3A_560, %parallel_loop3A_561] {strides = array<i32>} : memref<12x8x128xf32, #tpu.memory_space<vmem>>, vector<1x1x16xf32>,
        %parallel_loop3A_563 = vector.shape_cast %parallel_loop3A_562 : vector<1x1x16xf32> to vector<16xf32>
        %parallel_loop3A_564 = vector.shape_cast %parallel_loop3A_557 : vector<16xf32> to vector<1x1x16xf32>
        tpu.vector_store %arg10[%parallel_loop3A_559, %parallel_loop3A_560, %parallel_loop3A_561], %parallel_loop3A_564 {strides = array<i32>} : memref<12x8x128xf32, #tpu.memory_space<vmem>>, vector<1x1x16xf32>,
        %parallel_loop3A_565 = arith.mulf %parallel_loop3A_554, %parallel_loop3A_332 : vector<16xf32>
        %parallel_loop3A_566 = arith.constant 7 : i32
        %parallel_loop3A_567 = arith.index_cast %parallel_loop3A_314 : i32 to index
        %parallel_loop3A_568 = arith.index_cast %parallel_loop3A_566 : i32 to index
        %parallel_loop3A_569 = arith.index_cast %parallel_loop3A_320 : i32 to index
        %parallel_loop3A_570 = tpu.vector_load %arg11[%parallel_loop3A_567, %parallel_loop3A_568, %parallel_loop3A_569] {strides = array<i32>} : memref<12x8x128xf32, #tpu.memory_space<vmem>>, vector<1x1x16xf32>,
        %parallel_loop3A_571 = vector.shape_cast %parallel_loop3A_570 : vector<1x1x16xf32> to vector<16xf32>
        %parallel_loop3A_572 = vector.shape_cast %parallel_loop3A_565 : vector<16xf32> to vector<1x1x16xf32>
        tpu.vector_store %arg11[%parallel_loop3A_567, %parallel_loop3A_568, %parallel_loop3A_569], %parallel_loop3A_572 {strides = array<i32>} : memref<12x8x128xf32, #tpu.memory_space<vmem>>, vector<1x1x16xf32>,
      } {sc.loop_unroll_factor = 4 : i64, sc.parallel_access}
      %mul3A_157 = arith.constant 12 : i32
      %mul3A_158 = arith.muli %add3A_142, %mul3A_157 : i32
      %add3A_159 = arith.addi %add3A_37, %mul3A_158 : i32
      %dma_start3A_160 = arith.constant 0 : i32
      %dma_start3A_161 = arith.constant 0 : i32
      %dma_start3A_162 = tpu.memref_slice %arg6[%add3A_159, %dma_start3A_160, %dma_start3A_161] : memref<12288x8x128xf32, #tpu.memory_space<hbm>> -> memref<12x8x128xf32, #tpu.memory_space<hbm>>
      %dma_start3A_163 = arith.constant 0 : i32
      %dma_start3A_164 = arith.constant 0 : i32
      %dma_start3A_165 = tpu.memref_slice %arg6[%add3A_159, %dma_start3A_163, %dma_start3A_164] : memref<12288x8x128xf32, #tpu.memory_space<hbm>> -> memref<12x8x128xf32, #tpu.memory_space<hbm>>
      tpu.enqueue_dma source(%arg10 : memref<12x8x128xf32, #tpu.memory_space<vmem>>) target(%dma_start3A_165 : memref<12x8x128xf32, #tpu.memory_space<hbm>>) target_semaphore(%arg22 : memref<!tpu.dma_semaphore, #tpu.memory_space<semaphore_mem>>)
      %add3A_166 = arith.addi %add3A_39, %mul3A_158 : i32
      %dma_start3A_167 = arith.constant 0 : i32
      %dma_start3A_168 = arith.constant 0 : i32
      %dma_start3A_169 = tpu.memref_slice %arg6[%add3A_166, %dma_start3A_167, %dma_start3A_168] : memref<12288x8x128xf32, #tpu.memory_space<hbm>> -> memref<12x8x128xf32, #tpu.memory_space<hbm>>
      %dma_start3A_170 = arith.constant 0 : i32
      %dma_start3A_171 = arith.constant 0 : i32
      %dma_start3A_172 = tpu.memref_slice %arg6[%add3A_166, %dma_start3A_170, %dma_start3A_171] : memref<12288x8x128xf32, #tpu.memory_space<hbm>> -> memref<12x8x128xf32, #tpu.memory_space<hbm>>
      tpu.enqueue_dma source(%arg11 : memref<12x8x128xf32, #tpu.memory_space<vmem>>) target(%dma_start3A_172 : memref<12x8x128xf32, #tpu.memory_space<hbm>>) target_semaphore(%arg22 : memref<!tpu.dma_semaphore, #tpu.memory_space<semaphore_mem>>)
      %eq3A_173 = arith.constant 0 : i32
      %eq3A_174 = arith.cmpi eq, %scan3A_138, %eq3A_173 : i32
      %convert_element_type3A = arith.extui %eq3A_174 : i1 to i32
      %cond3A = arith.constant 0 : i32
      %cond3A_175 = arith.cmpi ne, %convert_element_type3A, %cond3A : i32
      scf.if %cond3A_175 {
        %add3A_312 = arith.constant 36 : i32
        %add3A_313 = arith.addi %add3A_37, %add3A_312 : i32
        %dma_start3A_314 = arith.constant 0 : i32
        %dma_start3A_315 = arith.constant 0 : i32
        %dma_start3A_316 = tpu.memref_slice %arg2[%add3A_313, %dma_start3A_314, %dma_start3A_315] : memref<12288x8x128xf32, #tpu.memory_space<hbm>> -> memref<12x8x128xf32, #tpu.memory_space<hbm>>
        %dma_start3A_317 = arith.constant 0 : i32
        %dma_start3A_318 = arith.constant 0 : i32
        %dma_start3A_319 = tpu.memref_slice %arg2[%add3A_313, %dma_start3A_317, %dma_start3A_318] : memref<12288x8x128xf32, #tpu.memory_space<hbm>> -> memref<12x8x128xf32, #tpu.memory_space<hbm>>
        tpu.enqueue_dma source(%dma_start3A_319 : memref<12x8x128xf32, #tpu.memory_space<hbm>>) target(%arg16 : memref<12x8x128xf32, #tpu.memory_space<vmem>>) target_semaphore(%arg21 : memref<!tpu.dma_semaphore, #tpu.memory_space<semaphore_mem>>)
        %add3A_320 = arith.constant 36 : i32
        %add3A_321 = arith.addi %add3A_39, %add3A_320 : i32
        %dma_start3A_322 = arith.constant 0 : i32
        %dma_start3A_323 = arith.constant 0 : i32
        %dma_start3A_324 = tpu.memref_slice %arg2[%add3A_321, %dma_start3A_322, %dma_start3A_323] : memref<12288x8x128xf32, #tpu.memory_space<hbm>> -> memref<12x8x128xf32, #tpu.memory_space<hbm>>
        %dma_start3A_325 = arith.constant 0 : i32
        %dma_start3A_326 = arith.constant 0 : i32
        %dma_start3A_327 = tpu.memref_slice %arg2[%add3A_321, %dma_start3A_325, %dma_start3A_326] : memref<12288x8x128xf32, #tpu.memory_space<hbm>> -> memref<12x8x128xf32, #tpu.memory_space<hbm>>
        tpu.enqueue_dma source(%dma_start3A_327 : memref<12x8x128xf32, #tpu.memory_space<hbm>>) target(%arg17 : memref<12x8x128xf32, #tpu.memory_space<vmem>>) target_semaphore(%arg21 : memref<!tpu.dma_semaphore, #tpu.memory_space<semaphore_mem>>)
      } else {
      }
      %gt3A = arith.constant 0 : i32
      %gt3A_176 = arith.cmpi sgt, %scan3A_138, %gt3A : i32
      %convert_element_type3A_177 = arith.extui %gt3A_176 : i1 to i32
      %cond3A_178 = arith.constant 0 : i32
      %cond3A_179 = arith.cmpi ne, %convert_element_type3A_177, %cond3A_178 : i32
      scf.if %cond3A_179 {
        %dma_wait3A_312 = arith.constant 0 : i32
        %dma_wait3A_313 = arith.constant 0 : i32
        %dma_wait3A_314 = tpu.memref_slice %arg6[%add3A_37, %dma_wait3A_312, %dma_wait3A_313] : memref<12288x8x128xf32, #tpu.memory_space<hbm>> -> memref<12x8x128xf32, #tpu.memory_space<hbm>>
        %dma_wait3A_315 = arith.constant 0 : i32
        %dma_wait3A_316 = arith.constant 0 : i32
        %dma_wait3A_317 = tpu.memref_slice %arg6[%add3A_37, %dma_wait3A_315, %dma_wait3A_316] : memref<12288x8x128xf32, #tpu.memory_space<hbm>> -> memref<12x8x128xf32, #tpu.memory_space<hbm>>
        tpu.wait_dma2 semaphore(%arg25 : memref<!tpu.dma_semaphore, #tpu.memory_space<semaphore_mem>>) src(%arg16 : memref<12x8x128xf32, #tpu.memory_space<vmem>>) dst(%dma_wait3A_317 : memref<12x8x128xf32, #tpu.memory_space<hbm>>)
        %dma_wait3A_318 = arith.constant 0 : i32
        %dma_wait3A_319 = arith.constant 0 : i32
        %dma_wait3A_320 = tpu.memref_slice %arg6[%add3A_39, %dma_wait3A_318, %dma_wait3A_319] : memref<12288x8x128xf32, #tpu.memory_space<hbm>> -> memref<12x8x128xf32, #tpu.memory_space<hbm>>
        %dma_wait3A_321 = arith.constant 0 : i32
        %dma_wait3A_322 = arith.constant 0 : i32
        %dma_wait3A_323 = tpu.memref_slice %arg6[%add3A_39, %dma_wait3A_321, %dma_wait3A_322] : memref<12288x8x128xf32, #tpu.memory_space<hbm>> -> memref<12x8x128xf32, #tpu.memory_space<hbm>>
        tpu.wait_dma2 semaphore(%arg25 : memref<!tpu.dma_semaphore, #tpu.memory_space<semaphore_mem>>) src(%arg17 : memref<12x8x128xf32, #tpu.memory_space<vmem>>) dst(%dma_wait3A_323 : memref<12x8x128xf32, #tpu.memory_space<hbm>>)
        %add3A_324 = arith.constant 4 : i32
        %add3A_325 = arith.addi %add3A_142, %add3A_324 : i32
        %sub3A_326 = arith.constant 1 : i32
        %sub3A_327 = arith.subi %add3A_325, %sub3A_326 : i32
        %mul3A_328 = arith.constant 12 : i32
        %mul3A_329 = arith.muli %sub3A_327, %mul3A_328 : i32
        %add3A_330 = arith.addi %add3A_37, %mul3A_329 : i32
        %dma_start3A_331 = arith.constant 0 : i32
        %dma_start3A_332 = arith.constant 0 : i32
        %dma_start3A_333 = tpu.memref_slice %arg2[%add3A_330, %dma_start3A_331, %dma_start3A_332] : memref<12288x8x128xf32, #tpu.memory_space<hbm>> -> memref<12x8x128xf32, #tpu.memory_space<hbm>>
        %dma_start3A_334 = arith.constant 0 : i32
        %dma_start3A_335 = arith.constant 0 : i32
        %dma_start3A_336 = tpu.memref_slice %arg2[%add3A_330, %dma_start3A_334, %dma_start3A_335] : memref<12288x8x128xf32, #tpu.memory_space<hbm>> -> memref<12x8x128xf32, #tpu.memory_space<hbm>>
        tpu.enqueue_dma source(%dma_start3A_336 : memref<12x8x128xf32, #tpu.memory_space<hbm>>) target(%arg16 : memref<12x8x128xf32, #tpu.memory_space<vmem>>) target_semaphore(%arg21 : memref<!tpu.dma_semaphore, #tpu.memory_space<semaphore_mem>>)
        %add3A_337 = arith.addi %add3A_39, %mul3A_329 : i32
        %dma_start3A_338 = arith.constant 0 : i32
        %dma_start3A_339 = arith.constant 0 : i32
        %dma_start3A_340 = tpu.memref_slice %arg2[%add3A_337, %dma_start3A_338, %dma_start3A_339] : memref<12288x8x128xf32, #tpu.memory_space<hbm>> -> memref<12x8x128xf32, #tpu.memory_space<hbm>>
        %dma_start3A_341 = arith.constant 0 : i32
        %dma_start3A_342 = arith.constant 0 : i32
        %dma_start3A_343 = tpu.memref_slice %arg2[%add3A_337, %dma_start3A_341, %dma_start3A_342] : memref<12288x8x128xf32, #tpu.memory_space<hbm>> -> memref<12x8x128xf32, #tpu.memory_space<hbm>>
        tpu.enqueue_dma source(%dma_start3A_343 : memref<12x8x128xf32, #tpu.memory_space<hbm>>) target(%arg17 : memref<12x8x128xf32, #tpu.memory_space<vmem>>) target_semaphore(%arg21 : memref<!tpu.dma_semaphore, #tpu.memory_space<semaphore_mem>>)
      } else {
      }
      %mul3A_180 = arith.constant 4 : i32
      %mul3A_181 = arith.muli %scan3A_138, %mul3A_180 : i32
      %add3A_182 = arith.constant 1 : i32
      %add3A_183 = arith.addi %mul3A_181, %add3A_182 : i32
      %dma_wait3A_184 = arith.constant 0 : i32
      %dma_wait3A_185 = arith.constant 0 : i32
      %dma_wait3A_186 = tpu.memref_slice %arg2[%add3A_37, %dma_wait3A_184, %dma_wait3A_185] : memref<12288x8x128xf32, #tpu.memory_space<hbm>> -> memref<12x8x128xf32, #tpu.memory_space<hbm>>
      %dma_wait3A_187 = arith.constant 0 : i32
      %dma_wait3A_188 = arith.constant 0 : i32
      %dma_wait3A_189 = tpu.memref_slice %arg2[%add3A_37, %dma_wait3A_187, %dma_wait3A_188] : memref<12288x8x128xf32, #tpu.memory_space<hbm>> -> memref<12x8x128xf32, #tpu.memory_space<hbm>>
      tpu.wait_dma2 semaphore(%arg19 : memref<!tpu.dma_semaphore, #tpu.memory_space<semaphore_mem>>) src(%dma_wait3A_189 : memref<12x8x128xf32, #tpu.memory_space<hbm>>) dst(%arg12 : memref<12x8x128xf32, #tpu.memory_space<vmem>>)
      %dma_wait3A_190 = arith.constant 0 : i32
      %dma_wait3A_191 = arith.constant 0 : i32
      %dma_wait3A_192 = tpu.memref_slice %arg2[%add3A_39, %dma_wait3A_190, %dma_wait3A_191] : memref<12288x8x128xf32, #tpu.memory_space<hbm>> -> memref<12x8x128xf32, #tpu.memory_space<hbm>>
      %dma_wait3A_193 = arith.constant 0 : i32
      %dma_wait3A_194 = arith.constant 0 : i32
      %dma_wait3A_195 = tpu.memref_slice %arg2[%add3A_39, %dma_wait3A_193, %dma_wait3A_194] : memref<12288x8x128xf32, #tpu.memory_space<hbm>> -> memref<12x8x128xf32, #tpu.memory_space<hbm>>
      tpu.wait_dma2 semaphore(%arg19 : memref<!tpu.dma_semaphore, #tpu.memory_space<semaphore_mem>>) src(%dma_wait3A_195 : memref<12x8x128xf32, #tpu.memory_space<hbm>>) dst(%arg13 : memref<12x8x128xf32, #tpu.memory_space<vmem>>)
      %parallel_loop3A_196 = arith.constant 0 : i32
      %parallel_loop3A_197 = arith.constant 96 : i32
      %parallel_loop3A_198 = arith.constant 1 : i32
      scf.for %parallel_loop3A_312 = %parallel_loop3A_196 to %parallel_loop3A_197 step %parallel_loop3A_198  : i32 {
        %parallel_loop3A_313 = arith.constant 8 : i32
        %parallel_loop3A_314 = arith.divsi %parallel_loop3A_312, %parallel_loop3A_313 : i32
        %parallel_loop3A_315 = arith.constant 8 : i32
        %parallel_loop3A_316 = arith.remsi %parallel_loop3A_312, %parallel_loop3A_315 : i32
        %parallel_loop3A_317 = arith.constant 6 : i32
        %parallel_loop3A_318 = arith.remsi %parallel_loop3A_314, %parallel_loop3A_317 : i32
        %parallel_loop3A_319 = arith.constant 16 : i32
        %parallel_loop3A_320 = arith.muli %parallel_loop3A_316, %parallel_loop3A_319 : i32
        %parallel_loop3A_321 = arith.index_cast %parallel_loop3A_318 : i32 to index
        %parallel_loop3A_322 = arith.index_cast %parallel_loop3A_320 : i32 to index
        %parallel_loop3A_323 = tpu.vector_load %arg7[%parallel_loop3A_321, %parallel_loop3A_322] {strides = array<i32>} : memref<6x128xf32, #tpu.memory_space<vmem>>, vector<1x16xf32>,
        %parallel_loop3A_324 = vector.shape_cast %parallel_loop3A_323 : vector<1x16xf32> to vector<16xf32>
        %parallel_loop3A_325 = arith.index_cast %parallel_loop3A_318 : i32 to index
        %parallel_loop3A_326 = arith.index_cast %parallel_loop3A_320 : i32 to index
        %parallel_loop3A_327 = tpu.vector_load %arg8[%parallel_loop3A_325, %parallel_loop3A_326] {strides = array<i32>} : memref<6x128xf32, #tpu.memory_space<vmem>>, vector<1x16xf32>,
        %parallel_loop3A_328 = vector.shape_cast %parallel_loop3A_327 : vector<1x16xf32> to vector<16xf32>
        %parallel_loop3A_329 = arith.index_cast %parallel_loop3A_318 : i32 to index
        %parallel_loop3A_330 = arith.index_cast %parallel_loop3A_320 : i32 to index
        %parallel_loop3A_331 = tpu.vector_load %arg9[%parallel_loop3A_329, %parallel_loop3A_330] {strides = array<i32>} : memref<6x128xf32, #tpu.memory_space<vmem>>, vector<1x16xf32>,
        %parallel_loop3A_332 = vector.shape_cast %parallel_loop3A_331 : vector<1x16xf32> to vector<16xf32>
        %parallel_loop3A_333 = arith.constant 0 : i32
        %parallel_loop3A_334 = arith.index_cast %parallel_loop3A_314 : i32 to index
        %parallel_loop3A_335 = arith.index_cast %parallel_loop3A_333 : i32 to index
        %parallel_loop3A_336 = arith.index_cast %parallel_loop3A_320 : i32 to index
        %parallel_loop3A_337 = tpu.vector_load %arg12[%parallel_loop3A_334, %parallel_loop3A_335, %parallel_loop3A_336] {strides = array<i32>} : memref<12x8x128xf32, #tpu.memory_space<vmem>>, vector<1x1x16xf32>,
        %parallel_loop3A_338 = vector.shape_cast %parallel_loop3A_337 : vector<1x1x16xf32> to vector<16xf32>
        %parallel_loop3A_339 = arith.constant 0 : i32
        %parallel_loop3A_340 = arith.index_cast %parallel_loop3A_314 : i32 to index
        %parallel_loop3A_341 = arith.index_cast %parallel_loop3A_339 : i32 to index
        %parallel_loop3A_342 = arith.index_cast %parallel_loop3A_320 : i32 to index
        %parallel_loop3A_343 = tpu.vector_load %arg13[%parallel_loop3A_340, %parallel_loop3A_341, %parallel_loop3A_342] {strides = array<i32>} : memref<12x8x128xf32, #tpu.memory_space<vmem>>, vector<1x1x16xf32>,
        %parallel_loop3A_344 = vector.shape_cast %parallel_loop3A_343 : vector<1x1x16xf32> to vector<16xf32>
        %parallel_loop3A_345 = arith.mulf %parallel_loop3A_338, %parallel_loop3A_324 : vector<16xf32>
        %parallel_loop3A_346 = arith.mulf %parallel_loop3A_344, %parallel_loop3A_328 : vector<16xf32>
        %parallel_loop3A_347 = arith.addf %parallel_loop3A_345, %parallel_loop3A_346 : vector<16xf32>
        %parallel_loop3A_348 = arith.constant 0 : i32
        %parallel_loop3A_349 = arith.index_cast %parallel_loop3A_314 : i32 to index
        %parallel_loop3A_350 = arith.index_cast %parallel_loop3A_348 : i32 to index
        %parallel_loop3A_351 = arith.index_cast %parallel_loop3A_320 : i32 to index
        %parallel_loop3A_352 = tpu.vector_load %arg12[%parallel_loop3A_349, %parallel_loop3A_350, %parallel_loop3A_351] {strides = array<i32>} : memref<12x8x128xf32, #tpu.memory_space<vmem>>, vector<1x1x16xf32>,
        %parallel_loop3A_353 = vector.shape_cast %parallel_loop3A_352 : vector<1x1x16xf32> to vector<16xf32>
        %parallel_loop3A_354 = vector.shape_cast %parallel_loop3A_347 : vector<16xf32> to vector<1x1x16xf32>
        tpu.vector_store %arg12[%parallel_loop3A_349, %parallel_loop3A_350, %parallel_loop3A_351], %parallel_loop3A_354 {strides = array<i32>} : memref<12x8x128xf32, #tpu.memory_space<vmem>>, vector<1x1x16xf32>,
        %parallel_loop3A_355 = arith.mulf %parallel_loop3A_344, %parallel_loop3A_332 : vector<16xf32>
        %parallel_loop3A_356 = arith.constant 0 : i32
        %parallel_loop3A_357 = arith.index_cast %parallel_loop3A_314 : i32 to index
        %parallel_loop3A_358 = arith.index_cast %parallel_loop3A_356 : i32 to index
        %parallel_loop3A_359 = arith.index_cast %parallel_loop3A_320 : i32 to index
        %parallel_loop3A_360 = tpu.vector_load %arg13[%parallel_loop3A_357, %parallel_loop3A_358, %parallel_loop3A_359] {strides = array<i32>} : memref<12x8x128xf32, #tpu.memory_space<vmem>>, vector<1x1x16xf32>,
        %parallel_loop3A_361 = vector.shape_cast %parallel_loop3A_360 : vector<1x1x16xf32> to vector<16xf32>
        %parallel_loop3A_362 = vector.shape_cast %parallel_loop3A_355 : vector<16xf32> to vector<1x1x16xf32>
        tpu.vector_store %arg13[%parallel_loop3A_357, %parallel_loop3A_358, %parallel_loop3A_359], %parallel_loop3A_362 {strides = array<i32>} : memref<12x8x128xf32, #tpu.memory_space<vmem>>, vector<1x1x16xf32>,
        %parallel_loop3A_363 = arith.constant 1 : i32
        %parallel_loop3A_364 = arith.index_cast %parallel_loop3A_314 : i32 to index
        %parallel_loop3A_365 = arith.index_cast %parallel_loop3A_363 : i32 to index
        %parallel_loop3A_366 = arith.index_cast %parallel_loop3A_320 : i32 to index
        %parallel_loop3A_367 = tpu.vector_load %arg12[%parallel_loop3A_364, %parallel_loop3A_365, %parallel_loop3A_366] {strides = array<i32>} : memref<12x8x128xf32, #tpu.memory_space<vmem>>, vector<1x1x16xf32>,
        %parallel_loop3A_368 = vector.shape_cast %parallel_loop3A_367 : vector<1x1x16xf32> to vector<16xf32>
        %parallel_loop3A_369 = arith.constant 1 : i32
        %parallel_loop3A_370 = arith.index_cast %parallel_loop3A_314 : i32 to index
        %parallel_loop3A_371 = arith.index_cast %parallel_loop3A_369 : i32 to index
        %parallel_loop3A_372 = arith.index_cast %parallel_loop3A_320 : i32 to index
        %parallel_loop3A_373 = tpu.vector_load %arg13[%parallel_loop3A_370, %parallel_loop3A_371, %parallel_loop3A_372] {strides = array<i32>} : memref<12x8x128xf32, #tpu.memory_space<vmem>>, vector<1x1x16xf32>,
        %parallel_loop3A_374 = vector.shape_cast %parallel_loop3A_373 : vector<1x1x16xf32> to vector<16xf32>
        %parallel_loop3A_375 = arith.mulf %parallel_loop3A_368, %parallel_loop3A_324 : vector<16xf32>
        %parallel_loop3A_376 = arith.mulf %parallel_loop3A_374, %parallel_loop3A_328 : vector<16xf32>
        %parallel_loop3A_377 = arith.addf %parallel_loop3A_375, %parallel_loop3A_376 : vector<16xf32>
        %parallel_loop3A_378 = arith.constant 1 : i32
        %parallel_loop3A_379 = arith.index_cast %parallel_loop3A_314 : i32 to index
        %parallel_loop3A_380 = arith.index_cast %parallel_loop3A_378 : i32 to index
        %parallel_loop3A_381 = arith.index_cast %parallel_loop3A_320 : i32 to index
        %parallel_loop3A_382 = tpu.vector_load %arg12[%parallel_loop3A_379, %parallel_loop3A_380, %parallel_loop3A_381] {strides = array<i32>} : memref<12x8x128xf32, #tpu.memory_space<vmem>>, vector<1x1x16xf32>,
        %parallel_loop3A_383 = vector.shape_cast %parallel_loop3A_382 : vector<1x1x16xf32> to vector<16xf32>
        %parallel_loop3A_384 = vector.shape_cast %parallel_loop3A_377 : vector<16xf32> to vector<1x1x16xf32>
        tpu.vector_store %arg12[%parallel_loop3A_379, %parallel_loop3A_380, %parallel_loop3A_381], %parallel_loop3A_384 {strides = array<i32>} : memref<12x8x128xf32, #tpu.memory_space<vmem>>, vector<1x1x16xf32>,
        %parallel_loop3A_385 = arith.mulf %parallel_loop3A_374, %parallel_loop3A_332 : vector<16xf32>
        %parallel_loop3A_386 = arith.constant 1 : i32
        %parallel_loop3A_387 = arith.index_cast %parallel_loop3A_314 : i32 to index
        %parallel_loop3A_388 = arith.index_cast %parallel_loop3A_386 : i32 to index
        %parallel_loop3A_389 = arith.index_cast %parallel_loop3A_320 : i32 to index
        %parallel_loop3A_390 = tpu.vector_load %arg13[%parallel_loop3A_387, %parallel_loop3A_388, %parallel_loop3A_389] {strides = array<i32>} : memref<12x8x128xf32, #tpu.memory_space<vmem>>, vector<1x1x16xf32>,
        %parallel_loop3A_391 = vector.shape_cast %parallel_loop3A_390 : vector<1x1x16xf32> to vector<16xf32>
        %parallel_loop3A_392 = vector.shape_cast %parallel_loop3A_385 : vector<16xf32> to vector<1x1x16xf32>
        tpu.vector_store %arg13[%parallel_loop3A_387, %parallel_loop3A_388, %parallel_loop3A_389], %parallel_loop3A_392 {strides = array<i32>} : memref<12x8x128xf32, #tpu.memory_space<vmem>>, vector<1x1x16xf32>,
        %parallel_loop3A_393 = arith.constant 2 : i32
        %parallel_loop3A_394 = arith.index_cast %parallel_loop3A_314 : i32 to index
        %parallel_loop3A_395 = arith.index_cast %parallel_loop3A_393 : i32 to index
        %parallel_loop3A_396 = arith.index_cast %parallel_loop3A_320 : i32 to index
        %parallel_loop3A_397 = tpu.vector_load %arg12[%parallel_loop3A_394, %parallel_loop3A_395, %parallel_loop3A_396] {strides = array<i32>} : memref<12x8x128xf32, #tpu.memory_space<vmem>>, vector<1x1x16xf32>,
        %parallel_loop3A_398 = vector.shape_cast %parallel_loop3A_397 : vector<1x1x16xf32> to vector<16xf32>
        %parallel_loop3A_399 = arith.constant 2 : i32
        %parallel_loop3A_400 = arith.index_cast %parallel_loop3A_314 : i32 to index
        %parallel_loop3A_401 = arith.index_cast %parallel_loop3A_399 : i32 to index
        %parallel_loop3A_402 = arith.index_cast %parallel_loop3A_320 : i32 to index
        %parallel_loop3A_403 = tpu.vector_load %arg13[%parallel_loop3A_400, %parallel_loop3A_401, %parallel_loop3A_402] {strides = array<i32>} : memref<12x8x128xf32, #tpu.memory_space<vmem>>, vector<1x1x16xf32>,
        %parallel_loop3A_404 = vector.shape_cast %parallel_loop3A_403 : vector<1x1x16xf32> to vector<16xf32>
        %parallel_loop3A_405 = arith.mulf %parallel_loop3A_398, %parallel_loop3A_324 : vector<16xf32>
        %parallel_loop3A_406 = arith.mulf %parallel_loop3A_404, %parallel_loop3A_328 : vector<16xf32>
        %parallel_loop3A_407 = arith.addf %parallel_loop3A_405, %parallel_loop3A_406 : vector<16xf32>
        %parallel_loop3A_408 = arith.constant 2 : i32
        %parallel_loop3A_409 = arith.index_cast %parallel_loop3A_314 : i32 to index
        %parallel_loop3A_410 = arith.index_cast %parallel_loop3A_408 : i32 to index
        %parallel_loop3A_411 = arith.index_cast %parallel_loop3A_320 : i32 to index
        %parallel_loop3A_412 = tpu.vector_load %arg12[%parallel_loop3A_409, %parallel_loop3A_410, %parallel_loop3A_411] {strides = array<i32>} : memref<12x8x128xf32, #tpu.memory_space<vmem>>, vector<1x1x16xf32>,
        %parallel_loop3A_413 = vector.shape_cast %parallel_loop3A_412 : vector<1x1x16xf32> to vector<16xf32>
        %parallel_loop3A_414 = vector.shape_cast %parallel_loop3A_407 : vector<16xf32> to vector<1x1x16xf32>
        tpu.vector_store %arg12[%parallel_loop3A_409, %parallel_loop3A_410, %parallel_loop3A_411], %parallel_loop3A_414 {strides = array<i32>} : memref<12x8x128xf32, #tpu.memory_space<vmem>>, vector<1x1x16xf32>,
        %parallel_loop3A_415 = arith.mulf %parallel_loop3A_404, %parallel_loop3A_332 : vector<16xf32>
        %parallel_loop3A_416 = arith.constant 2 : i32
        %parallel_loop3A_417 = arith.index_cast %parallel_loop3A_314 : i32 to index
        %parallel_loop3A_418 = arith.index_cast %parallel_loop3A_416 : i32 to index
        %parallel_loop3A_419 = arith.index_cast %parallel_loop3A_320 : i32 to index
        %parallel_loop3A_420 = tpu.vector_load %arg13[%parallel_loop3A_417, %parallel_loop3A_418, %parallel_loop3A_419] {strides = array<i32>} : memref<12x8x128xf32, #tpu.memory_space<vmem>>, vector<1x1x16xf32>,
        %parallel_loop3A_421 = vector.shape_cast %parallel_loop3A_420 : vector<1x1x16xf32> to vector<16xf32>
        %parallel_loop3A_422 = vector.shape_cast %parallel_loop3A_415 : vector<16xf32> to vector<1x1x16xf32>
        tpu.vector_store %arg13[%parallel_loop3A_417, %parallel_loop3A_418, %parallel_loop3A_419], %parallel_loop3A_422 {strides = array<i32>} : memref<12x8x128xf32, #tpu.memory_space<vmem>>, vector<1x1x16xf32>,
        %parallel_loop3A_423 = arith.constant 3 : i32
        %parallel_loop3A_424 = arith.index_cast %parallel_loop3A_314 : i32 to index
        %parallel_loop3A_425 = arith.index_cast %parallel_loop3A_423 : i32 to index
        %parallel_loop3A_426 = arith.index_cast %parallel_loop3A_320 : i32 to index
        %parallel_loop3A_427 = tpu.vector_load %arg12[%parallel_loop3A_424, %parallel_loop3A_425, %parallel_loop3A_426] {strides = array<i32>} : memref<12x8x128xf32, #tpu.memory_space<vmem>>, vector<1x1x16xf32>,
        %parallel_loop3A_428 = vector.shape_cast %parallel_loop3A_427 : vector<1x1x16xf32> to vector<16xf32>
        %parallel_loop3A_429 = arith.constant 3 : i32
        %parallel_loop3A_430 = arith.index_cast %parallel_loop3A_314 : i32 to index
        %parallel_loop3A_431 = arith.index_cast %parallel_loop3A_429 : i32 to index
        %parallel_loop3A_432 = arith.index_cast %parallel_loop3A_320 : i32 to index
        %parallel_loop3A_433 = tpu.vector_load %arg13[%parallel_loop3A_430, %parallel_loop3A_431, %parallel_loop3A_432] {strides = array<i32>} : memref<12x8x128xf32, #tpu.memory_space<vmem>>, vector<1x1x16xf32>,
        %parallel_loop3A_434 = vector.shape_cast %parallel_loop3A_433 : vector<1x1x16xf32> to vector<16xf32>
        %parallel_loop3A_435 = arith.mulf %parallel_loop3A_428, %parallel_loop3A_324 : vector<16xf32>
        %parallel_loop3A_436 = arith.mulf %parallel_loop3A_434, %parallel_loop3A_328 : vector<16xf32>
        %parallel_loop3A_437 = arith.addf %parallel_loop3A_435, %parallel_loop3A_436 : vector<16xf32>
        %parallel_loop3A_438 = arith.constant 3 : i32
        %parallel_loop3A_439 = arith.index_cast %parallel_loop3A_314 : i32 to index
        %parallel_loop3A_440 = arith.index_cast %parallel_loop3A_438 : i32 to index
        %parallel_loop3A_441 = arith.index_cast %parallel_loop3A_320 : i32 to index
        %parallel_loop3A_442 = tpu.vector_load %arg12[%parallel_loop3A_439, %parallel_loop3A_440, %parallel_loop3A_441] {strides = array<i32>} : memref<12x8x128xf32, #tpu.memory_space<vmem>>, vector<1x1x16xf32>,
        %parallel_loop3A_443 = vector.shape_cast %parallel_loop3A_442 : vector<1x1x16xf32> to vector<16xf32>
        %parallel_loop3A_444 = vector.shape_cast %parallel_loop3A_437 : vector<16xf32> to vector<1x1x16xf32>
        tpu.vector_store %arg12[%parallel_loop3A_439, %parallel_loop3A_440, %parallel_loop3A_441], %parallel_loop3A_444 {strides = array<i32>} : memref<12x8x128xf32, #tpu.memory_space<vmem>>, vector<1x1x16xf32>,
        %parallel_loop3A_445 = arith.mulf %parallel_loop3A_434, %parallel_loop3A_332 : vector<16xf32>
        %parallel_loop3A_446 = arith.constant 3 : i32
        %parallel_loop3A_447 = arith.index_cast %parallel_loop3A_314 : i32 to index
        %parallel_loop3A_448 = arith.index_cast %parallel_loop3A_446 : i32 to index
        %parallel_loop3A_449 = arith.index_cast %parallel_loop3A_320 : i32 to index
        %parallel_loop3A_450 = tpu.vector_load %arg13[%parallel_loop3A_447, %parallel_loop3A_448, %parallel_loop3A_449] {strides = array<i32>} : memref<12x8x128xf32, #tpu.memory_space<vmem>>, vector<1x1x16xf32>,
        %parallel_loop3A_451 = vector.shape_cast %parallel_loop3A_450 : vector<1x1x16xf32> to vector<16xf32>
        %parallel_loop3A_452 = vector.shape_cast %parallel_loop3A_445 : vector<16xf32> to vector<1x1x16xf32>
        tpu.vector_store %arg13[%parallel_loop3A_447, %parallel_loop3A_448, %parallel_loop3A_449], %parallel_loop3A_452 {strides = array<i32>} : memref<12x8x128xf32, #tpu.memory_space<vmem>>, vector<1x1x16xf32>,
        %parallel_loop3A_453 = arith.constant 4 : i32
        %parallel_loop3A_454 = arith.index_cast %parallel_loop3A_314 : i32 to index
        %parallel_loop3A_455 = arith.index_cast %parallel_loop3A_453 : i32 to index
        %parallel_loop3A_456 = arith.index_cast %parallel_loop3A_320 : i32 to index
        %parallel_loop3A_457 = tpu.vector_load %arg12[%parallel_loop3A_454, %parallel_loop3A_455, %parallel_loop3A_456] {strides = array<i32>} : memref<12x8x128xf32, #tpu.memory_space<vmem>>, vector<1x1x16xf32>,
        %parallel_loop3A_458 = vector.shape_cast %parallel_loop3A_457 : vector<1x1x16xf32> to vector<16xf32>
        %parallel_loop3A_459 = arith.constant 4 : i32
        %parallel_loop3A_460 = arith.index_cast %parallel_loop3A_314 : i32 to index
        %parallel_loop3A_461 = arith.index_cast %parallel_loop3A_459 : i32 to index
        %parallel_loop3A_462 = arith.index_cast %parallel_loop3A_320 : i32 to index
        %parallel_loop3A_463 = tpu.vector_load %arg13[%parallel_loop3A_460, %parallel_loop3A_461, %parallel_loop3A_462] {strides = array<i32>} : memref<12x8x128xf32, #tpu.memory_space<vmem>>, vector<1x1x16xf32>,
        %parallel_loop3A_464 = vector.shape_cast %parallel_loop3A_463 : vector<1x1x16xf32> to vector<16xf32>
        %parallel_loop3A_465 = arith.mulf %parallel_loop3A_458, %parallel_loop3A_324 : vector<16xf32>
        %parallel_loop3A_466 = arith.mulf %parallel_loop3A_464, %parallel_loop3A_328 : vector<16xf32>
        %parallel_loop3A_467 = arith.addf %parallel_loop3A_465, %parallel_loop3A_466 : vector<16xf32>
        %parallel_loop3A_468 = arith.constant 4 : i32
        %parallel_loop3A_469 = arith.index_cast %parallel_loop3A_314 : i32 to index
        %parallel_loop3A_470 = arith.index_cast %parallel_loop3A_468 : i32 to index
        %parallel_loop3A_471 = arith.index_cast %parallel_loop3A_320 : i32 to index
        %parallel_loop3A_472 = tpu.vector_load %arg12[%parallel_loop3A_469, %parallel_loop3A_470, %parallel_loop3A_471] {strides = array<i32>} : memref<12x8x128xf32, #tpu.memory_space<vmem>>, vector<1x1x16xf32>,
        %parallel_loop3A_473 = vector.shape_cast %parallel_loop3A_472 : vector<1x1x16xf32> to vector<16xf32>
        %parallel_loop3A_474 = vector.shape_cast %parallel_loop3A_467 : vector<16xf32> to vector<1x1x16xf32>
        tpu.vector_store %arg12[%parallel_loop3A_469, %parallel_loop3A_470, %parallel_loop3A_471], %parallel_loop3A_474 {strides = array<i32>} : memref<12x8x128xf32, #tpu.memory_space<vmem>>, vector<1x1x16xf32>,
        %parallel_loop3A_475 = arith.mulf %parallel_loop3A_464, %parallel_loop3A_332 : vector<16xf32>
        %parallel_loop3A_476 = arith.constant 4 : i32
        %parallel_loop3A_477 = arith.index_cast %parallel_loop3A_314 : i32 to index
        %parallel_loop3A_478 = arith.index_cast %parallel_loop3A_476 : i32 to index
        %parallel_loop3A_479 = arith.index_cast %parallel_loop3A_320 : i32 to index
        %parallel_loop3A_480 = tpu.vector_load %arg13[%parallel_loop3A_477, %parallel_loop3A_478, %parallel_loop3A_479] {strides = array<i32>} : memref<12x8x128xf32, #tpu.memory_space<vmem>>, vector<1x1x16xf32>,
        %parallel_loop3A_481 = vector.shape_cast %parallel_loop3A_480 : vector<1x1x16xf32> to vector<16xf32>
        %parallel_loop3A_482 = vector.shape_cast %parallel_loop3A_475 : vector<16xf32> to vector<1x1x16xf32>
        tpu.vector_store %arg13[%parallel_loop3A_477, %parallel_loop3A_478, %parallel_loop3A_479], %parallel_loop3A_482 {strides = array<i32>} : memref<12x8x128xf32, #tpu.memory_space<vmem>>, vector<1x1x16xf32>,
        %parallel_loop3A_483 = arith.constant 5 : i32
        %parallel_loop3A_484 = arith.index_cast %parallel_loop3A_314 : i32 to index
        %parallel_loop3A_485 = arith.index_cast %parallel_loop3A_483 : i32 to index
        %parallel_loop3A_486 = arith.index_cast %parallel_loop3A_320 : i32 to index
        %parallel_loop3A_487 = tpu.vector_load %arg12[%parallel_loop3A_484, %parallel_loop3A_485, %parallel_loop3A_486] {strides = array<i32>} : memref<12x8x128xf32, #tpu.memory_space<vmem>>, vector<1x1x16xf32>,
        %parallel_loop3A_488 = vector.shape_cast %parallel_loop3A_487 : vector<1x1x16xf32> to vector<16xf32>
        %parallel_loop3A_489 = arith.constant 5 : i32
        %parallel_loop3A_490 = arith.index_cast %parallel_loop3A_314 : i32 to index
        %parallel_loop3A_491 = arith.index_cast %parallel_loop3A_489 : i32 to index
        %parallel_loop3A_492 = arith.index_cast %parallel_loop3A_320 : i32 to index
        %parallel_loop3A_493 = tpu.vector_load %arg13[%parallel_loop3A_490, %parallel_loop3A_491, %parallel_loop3A_492] {strides = array<i32>} : memref<12x8x128xf32, #tpu.memory_space<vmem>>, vector<1x1x16xf32>,
        %parallel_loop3A_494 = vector.shape_cast %parallel_loop3A_493 : vector<1x1x16xf32> to vector<16xf32>
        %parallel_loop3A_495 = arith.mulf %parallel_loop3A_488, %parallel_loop3A_324 : vector<16xf32>
        %parallel_loop3A_496 = arith.mulf %parallel_loop3A_494, %parallel_loop3A_328 : vector<16xf32>
        %parallel_loop3A_497 = arith.addf %parallel_loop3A_495, %parallel_loop3A_496 : vector<16xf32>
        %parallel_loop3A_498 = arith.constant 5 : i32
        %parallel_loop3A_499 = arith.index_cast %parallel_loop3A_314 : i32 to index
        %parallel_loop3A_500 = arith.index_cast %parallel_loop3A_498 : i32 to index
        %parallel_loop3A_501 = arith.index_cast %parallel_loop3A_320 : i32 to index
        %parallel_loop3A_502 = tpu.vector_load %arg12[%parallel_loop3A_499, %parallel_loop3A_500, %parallel_loop3A_501] {strides = array<i32>} : memref<12x8x128xf32, #tpu.memory_space<vmem>>, vector<1x1x16xf32>,
        %parallel_loop3A_503 = vector.shape_cast %parallel_loop3A_502 : vector<1x1x16xf32> to vector<16xf32>
        %parallel_loop3A_504 = vector.shape_cast %parallel_loop3A_497 : vector<16xf32> to vector<1x1x16xf32>
        tpu.vector_store %arg12[%parallel_loop3A_499, %parallel_loop3A_500, %parallel_loop3A_501], %parallel_loop3A_504 {strides = array<i32>} : memref<12x8x128xf32, #tpu.memory_space<vmem>>, vector<1x1x16xf32>,
        %parallel_loop3A_505 = arith.mulf %parallel_loop3A_494, %parallel_loop3A_332 : vector<16xf32>
        %parallel_loop3A_506 = arith.constant 5 : i32
        %parallel_loop3A_507 = arith.index_cast %parallel_loop3A_314 : i32 to index
        %parallel_loop3A_508 = arith.index_cast %parallel_loop3A_506 : i32 to index
        %parallel_loop3A_509 = arith.index_cast %parallel_loop3A_320 : i32 to index
        %parallel_loop3A_510 = tpu.vector_load %arg13[%parallel_loop3A_507, %parallel_loop3A_508, %parallel_loop3A_509] {strides = array<i32>} : memref<12x8x128xf32, #tpu.memory_space<vmem>>, vector<1x1x16xf32>,
        %parallel_loop3A_511 = vector.shape_cast %parallel_loop3A_510 : vector<1x1x16xf32> to vector<16xf32>
        %parallel_loop3A_512 = vector.shape_cast %parallel_loop3A_505 : vector<16xf32> to vector<1x1x16xf32>
        tpu.vector_store %arg13[%parallel_loop3A_507, %parallel_loop3A_508, %parallel_loop3A_509], %parallel_loop3A_512 {strides = array<i32>} : memref<12x8x128xf32, #tpu.memory_space<vmem>>, vector<1x1x16xf32>,
        %parallel_loop3A_513 = arith.constant 6 : i32
        %parallel_loop3A_514 = arith.index_cast %parallel_loop3A_314 : i32 to index
        %parallel_loop3A_515 = arith.index_cast %parallel_loop3A_513 : i32 to index
        %parallel_loop3A_516 = arith.index_cast %parallel_loop3A_320 : i32 to index
        %parallel_loop3A_517 = tpu.vector_load %arg12[%parallel_loop3A_514, %parallel_loop3A_515, %parallel_loop3A_516] {strides = array<i32>} : memref<12x8x128xf32, #tpu.memory_space<vmem>>, vector<1x1x16xf32>,
        %parallel_loop3A_518 = vector.shape_cast %parallel_loop3A_517 : vector<1x1x16xf32> to vector<16xf32>
        %parallel_loop3A_519 = arith.constant 6 : i32
        %parallel_loop3A_520 = arith.index_cast %parallel_loop3A_314 : i32 to index
        %parallel_loop3A_521 = arith.index_cast %parallel_loop3A_519 : i32 to index
        %parallel_loop3A_522 = arith.index_cast %parallel_loop3A_320 : i32 to index
        %parallel_loop3A_523 = tpu.vector_load %arg13[%parallel_loop3A_520, %parallel_loop3A_521, %parallel_loop3A_522] {strides = array<i32>} : memref<12x8x128xf32, #tpu.memory_space<vmem>>, vector<1x1x16xf32>,
        %parallel_loop3A_524 = vector.shape_cast %parallel_loop3A_523 : vector<1x1x16xf32> to vector<16xf32>
        %parallel_loop3A_525 = arith.mulf %parallel_loop3A_518, %parallel_loop3A_324 : vector<16xf32>
        %parallel_loop3A_526 = arith.mulf %parallel_loop3A_524, %parallel_loop3A_328 : vector<16xf32>
        %parallel_loop3A_527 = arith.addf %parallel_loop3A_525, %parallel_loop3A_526 : vector<16xf32>
        %parallel_loop3A_528 = arith.constant 6 : i32
        %parallel_loop3A_529 = arith.index_cast %parallel_loop3A_314 : i32 to index
        %parallel_loop3A_530 = arith.index_cast %parallel_loop3A_528 : i32 to index
        %parallel_loop3A_531 = arith.index_cast %parallel_loop3A_320 : i32 to index
        %parallel_loop3A_532 = tpu.vector_load %arg12[%parallel_loop3A_529, %parallel_loop3A_530, %parallel_loop3A_531] {strides = array<i32>} : memref<12x8x128xf32, #tpu.memory_space<vmem>>, vector<1x1x16xf32>,
        %parallel_loop3A_533 = vector.shape_cast %parallel_loop3A_532 : vector<1x1x16xf32> to vector<16xf32>
        %parallel_loop3A_534 = vector.shape_cast %parallel_loop3A_527 : vector<16xf32> to vector<1x1x16xf32>
        tpu.vector_store %arg12[%parallel_loop3A_529, %parallel_loop3A_530, %parallel_loop3A_531], %parallel_loop3A_534 {strides = array<i32>} : memref<12x8x128xf32, #tpu.memory_space<vmem>>, vector<1x1x16xf32>,
        %parallel_loop3A_535 = arith.mulf %parallel_loop3A_524, %parallel_loop3A_332 : vector<16xf32>
        %parallel_loop3A_536 = arith.constant 6 : i32
        %parallel_loop3A_537 = arith.index_cast %parallel_loop3A_314 : i32 to index
        %parallel_loop3A_538 = arith.index_cast %parallel_loop3A_536 : i32 to index
        %parallel_loop3A_539 = arith.index_cast %parallel_loop3A_320 : i32 to index
        %parallel_loop3A_540 = tpu.vector_load %arg13[%parallel_loop3A_537, %parallel_loop3A_538, %parallel_loop3A_539] {strides = array<i32>} : memref<12x8x128xf32, #tpu.memory_space<vmem>>, vector<1x1x16xf32>,
        %parallel_loop3A_541 = vector.shape_cast %parallel_loop3A_540 : vector<1x1x16xf32> to vector<16xf32>
        %parallel_loop3A_542 = vector.shape_cast %parallel_loop3A_535 : vector<16xf32> to vector<1x1x16xf32>
        tpu.vector_store %arg13[%parallel_loop3A_537, %parallel_loop3A_538, %parallel_loop3A_539], %parallel_loop3A_542 {strides = array<i32>} : memref<12x8x128xf32, #tpu.memory_space<vmem>>, vector<1x1x16xf32>,
        %parallel_loop3A_543 = arith.constant 7 : i32
        %parallel_loop3A_544 = arith.index_cast %parallel_loop3A_314 : i32 to index
        %parallel_loop3A_545 = arith.index_cast %parallel_loop3A_543 : i32 to index
        %parallel_loop3A_546 = arith.index_cast %parallel_loop3A_320 : i32 to index
        %parallel_loop3A_547 = tpu.vector_load %arg12[%parallel_loop3A_544, %parallel_loop3A_545, %parallel_loop3A_546] {strides = array<i32>} : memref<12x8x128xf32, #tpu.memory_space<vmem>>, vector<1x1x16xf32>,
        %parallel_loop3A_548 = vector.shape_cast %parallel_loop3A_547 : vector<1x1x16xf32> to vector<16xf32>
        %parallel_loop3A_549 = arith.constant 7 : i32
        %parallel_loop3A_550 = arith.index_cast %parallel_loop3A_314 : i32 to index
        %parallel_loop3A_551 = arith.index_cast %parallel_loop3A_549 : i32 to index
        %parallel_loop3A_552 = arith.index_cast %parallel_loop3A_320 : i32 to index
        %parallel_loop3A_553 = tpu.vector_load %arg13[%parallel_loop3A_550, %parallel_loop3A_551, %parallel_loop3A_552] {strides = array<i32>} : memref<12x8x128xf32, #tpu.memory_space<vmem>>, vector<1x1x16xf32>,
        %parallel_loop3A_554 = vector.shape_cast %parallel_loop3A_553 : vector<1x1x16xf32> to vector<16xf32>
        %parallel_loop3A_555 = arith.mulf %parallel_loop3A_548, %parallel_loop3A_324 : vector<16xf32>
        %parallel_loop3A_556 = arith.mulf %parallel_loop3A_554, %parallel_loop3A_328 : vector<16xf32>
        %parallel_loop3A_557 = arith.addf %parallel_loop3A_555, %parallel_loop3A_556 : vector<16xf32>
        %parallel_loop3A_558 = arith.constant 7 : i32
        %parallel_loop3A_559 = arith.index_cast %parallel_loop3A_314 : i32 to index
        %parallel_loop3A_560 = arith.index_cast %parallel_loop3A_558 : i32 to index
        %parallel_loop3A_561 = arith.index_cast %parallel_loop3A_320 : i32 to index
        %parallel_loop3A_562 = tpu.vector_load %arg12[%parallel_loop3A_559, %parallel_loop3A_560, %parallel_loop3A_561] {strides = array<i32>} : memref<12x8x128xf32, #tpu.memory_space<vmem>>, vector<1x1x16xf32>,
        %parallel_loop3A_563 = vector.shape_cast %parallel_loop3A_562 : vector<1x1x16xf32> to vector<16xf32>
        %parallel_loop3A_564 = vector.shape_cast %parallel_loop3A_557 : vector<16xf32> to vector<1x1x16xf32>
        tpu.vector_store %arg12[%parallel_loop3A_559, %parallel_loop3A_560, %parallel_loop3A_561], %parallel_loop3A_564 {strides = array<i32>} : memref<12x8x128xf32, #tpu.memory_space<vmem>>, vector<1x1x16xf32>,
        %parallel_loop3A_565 = arith.mulf %parallel_loop3A_554, %parallel_loop3A_332 : vector<16xf32>
        %parallel_loop3A_566 = arith.constant 7 : i32
        %parallel_loop3A_567 = arith.index_cast %parallel_loop3A_314 : i32 to index
        %parallel_loop3A_568 = arith.index_cast %parallel_loop3A_566 : i32 to index
        %parallel_loop3A_569 = arith.index_cast %parallel_loop3A_320 : i32 to index
        %parallel_loop3A_570 = tpu.vector_load %arg13[%parallel_loop3A_567, %parallel_loop3A_568, %parallel_loop3A_569] {strides = array<i32>} : memref<12x8x128xf32, #tpu.memory_space<vmem>>, vector<1x1x16xf32>,
        %parallel_loop3A_571 = vector.shape_cast %parallel_loop3A_570 : vector<1x1x16xf32> to vector<16xf32>
        %parallel_loop3A_572 = vector.shape_cast %parallel_loop3A_565 : vector<16xf32> to vector<1x1x16xf32>
        tpu.vector_store %arg13[%parallel_loop3A_567, %parallel_loop3A_568, %parallel_loop3A_569], %parallel_loop3A_572 {strides = array<i32>} : memref<12x8x128xf32, #tpu.memory_space<vmem>>, vector<1x1x16xf32>,
      } {sc.loop_unroll_factor = 4 : i64, sc.parallel_access}
      %mul3A_199 = arith.constant 12 : i32
      %mul3A_200 = arith.muli %add3A_183, %mul3A_199 : i32
      %add3A_201 = arith.addi %add3A_37, %mul3A_200 : i32
      %dma_start3A_202 = arith.constant 0 : i32
      %dma_start3A_203 = arith.constant 0 : i32
      %dma_start3A_204 = tpu.memref_slice %arg6[%add3A_201, %dma_start3A_202, %dma_start3A_203] : memref<12288x8x128xf32, #tpu.memory_space<hbm>> -> memref<12x8x128xf32, #tpu.memory_space<hbm>>
      %dma_start3A_205 = arith.constant 0 : i32
      %dma_start3A_206 = arith.constant 0 : i32
      %dma_start3A_207 = tpu.memref_slice %arg6[%add3A_201, %dma_start3A_205, %dma_start3A_206] : memref<12288x8x128xf32, #tpu.memory_space<hbm>> -> memref<12x8x128xf32, #tpu.memory_space<hbm>>
      tpu.enqueue_dma source(%arg12 : memref<12x8x128xf32, #tpu.memory_space<vmem>>) target(%dma_start3A_207 : memref<12x8x128xf32, #tpu.memory_space<hbm>>) target_semaphore(%arg23 : memref<!tpu.dma_semaphore, #tpu.memory_space<semaphore_mem>>)
      %add3A_208 = arith.addi %add3A_39, %mul3A_200 : i32
      %dma_start3A_209 = arith.constant 0 : i32
      %dma_start3A_210 = arith.constant 0 : i32
      %dma_start3A_211 = tpu.memref_slice %arg6[%add3A_208, %dma_start3A_209, %dma_start3A_210] : memref<12288x8x128xf32, #tpu.memory_space<hbm>> -> memref<12x8x128xf32, #tpu.memory_space<hbm>>
      %dma_start3A_212 = arith.constant 0 : i32
      %dma_start3A_213 = arith.constant 0 : i32
      %dma_start3A_214 = tpu.memref_slice %arg6[%add3A_208, %dma_start3A_212, %dma_start3A_213] : memref<12288x8x128xf32, #tpu.memory_space<hbm>> -> memref<12x8x128xf32, #tpu.memory_space<hbm>>
      tpu.enqueue_dma source(%arg13 : memref<12x8x128xf32, #tpu.memory_space<vmem>>) target(%dma_start3A_214 : memref<12x8x128xf32, #tpu.memory_space<hbm>>) target_semaphore(%arg23 : memref<!tpu.dma_semaphore, #tpu.memory_space<semaphore_mem>>)
      %add3A_215 = arith.constant 4 : i32
      %add3A_216 = arith.addi %add3A_183, %add3A_215 : i32
      %sub3A_217 = arith.constant 1 : i32
      %sub3A_218 = arith.subi %add3A_216, %sub3A_217 : i32
      %lt3A_219 = arith.constant 16 : i32
      %lt3A_220 = arith.cmpi slt, %sub3A_218, %lt3A_219 : i32
      %convert_element_type3A_221 = arith.extui %lt3A_220 : i1 to i32
      %cond3A_222 = arith.constant 0 : i32
      %cond3A_223 = arith.cmpi ne, %convert_element_type3A_221, %cond3A_222 : i32
      scf.if %cond3A_223 {
        %dma_wait3A_312 = arith.constant 0 : i32
        %dma_wait3A_313 = arith.constant 0 : i32
        %dma_wait3A_314 = tpu.memref_slice %arg6[%add3A_37, %dma_wait3A_312, %dma_wait3A_313] : memref<12288x8x128xf32, #tpu.memory_space<hbm>> -> memref<12x8x128xf32, #tpu.memory_space<hbm>>
        %dma_wait3A_315 = arith.constant 0 : i32
        %dma_wait3A_316 = arith.constant 0 : i32
        %dma_wait3A_317 = tpu.memref_slice %arg6[%add3A_37, %dma_wait3A_315, %dma_wait3A_316] : memref<12288x8x128xf32, #tpu.memory_space<hbm>> -> memref<12x8x128xf32, #tpu.memory_space<hbm>>
        tpu.wait_dma2 semaphore(%arg22 : memref<!tpu.dma_semaphore, #tpu.memory_space<semaphore_mem>>) src(%arg10 : memref<12x8x128xf32, #tpu.memory_space<vmem>>) dst(%dma_wait3A_317 : memref<12x8x128xf32, #tpu.memory_space<hbm>>)
        %dma_wait3A_318 = arith.constant 0 : i32
        %dma_wait3A_319 = arith.constant 0 : i32
        %dma_wait3A_320 = tpu.memref_slice %arg6[%add3A_39, %dma_wait3A_318, %dma_wait3A_319] : memref<12288x8x128xf32, #tpu.memory_space<hbm>> -> memref<12x8x128xf32, #tpu.memory_space<hbm>>
        %dma_wait3A_321 = arith.constant 0 : i32
        %dma_wait3A_322 = arith.constant 0 : i32
        %dma_wait3A_323 = tpu.memref_slice %arg6[%add3A_39, %dma_wait3A_321, %dma_wait3A_322] : memref<12288x8x128xf32, #tpu.memory_space<hbm>> -> memref<12x8x128xf32, #tpu.memory_space<hbm>>
        tpu.wait_dma2 semaphore(%arg22 : memref<!tpu.dma_semaphore, #tpu.memory_space<semaphore_mem>>) src(%arg11 : memref<12x8x128xf32, #tpu.memory_space<vmem>>) dst(%dma_wait3A_323 : memref<12x8x128xf32, #tpu.memory_space<hbm>>)
        %add3A_324 = arith.constant 4 : i32
        %add3A_325 = arith.addi %add3A_183, %add3A_324 : i32
        %sub3A_326 = arith.constant 1 : i32
        %sub3A_327 = arith.subi %add3A_325, %sub3A_326 : i32
        %mul3A_328 = arith.constant 12 : i32
        %mul3A_329 = arith.muli %sub3A_327, %mul3A_328 : i32
        %add3A_330 = arith.addi %add3A_37, %mul3A_329 : i32
        %dma_start3A_331 = arith.constant 0 : i32
        %dma_start3A_332 = arith.constant 0 : i32
        %dma_start3A_333 = tpu.memref_slice %arg2[%add3A_330, %dma_start3A_331, %dma_start3A_332] : memref<12288x8x128xf32, #tpu.memory_space<hbm>> -> memref<12x8x128xf32, #tpu.memory_space<hbm>>
        %dma_start3A_334 = arith.constant 0 : i32
        %dma_start3A_335 = arith.constant 0 : i32
        %dma_start3A_336 = tpu.memref_slice %arg2[%add3A_330, %dma_start3A_334, %dma_start3A_335] : memref<12288x8x128xf32, #tpu.memory_space<hbm>> -> memref<12x8x128xf32, #tpu.memory_space<hbm>>
        tpu.enqueue_dma source(%dma_start3A_336 : memref<12x8x128xf32, #tpu.memory_space<hbm>>) target(%arg10 : memref<12x8x128xf32, #tpu.memory_space<vmem>>) target_semaphore(%arg18 : memref<!tpu.dma_semaphore, #tpu.memory_space<semaphore_mem>>)
        %add3A_337 = arith.addi %add3A_39, %mul3A_329 : i32
        %dma_start3A_338 = arith.constant 0 : i32
        %dma_start3A_339 = arith.constant 0 : i32
        %dma_start3A_340 = tpu.memref_slice %arg2[%add3A_337, %dma_start3A_338, %dma_start3A_339] : memref<12288x8x128xf32, #tpu.memory_space<hbm>> -> memref<12x8x128xf32, #tpu.memory_space<hbm>>
        %dma_start3A_341 = arith.constant 0 : i32
        %dma_start3A_342 = arith.constant 0 : i32
        %dma_start3A_343 = tpu.memref_slice %arg2[%add3A_337, %dma_start3A_341, %dma_start3A_342] : memref<12288x8x128xf32, #tpu.memory_space<hbm>> -> memref<12x8x128xf32, #tpu.memory_space<hbm>>
        tpu.enqueue_dma source(%dma_start3A_343 : memref<12x8x128xf32, #tpu.memory_space<hbm>>) target(%arg11 : memref<12x8x128xf32, #tpu.memory_space<vmem>>) target_semaphore(%arg18 : memref<!tpu.dma_semaphore, #tpu.memory_space<semaphore_mem>>)
      } else {
      }
      %mul3A_224 = arith.constant 4 : i32
      %mul3A_225 = arith.muli %scan3A_138, %mul3A_224 : i32
      %add3A_226 = arith.constant 2 : i32
      %add3A_227 = arith.addi %mul3A_225, %add3A_226 : i32
      %dma_wait3A_228 = arith.constant 0 : i32
      %dma_wait3A_229 = arith.constant 0 : i32
      %dma_wait3A_230 = tpu.memref_slice %arg2[%add3A_37, %dma_wait3A_228, %dma_wait3A_229] : memref<12288x8x128xf32, #tpu.memory_space<hbm>> -> memref<12x8x128xf32, #tpu.memory_space<hbm>>
      %dma_wait3A_231 = arith.constant 0 : i32
      %dma_wait3A_232 = arith.constant 0 : i32
      %dma_wait3A_233 = tpu.memref_slice %arg2[%add3A_37, %dma_wait3A_231, %dma_wait3A_232] : memref<12288x8x128xf32, #tpu.memory_space<hbm>> -> memref<12x8x128xf32, #tpu.memory_space<hbm>>
      tpu.wait_dma2 semaphore(%arg20 : memref<!tpu.dma_semaphore, #tpu.memory_space<semaphore_mem>>) src(%dma_wait3A_233 : memref<12x8x128xf32, #tpu.memory_space<hbm>>) dst(%arg14 : memref<12x8x128xf32, #tpu.memory_space<vmem>>)
      %dma_wait3A_234 = arith.constant 0 : i32
      %dma_wait3A_235 = arith.constant 0 : i32
      %dma_wait3A_236 = tpu.memref_slice %arg2[%add3A_39, %dma_wait3A_234, %dma_wait3A_235] : memref<12288x8x128xf32, #tpu.memory_space<hbm>> -> memref<12x8x128xf32, #tpu.memory_space<hbm>>
      %dma_wait3A_237 = arith.constant 0 : i32
      %dma_wait3A_238 = arith.constant 0 : i32
      %dma_wait3A_239 = tpu.memref_slice %arg2[%add3A_39, %dma_wait3A_237, %dma_wait3A_238] : memref<12288x8x128xf32, #tpu.memory_space<hbm>> -> memref<12x8x128xf32, #tpu.memory_space<hbm>>
      tpu.wait_dma2 semaphore(%arg20 : memref<!tpu.dma_semaphore, #tpu.memory_space<semaphore_mem>>) src(%dma_wait3A_239 : memref<12x8x128xf32, #tpu.memory_space<hbm>>) dst(%arg15 : memref<12x8x128xf32, #tpu.memory_space<vmem>>)
      %parallel_loop3A_240 = arith.constant 0 : i32
      %parallel_loop3A_241 = arith.constant 96 : i32
      %parallel_loop3A_242 = arith.constant 1 : i32
      scf.for %parallel_loop3A_312 = %parallel_loop3A_240 to %parallel_loop3A_241 step %parallel_loop3A_242  : i32 {
        %parallel_loop3A_313 = arith.constant 8 : i32
        %parallel_loop3A_314 = arith.divsi %parallel_loop3A_312, %parallel_loop3A_313 : i32
        %parallel_loop3A_315 = arith.constant 8 : i32
        %parallel_loop3A_316 = arith.remsi %parallel_loop3A_312, %parallel_loop3A_315 : i32
        %parallel_loop3A_317 = arith.constant 6 : i32
        %parallel_loop3A_318 = arith.remsi %parallel_loop3A_314, %parallel_loop3A_317 : i32
        %parallel_loop3A_319 = arith.constant 16 : i32
        %parallel_loop3A_320 = arith.muli %parallel_loop3A_316, %parallel_loop3A_319 : i32
        %parallel_loop3A_321 = arith.index_cast %parallel_loop3A_318 : i32 to index
        %parallel_loop3A_322 = arith.index_cast %parallel_loop3A_320 : i32 to index
        %parallel_loop3A_323 = tpu.vector_load %arg7[%parallel_loop3A_321, %parallel_loop3A_322] {strides = array<i32>} : memref<6x128xf32, #tpu.memory_space<vmem>>, vector<1x16xf32>,
        %parallel_loop3A_324 = vector.shape_cast %parallel_loop3A_323 : vector<1x16xf32> to vector<16xf32>
        %parallel_loop3A_325 = arith.index_cast %parallel_loop3A_318 : i32 to index
        %parallel_loop3A_326 = arith.index_cast %parallel_loop3A_320 : i32 to index
        %parallel_loop3A_327 = tpu.vector_load %arg8[%parallel_loop3A_325, %parallel_loop3A_326] {strides = array<i32>} : memref<6x128xf32, #tpu.memory_space<vmem>>, vector<1x16xf32>,
        %parallel_loop3A_328 = vector.shape_cast %parallel_loop3A_327 : vector<1x16xf32> to vector<16xf32>
        %parallel_loop3A_329 = arith.index_cast %parallel_loop3A_318 : i32 to index
        %parallel_loop3A_330 = arith.index_cast %parallel_loop3A_320 : i32 to index
        %parallel_loop3A_331 = tpu.vector_load %arg9[%parallel_loop3A_329, %parallel_loop3A_330] {strides = array<i32>} : memref<6x128xf32, #tpu.memory_space<vmem>>, vector<1x16xf32>,
        %parallel_loop3A_332 = vector.shape_cast %parallel_loop3A_331 : vector<1x16xf32> to vector<16xf32>
        %parallel_loop3A_333 = arith.constant 0 : i32
        %parallel_loop3A_334 = arith.index_cast %parallel_loop3A_314 : i32 to index
        %parallel_loop3A_335 = arith.index_cast %parallel_loop3A_333 : i32 to index
        %parallel_loop3A_336 = arith.index_cast %parallel_loop3A_320 : i32 to index
        %parallel_loop3A_337 = tpu.vector_load %arg14[%parallel_loop3A_334, %parallel_loop3A_335, %parallel_loop3A_336] {strides = array<i32>} : memref<12x8x128xf32, #tpu.memory_space<vmem>>, vector<1x1x16xf32>,
        %parallel_loop3A_338 = vector.shape_cast %parallel_loop3A_337 : vector<1x1x16xf32> to vector<16xf32>
        %parallel_loop3A_339 = arith.constant 0 : i32
        %parallel_loop3A_340 = arith.index_cast %parallel_loop3A_314 : i32 to index
        %parallel_loop3A_341 = arith.index_cast %parallel_loop3A_339 : i32 to index
        %parallel_loop3A_342 = arith.index_cast %parallel_loop3A_320 : i32 to index
        %parallel_loop3A_343 = tpu.vector_load %arg15[%parallel_loop3A_340, %parallel_loop3A_341, %parallel_loop3A_342] {strides = array<i32>} : memref<12x8x128xf32, #tpu.memory_space<vmem>>, vector<1x1x16xf32>,
        %parallel_loop3A_344 = vector.shape_cast %parallel_loop3A_343 : vector<1x1x16xf32> to vector<16xf32>
        %parallel_loop3A_345 = arith.mulf %parallel_loop3A_338, %parallel_loop3A_324 : vector<16xf32>
        %parallel_loop3A_346 = arith.mulf %parallel_loop3A_344, %parallel_loop3A_328 : vector<16xf32>
        %parallel_loop3A_347 = arith.addf %parallel_loop3A_345, %parallel_loop3A_346 : vector<16xf32>
        %parallel_loop3A_348 = arith.constant 0 : i32
        %parallel_loop3A_349 = arith.index_cast %parallel_loop3A_314 : i32 to index
        %parallel_loop3A_350 = arith.index_cast %parallel_loop3A_348 : i32 to index
        %parallel_loop3A_351 = arith.index_cast %parallel_loop3A_320 : i32 to index
        %parallel_loop3A_352 = tpu.vector_load %arg14[%parallel_loop3A_349, %parallel_loop3A_350, %parallel_loop3A_351] {strides = array<i32>} : memref<12x8x128xf32, #tpu.memory_space<vmem>>, vector<1x1x16xf32>,
        %parallel_loop3A_353 = vector.shape_cast %parallel_loop3A_352 : vector<1x1x16xf32> to vector<16xf32>
        %parallel_loop3A_354 = vector.shape_cast %parallel_loop3A_347 : vector<16xf32> to vector<1x1x16xf32>
        tpu.vector_store %arg14[%parallel_loop3A_349, %parallel_loop3A_350, %parallel_loop3A_351], %parallel_loop3A_354 {strides = array<i32>} : memref<12x8x128xf32, #tpu.memory_space<vmem>>, vector<1x1x16xf32>,
        %parallel_loop3A_355 = arith.mulf %parallel_loop3A_344, %parallel_loop3A_332 : vector<16xf32>
        %parallel_loop3A_356 = arith.constant 0 : i32
        %parallel_loop3A_357 = arith.index_cast %parallel_loop3A_314 : i32 to index
        %parallel_loop3A_358 = arith.index_cast %parallel_loop3A_356 : i32 to index
        %parallel_loop3A_359 = arith.index_cast %parallel_loop3A_320 : i32 to index
        %parallel_loop3A_360 = tpu.vector_load %arg15[%parallel_loop3A_357, %parallel_loop3A_358, %parallel_loop3A_359] {strides = array<i32>} : memref<12x8x128xf32, #tpu.memory_space<vmem>>, vector<1x1x16xf32>,
        %parallel_loop3A_361 = vector.shape_cast %parallel_loop3A_360 : vector<1x1x16xf32> to vector<16xf32>
        %parallel_loop3A_362 = vector.shape_cast %parallel_loop3A_355 : vector<16xf32> to vector<1x1x16xf32>
        tpu.vector_store %arg15[%parallel_loop3A_357, %parallel_loop3A_358, %parallel_loop3A_359], %parallel_loop3A_362 {strides = array<i32>} : memref<12x8x128xf32, #tpu.memory_space<vmem>>, vector<1x1x16xf32>,
        %parallel_loop3A_363 = arith.constant 1 : i32
        %parallel_loop3A_364 = arith.index_cast %parallel_loop3A_314 : i32 to index
        %parallel_loop3A_365 = arith.index_cast %parallel_loop3A_363 : i32 to index
        %parallel_loop3A_366 = arith.index_cast %parallel_loop3A_320 : i32 to index
        %parallel_loop3A_367 = tpu.vector_load %arg14[%parallel_loop3A_364, %parallel_loop3A_365, %parallel_loop3A_366] {strides = array<i32>} : memref<12x8x128xf32, #tpu.memory_space<vmem>>, vector<1x1x16xf32>,
        %parallel_loop3A_368 = vector.shape_cast %parallel_loop3A_367 : vector<1x1x16xf32> to vector<16xf32>
        %parallel_loop3A_369 = arith.constant 1 : i32
        %parallel_loop3A_370 = arith.index_cast %parallel_loop3A_314 : i32 to index
        %parallel_loop3A_371 = arith.index_cast %parallel_loop3A_369 : i32 to index
        %parallel_loop3A_372 = arith.index_cast %parallel_loop3A_320 : i32 to index
        %parallel_loop3A_373 = tpu.vector_load %arg15[%parallel_loop3A_370, %parallel_loop3A_371, %parallel_loop3A_372] {strides = array<i32>} : memref<12x8x128xf32, #tpu.memory_space<vmem>>, vector<1x1x16xf32>,
        %parallel_loop3A_374 = vector.shape_cast %parallel_loop3A_373 : vector<1x1x16xf32> to vector<16xf32>
        %parallel_loop3A_375 = arith.mulf %parallel_loop3A_368, %parallel_loop3A_324 : vector<16xf32>
        %parallel_loop3A_376 = arith.mulf %parallel_loop3A_374, %parallel_loop3A_328 : vector<16xf32>
        %parallel_loop3A_377 = arith.addf %parallel_loop3A_375, %parallel_loop3A_376 : vector<16xf32>
        %parallel_loop3A_378 = arith.constant 1 : i32
        %parallel_loop3A_379 = arith.index_cast %parallel_loop3A_314 : i32 to index
        %parallel_loop3A_380 = arith.index_cast %parallel_loop3A_378 : i32 to index
        %parallel_loop3A_381 = arith.index_cast %parallel_loop3A_320 : i32 to index
        %parallel_loop3A_382 = tpu.vector_load %arg14[%parallel_loop3A_379, %parallel_loop3A_380, %parallel_loop3A_381] {strides = array<i32>} : memref<12x8x128xf32, #tpu.memory_space<vmem>>, vector<1x1x16xf32>,
        %parallel_loop3A_383 = vector.shape_cast %parallel_loop3A_382 : vector<1x1x16xf32> to vector<16xf32>
        %parallel_loop3A_384 = vector.shape_cast %parallel_loop3A_377 : vector<16xf32> to vector<1x1x16xf32>
        tpu.vector_store %arg14[%parallel_loop3A_379, %parallel_loop3A_380, %parallel_loop3A_381], %parallel_loop3A_384 {strides = array<i32>} : memref<12x8x128xf32, #tpu.memory_space<vmem>>, vector<1x1x16xf32>,
        %parallel_loop3A_385 = arith.mulf %parallel_loop3A_374, %parallel_loop3A_332 : vector<16xf32>
        %parallel_loop3A_386 = arith.constant 1 : i32
        %parallel_loop3A_387 = arith.index_cast %parallel_loop3A_314 : i32 to index
        %parallel_loop3A_388 = arith.index_cast %parallel_loop3A_386 : i32 to index
        %parallel_loop3A_389 = arith.index_cast %parallel_loop3A_320 : i32 to index
        %parallel_loop3A_390 = tpu.vector_load %arg15[%parallel_loop3A_387, %parallel_loop3A_388, %parallel_loop3A_389] {strides = array<i32>} : memref<12x8x128xf32, #tpu.memory_space<vmem>>, vector<1x1x16xf32>,
        %parallel_loop3A_391 = vector.shape_cast %parallel_loop3A_390 : vector<1x1x16xf32> to vector<16xf32>
        %parallel_loop3A_392 = vector.shape_cast %parallel_loop3A_385 : vector<16xf32> to vector<1x1x16xf32>
        tpu.vector_store %arg15[%parallel_loop3A_387, %parallel_loop3A_388, %parallel_loop3A_389], %parallel_loop3A_392 {strides = array<i32>} : memref<12x8x128xf32, #tpu.memory_space<vmem>>, vector<1x1x16xf32>,
        %parallel_loop3A_393 = arith.constant 2 : i32
        %parallel_loop3A_394 = arith.index_cast %parallel_loop3A_314 : i32 to index
        %parallel_loop3A_395 = arith.index_cast %parallel_loop3A_393 : i32 to index
        %parallel_loop3A_396 = arith.index_cast %parallel_loop3A_320 : i32 to index
        %parallel_loop3A_397 = tpu.vector_load %arg14[%parallel_loop3A_394, %parallel_loop3A_395, %parallel_loop3A_396] {strides = array<i32>} : memref<12x8x128xf32, #tpu.memory_space<vmem>>, vector<1x1x16xf32>,
        %parallel_loop3A_398 = vector.shape_cast %parallel_loop3A_397 : vector<1x1x16xf32> to vector<16xf32>
        %parallel_loop3A_399 = arith.constant 2 : i32
        %parallel_loop3A_400 = arith.index_cast %parallel_loop3A_314 : i32 to index
        %parallel_loop3A_401 = arith.index_cast %parallel_loop3A_399 : i32 to index
        %parallel_loop3A_402 = arith.index_cast %parallel_loop3A_320 : i32 to index
        %parallel_loop3A_403 = tpu.vector_load %arg15[%parallel_loop3A_400, %parallel_loop3A_401, %parallel_loop3A_402] {strides = array<i32>} : memref<12x8x128xf32, #tpu.memory_space<vmem>>, vector<1x1x16xf32>,
        %parallel_loop3A_404 = vector.shape_cast %parallel_loop3A_403 : vector<1x1x16xf32> to vector<16xf32>
        %parallel_loop3A_405 = arith.mulf %parallel_loop3A_398, %parallel_loop3A_324 : vector<16xf32>
        %parallel_loop3A_406 = arith.mulf %parallel_loop3A_404, %parallel_loop3A_328 : vector<16xf32>
        %parallel_loop3A_407 = arith.addf %parallel_loop3A_405, %parallel_loop3A_406 : vector<16xf32>
        %parallel_loop3A_408 = arith.constant 2 : i32
        %parallel_loop3A_409 = arith.index_cast %parallel_loop3A_314 : i32 to index
        %parallel_loop3A_410 = arith.index_cast %parallel_loop3A_408 : i32 to index
        %parallel_loop3A_411 = arith.index_cast %parallel_loop3A_320 : i32 to index
        %parallel_loop3A_412 = tpu.vector_load %arg14[%parallel_loop3A_409, %parallel_loop3A_410, %parallel_loop3A_411] {strides = array<i32>} : memref<12x8x128xf32, #tpu.memory_space<vmem>>, vector<1x1x16xf32>,
        %parallel_loop3A_413 = vector.shape_cast %parallel_loop3A_412 : vector<1x1x16xf32> to vector<16xf32>
        %parallel_loop3A_414 = vector.shape_cast %parallel_loop3A_407 : vector<16xf32> to vector<1x1x16xf32>
        tpu.vector_store %arg14[%parallel_loop3A_409, %parallel_loop3A_410, %parallel_loop3A_411], %parallel_loop3A_414 {strides = array<i32>} : memref<12x8x128xf32, #tpu.memory_space<vmem>>, vector<1x1x16xf32>,
        %parallel_loop3A_415 = arith.mulf %parallel_loop3A_404, %parallel_loop3A_332 : vector<16xf32>
        %parallel_loop3A_416 = arith.constant 2 : i32
        %parallel_loop3A_417 = arith.index_cast %parallel_loop3A_314 : i32 to index
        %parallel_loop3A_418 = arith.index_cast %parallel_loop3A_416 : i32 to index
        %parallel_loop3A_419 = arith.index_cast %parallel_loop3A_320 : i32 to index
        %parallel_loop3A_420 = tpu.vector_load %arg15[%parallel_loop3A_417, %parallel_loop3A_418, %parallel_loop3A_419] {strides = array<i32>} : memref<12x8x128xf32, #tpu.memory_space<vmem>>, vector<1x1x16xf32>,
        %parallel_loop3A_421 = vector.shape_cast %parallel_loop3A_420 : vector<1x1x16xf32> to vector<16xf32>
        %parallel_loop3A_422 = vector.shape_cast %parallel_loop3A_415 : vector<16xf32> to vector<1x1x16xf32>
        tpu.vector_store %arg15[%parallel_loop3A_417, %parallel_loop3A_418, %parallel_loop3A_419], %parallel_loop3A_422 {strides = array<i32>} : memref<12x8x128xf32, #tpu.memory_space<vmem>>, vector<1x1x16xf32>,
        %parallel_loop3A_423 = arith.constant 3 : i32
        %parallel_loop3A_424 = arith.index_cast %parallel_loop3A_314 : i32 to index
        %parallel_loop3A_425 = arith.index_cast %parallel_loop3A_423 : i32 to index
        %parallel_loop3A_426 = arith.index_cast %parallel_loop3A_320 : i32 to index
        %parallel_loop3A_427 = tpu.vector_load %arg14[%parallel_loop3A_424, %parallel_loop3A_425, %parallel_loop3A_426] {strides = array<i32>} : memref<12x8x128xf32, #tpu.memory_space<vmem>>, vector<1x1x16xf32>,
        %parallel_loop3A_428 = vector.shape_cast %parallel_loop3A_427 : vector<1x1x16xf32> to vector<16xf32>
        %parallel_loop3A_429 = arith.constant 3 : i32
        %parallel_loop3A_430 = arith.index_cast %parallel_loop3A_314 : i32 to index
        %parallel_loop3A_431 = arith.index_cast %parallel_loop3A_429 : i32 to index
        %parallel_loop3A_432 = arith.index_cast %parallel_loop3A_320 : i32 to index
        %parallel_loop3A_433 = tpu.vector_load %arg15[%parallel_loop3A_430, %parallel_loop3A_431, %parallel_loop3A_432] {strides = array<i32>} : memref<12x8x128xf32, #tpu.memory_space<vmem>>, vector<1x1x16xf32>,
        %parallel_loop3A_434 = vector.shape_cast %parallel_loop3A_433 : vector<1x1x16xf32> to vector<16xf32>
        %parallel_loop3A_435 = arith.mulf %parallel_loop3A_428, %parallel_loop3A_324 : vector<16xf32>
        %parallel_loop3A_436 = arith.mulf %parallel_loop3A_434, %parallel_loop3A_328 : vector<16xf32>
        %parallel_loop3A_437 = arith.addf %parallel_loop3A_435, %parallel_loop3A_436 : vector<16xf32>
        %parallel_loop3A_438 = arith.constant 3 : i32
        %parallel_loop3A_439 = arith.index_cast %parallel_loop3A_314 : i32 to index
        %parallel_loop3A_440 = arith.index_cast %parallel_loop3A_438 : i32 to index
        %parallel_loop3A_441 = arith.index_cast %parallel_loop3A_320 : i32 to index
        %parallel_loop3A_442 = tpu.vector_load %arg14[%parallel_loop3A_439, %parallel_loop3A_440, %parallel_loop3A_441] {strides = array<i32>} : memref<12x8x128xf32, #tpu.memory_space<vmem>>, vector<1x1x16xf32>,
        %parallel_loop3A_443 = vector.shape_cast %parallel_loop3A_442 : vector<1x1x16xf32> to vector<16xf32>
        %parallel_loop3A_444 = vector.shape_cast %parallel_loop3A_437 : vector<16xf32> to vector<1x1x16xf32>
        tpu.vector_store %arg14[%parallel_loop3A_439, %parallel_loop3A_440, %parallel_loop3A_441], %parallel_loop3A_444 {strides = array<i32>} : memref<12x8x128xf32, #tpu.memory_space<vmem>>, vector<1x1x16xf32>,
        %parallel_loop3A_445 = arith.mulf %parallel_loop3A_434, %parallel_loop3A_332 : vector<16xf32>
        %parallel_loop3A_446 = arith.constant 3 : i32
        %parallel_loop3A_447 = arith.index_cast %parallel_loop3A_314 : i32 to index
        %parallel_loop3A_448 = arith.index_cast %parallel_loop3A_446 : i32 to index
        %parallel_loop3A_449 = arith.index_cast %parallel_loop3A_320 : i32 to index
        %parallel_loop3A_450 = tpu.vector_load %arg15[%parallel_loop3A_447, %parallel_loop3A_448, %parallel_loop3A_449] {strides = array<i32>} : memref<12x8x128xf32, #tpu.memory_space<vmem>>, vector<1x1x16xf32>,
        %parallel_loop3A_451 = vector.shape_cast %parallel_loop3A_450 : vector<1x1x16xf32> to vector<16xf32>
        %parallel_loop3A_452 = vector.shape_cast %parallel_loop3A_445 : vector<16xf32> to vector<1x1x16xf32>
        tpu.vector_store %arg15[%parallel_loop3A_447, %parallel_loop3A_448, %parallel_loop3A_449], %parallel_loop3A_452 {strides = array<i32>} : memref<12x8x128xf32, #tpu.memory_space<vmem>>, vector<1x1x16xf32>,
        %parallel_loop3A_453 = arith.constant 4 : i32
        %parallel_loop3A_454 = arith.index_cast %parallel_loop3A_314 : i32 to index
        %parallel_loop3A_455 = arith.index_cast %parallel_loop3A_453 : i32 to index
        %parallel_loop3A_456 = arith.index_cast %parallel_loop3A_320 : i32 to index
        %parallel_loop3A_457 = tpu.vector_load %arg14[%parallel_loop3A_454, %parallel_loop3A_455, %parallel_loop3A_456] {strides = array<i32>} : memref<12x8x128xf32, #tpu.memory_space<vmem>>, vector<1x1x16xf32>,
        %parallel_loop3A_458 = vector.shape_cast %parallel_loop3A_457 : vector<1x1x16xf32> to vector<16xf32>
        %parallel_loop3A_459 = arith.constant 4 : i32
        %parallel_loop3A_460 = arith.index_cast %parallel_loop3A_314 : i32 to index
        %parallel_loop3A_461 = arith.index_cast %parallel_loop3A_459 : i32 to index
        %parallel_loop3A_462 = arith.index_cast %parallel_loop3A_320 : i32 to index
        %parallel_loop3A_463 = tpu.vector_load %arg15[%parallel_loop3A_460, %parallel_loop3A_461, %parallel_loop3A_462] {strides = array<i32>} : memref<12x8x128xf32, #tpu.memory_space<vmem>>, vector<1x1x16xf32>,
        %parallel_loop3A_464 = vector.shape_cast %parallel_loop3A_463 : vector<1x1x16xf32> to vector<16xf32>
        %parallel_loop3A_465 = arith.mulf %parallel_loop3A_458, %parallel_loop3A_324 : vector<16xf32>
        %parallel_loop3A_466 = arith.mulf %parallel_loop3A_464, %parallel_loop3A_328 : vector<16xf32>
        %parallel_loop3A_467 = arith.addf %parallel_loop3A_465, %parallel_loop3A_466 : vector<16xf32>
        %parallel_loop3A_468 = arith.constant 4 : i32
        %parallel_loop3A_469 = arith.index_cast %parallel_loop3A_314 : i32 to index
        %parallel_loop3A_470 = arith.index_cast %parallel_loop3A_468 : i32 to index
        %parallel_loop3A_471 = arith.index_cast %parallel_loop3A_320 : i32 to index
        %parallel_loop3A_472 = tpu.vector_load %arg14[%parallel_loop3A_469, %parallel_loop3A_470, %parallel_loop3A_471] {strides = array<i32>} : memref<12x8x128xf32, #tpu.memory_space<vmem>>, vector<1x1x16xf32>,
        %parallel_loop3A_473 = vector.shape_cast %parallel_loop3A_472 : vector<1x1x16xf32> to vector<16xf32>
        %parallel_loop3A_474 = vector.shape_cast %parallel_loop3A_467 : vector<16xf32> to vector<1x1x16xf32>
        tpu.vector_store %arg14[%parallel_loop3A_469, %parallel_loop3A_470, %parallel_loop3A_471], %parallel_loop3A_474 {strides = array<i32>} : memref<12x8x128xf32, #tpu.memory_space<vmem>>, vector<1x1x16xf32>,
        %parallel_loop3A_475 = arith.mulf %parallel_loop3A_464, %parallel_loop3A_332 : vector<16xf32>
        %parallel_loop3A_476 = arith.constant 4 : i32
        %parallel_loop3A_477 = arith.index_cast %parallel_loop3A_314 : i32 to index
        %parallel_loop3A_478 = arith.index_cast %parallel_loop3A_476 : i32 to index
        %parallel_loop3A_479 = arith.index_cast %parallel_loop3A_320 : i32 to index
        %parallel_loop3A_480 = tpu.vector_load %arg15[%parallel_loop3A_477, %parallel_loop3A_478, %parallel_loop3A_479] {strides = array<i32>} : memref<12x8x128xf32, #tpu.memory_space<vmem>>, vector<1x1x16xf32>,
        %parallel_loop3A_481 = vector.shape_cast %parallel_loop3A_480 : vector<1x1x16xf32> to vector<16xf32>
        %parallel_loop3A_482 = vector.shape_cast %parallel_loop3A_475 : vector<16xf32> to vector<1x1x16xf32>
        tpu.vector_store %arg15[%parallel_loop3A_477, %parallel_loop3A_478, %parallel_loop3A_479], %parallel_loop3A_482 {strides = array<i32>} : memref<12x8x128xf32, #tpu.memory_space<vmem>>, vector<1x1x16xf32>,
        %parallel_loop3A_483 = arith.constant 5 : i32
        %parallel_loop3A_484 = arith.index_cast %parallel_loop3A_314 : i32 to index
        %parallel_loop3A_485 = arith.index_cast %parallel_loop3A_483 : i32 to index
        %parallel_loop3A_486 = arith.index_cast %parallel_loop3A_320 : i32 to index
        %parallel_loop3A_487 = tpu.vector_load %arg14[%parallel_loop3A_484, %parallel_loop3A_485, %parallel_loop3A_486] {strides = array<i32>} : memref<12x8x128xf32, #tpu.memory_space<vmem>>, vector<1x1x16xf32>,
        %parallel_loop3A_488 = vector.shape_cast %parallel_loop3A_487 : vector<1x1x16xf32> to vector<16xf32>
        %parallel_loop3A_489 = arith.constant 5 : i32
        %parallel_loop3A_490 = arith.index_cast %parallel_loop3A_314 : i32 to index
        %parallel_loop3A_491 = arith.index_cast %parallel_loop3A_489 : i32 to index
        %parallel_loop3A_492 = arith.index_cast %parallel_loop3A_320 : i32 to index
        %parallel_loop3A_493 = tpu.vector_load %arg15[%parallel_loop3A_490, %parallel_loop3A_491, %parallel_loop3A_492] {strides = array<i32>} : memref<12x8x128xf32, #tpu.memory_space<vmem>>, vector<1x1x16xf32>,
        %parallel_loop3A_494 = vector.shape_cast %parallel_loop3A_493 : vector<1x1x16xf32> to vector<16xf32>
        %parallel_loop3A_495 = arith.mulf %parallel_loop3A_488, %parallel_loop3A_324 : vector<16xf32>
        %parallel_loop3A_496 = arith.mulf %parallel_loop3A_494, %parallel_loop3A_328 : vector<16xf32>
        %parallel_loop3A_497 = arith.addf %parallel_loop3A_495, %parallel_loop3A_496 : vector<16xf32>
        %parallel_loop3A_498 = arith.constant 5 : i32
        %parallel_loop3A_499 = arith.index_cast %parallel_loop3A_314 : i32 to index
        %parallel_loop3A_500 = arith.index_cast %parallel_loop3A_498 : i32 to index
        %parallel_loop3A_501 = arith.index_cast %parallel_loop3A_320 : i32 to index
        %parallel_loop3A_502 = tpu.vector_load %arg14[%parallel_loop3A_499, %parallel_loop3A_500, %parallel_loop3A_501] {strides = array<i32>} : memref<12x8x128xf32, #tpu.memory_space<vmem>>, vector<1x1x16xf32>,
        %parallel_loop3A_503 = vector.shape_cast %parallel_loop3A_502 : vector<1x1x16xf32> to vector<16xf32>
        %parallel_loop3A_504 = vector.shape_cast %parallel_loop3A_497 : vector<16xf32> to vector<1x1x16xf32>
        tpu.vector_store %arg14[%parallel_loop3A_499, %parallel_loop3A_500, %parallel_loop3A_501], %parallel_loop3A_504 {strides = array<i32>} : memref<12x8x128xf32, #tpu.memory_space<vmem>>, vector<1x1x16xf32>,
        %parallel_loop3A_505 = arith.mulf %parallel_loop3A_494, %parallel_loop3A_332 : vector<16xf32>
        %parallel_loop3A_506 = arith.constant 5 : i32
        %parallel_loop3A_507 = arith.index_cast %parallel_loop3A_314 : i32 to index
        %parallel_loop3A_508 = arith.index_cast %parallel_loop3A_506 : i32 to index
        %parallel_loop3A_509 = arith.index_cast %parallel_loop3A_320 : i32 to index
        %parallel_loop3A_510 = tpu.vector_load %arg15[%parallel_loop3A_507, %parallel_loop3A_508, %parallel_loop3A_509] {strides = array<i32>} : memref<12x8x128xf32, #tpu.memory_space<vmem>>, vector<1x1x16xf32>,
        %parallel_loop3A_511 = vector.shape_cast %parallel_loop3A_510 : vector<1x1x16xf32> to vector<16xf32>
        %parallel_loop3A_512 = vector.shape_cast %parallel_loop3A_505 : vector<16xf32> to vector<1x1x16xf32>
        tpu.vector_store %arg15[%parallel_loop3A_507, %parallel_loop3A_508, %parallel_loop3A_509], %parallel_loop3A_512 {strides = array<i32>} : memref<12x8x128xf32, #tpu.memory_space<vmem>>, vector<1x1x16xf32>,
        %parallel_loop3A_513 = arith.constant 6 : i32
        %parallel_loop3A_514 = arith.index_cast %parallel_loop3A_314 : i32 to index
        %parallel_loop3A_515 = arith.index_cast %parallel_loop3A_513 : i32 to index
        %parallel_loop3A_516 = arith.index_cast %parallel_loop3A_320 : i32 to index
        %parallel_loop3A_517 = tpu.vector_load %arg14[%parallel_loop3A_514, %parallel_loop3A_515, %parallel_loop3A_516] {strides = array<i32>} : memref<12x8x128xf32, #tpu.memory_space<vmem>>, vector<1x1x16xf32>,
        %parallel_loop3A_518 = vector.shape_cast %parallel_loop3A_517 : vector<1x1x16xf32> to vector<16xf32>
        %parallel_loop3A_519 = arith.constant 6 : i32
        %parallel_loop3A_520 = arith.index_cast %parallel_loop3A_314 : i32 to index
        %parallel_loop3A_521 = arith.index_cast %parallel_loop3A_519 : i32 to index
        %parallel_loop3A_522 = arith.index_cast %parallel_loop3A_320 : i32 to index
        %parallel_loop3A_523 = tpu.vector_load %arg15[%parallel_loop3A_520, %parallel_loop3A_521, %parallel_loop3A_522] {strides = array<i32>} : memref<12x8x128xf32, #tpu.memory_space<vmem>>, vector<1x1x16xf32>,
        %parallel_loop3A_524 = vector.shape_cast %parallel_loop3A_523 : vector<1x1x16xf32> to vector<16xf32>
        %parallel_loop3A_525 = arith.mulf %parallel_loop3A_518, %parallel_loop3A_324 : vector<16xf32>
        %parallel_loop3A_526 = arith.mulf %parallel_loop3A_524, %parallel_loop3A_328 : vector<16xf32>
        %parallel_loop3A_527 = arith.addf %parallel_loop3A_525, %parallel_loop3A_526 : vector<16xf32>
        %parallel_loop3A_528 = arith.constant 6 : i32
        %parallel_loop3A_529 = arith.index_cast %parallel_loop3A_314 : i32 to index
        %parallel_loop3A_530 = arith.index_cast %parallel_loop3A_528 : i32 to index
        %parallel_loop3A_531 = arith.index_cast %parallel_loop3A_320 : i32 to index
        %parallel_loop3A_532 = tpu.vector_load %arg14[%parallel_loop3A_529, %parallel_loop3A_530, %parallel_loop3A_531] {strides = array<i32>} : memref<12x8x128xf32, #tpu.memory_space<vmem>>, vector<1x1x16xf32>,
        %parallel_loop3A_533 = vector.shape_cast %parallel_loop3A_532 : vector<1x1x16xf32> to vector<16xf32>
        %parallel_loop3A_534 = vector.shape_cast %parallel_loop3A_527 : vector<16xf32> to vector<1x1x16xf32>
        tpu.vector_store %arg14[%parallel_loop3A_529, %parallel_loop3A_530, %parallel_loop3A_531], %parallel_loop3A_534 {strides = array<i32>} : memref<12x8x128xf32, #tpu.memory_space<vmem>>, vector<1x1x16xf32>,
        %parallel_loop3A_535 = arith.mulf %parallel_loop3A_524, %parallel_loop3A_332 : vector<16xf32>
        %parallel_loop3A_536 = arith.constant 6 : i32
        %parallel_loop3A_537 = arith.index_cast %parallel_loop3A_314 : i32 to index
        %parallel_loop3A_538 = arith.index_cast %parallel_loop3A_536 : i32 to index
        %parallel_loop3A_539 = arith.index_cast %parallel_loop3A_320 : i32 to index
        %parallel_loop3A_540 = tpu.vector_load %arg15[%parallel_loop3A_537, %parallel_loop3A_538, %parallel_loop3A_539] {strides = array<i32>} : memref<12x8x128xf32, #tpu.memory_space<vmem>>, vector<1x1x16xf32>,
        %parallel_loop3A_541 = vector.shape_cast %parallel_loop3A_540 : vector<1x1x16xf32> to vector<16xf32>
        %parallel_loop3A_542 = vector.shape_cast %parallel_loop3A_535 : vector<16xf32> to vector<1x1x16xf32>
        tpu.vector_store %arg15[%parallel_loop3A_537, %parallel_loop3A_538, %parallel_loop3A_539], %parallel_loop3A_542 {strides = array<i32>} : memref<12x8x128xf32, #tpu.memory_space<vmem>>, vector<1x1x16xf32>,
        %parallel_loop3A_543 = arith.constant 7 : i32
        %parallel_loop3A_544 = arith.index_cast %parallel_loop3A_314 : i32 to index
        %parallel_loop3A_545 = arith.index_cast %parallel_loop3A_543 : i32 to index
        %parallel_loop3A_546 = arith.index_cast %parallel_loop3A_320 : i32 to index
        %parallel_loop3A_547 = tpu.vector_load %arg14[%parallel_loop3A_544, %parallel_loop3A_545, %parallel_loop3A_546] {strides = array<i32>} : memref<12x8x128xf32, #tpu.memory_space<vmem>>, vector<1x1x16xf32>,
        %parallel_loop3A_548 = vector.shape_cast %parallel_loop3A_547 : vector<1x1x16xf32> to vector<16xf32>
        %parallel_loop3A_549 = arith.constant 7 : i32
        %parallel_loop3A_550 = arith.index_cast %parallel_loop3A_314 : i32 to index
        %parallel_loop3A_551 = arith.index_cast %parallel_loop3A_549 : i32 to index
        %parallel_loop3A_552 = arith.index_cast %parallel_loop3A_320 : i32 to index
        %parallel_loop3A_553 = tpu.vector_load %arg15[%parallel_loop3A_550, %parallel_loop3A_551, %parallel_loop3A_552] {strides = array<i32>} : memref<12x8x128xf32, #tpu.memory_space<vmem>>, vector<1x1x16xf32>,
        %parallel_loop3A_554 = vector.shape_cast %parallel_loop3A_553 : vector<1x1x16xf32> to vector<16xf32>
        %parallel_loop3A_555 = arith.mulf %parallel_loop3A_548, %parallel_loop3A_324 : vector<16xf32>
        %parallel_loop3A_556 = arith.mulf %parallel_loop3A_554, %parallel_loop3A_328 : vector<16xf32>
        %parallel_loop3A_557 = arith.addf %parallel_loop3A_555, %parallel_loop3A_556 : vector<16xf32>
        %parallel_loop3A_558 = arith.constant 7 : i32
        %parallel_loop3A_559 = arith.index_cast %parallel_loop3A_314 : i32 to index
        %parallel_loop3A_560 = arith.index_cast %parallel_loop3A_558 : i32 to index
        %parallel_loop3A_561 = arith.index_cast %parallel_loop3A_320 : i32 to index
        %parallel_loop3A_562 = tpu.vector_load %arg14[%parallel_loop3A_559, %parallel_loop3A_560, %parallel_loop3A_561] {strides = array<i32>} : memref<12x8x128xf32, #tpu.memory_space<vmem>>, vector<1x1x16xf32>,
        %parallel_loop3A_563 = vector.shape_cast %parallel_loop3A_562 : vector<1x1x16xf32> to vector<16xf32>
        %parallel_loop3A_564 = vector.shape_cast %parallel_loop3A_557 : vector<16xf32> to vector<1x1x16xf32>
        tpu.vector_store %arg14[%parallel_loop3A_559, %parallel_loop3A_560, %parallel_loop3A_561], %parallel_loop3A_564 {strides = array<i32>} : memref<12x8x128xf32, #tpu.memory_space<vmem>>, vector<1x1x16xf32>,
        %parallel_loop3A_565 = arith.mulf %parallel_loop3A_554, %parallel_loop3A_332 : vector<16xf32>
        %parallel_loop3A_566 = arith.constant 7 : i32
        %parallel_loop3A_567 = arith.index_cast %parallel_loop3A_314 : i32 to index
        %parallel_loop3A_568 = arith.index_cast %parallel_loop3A_566 : i32 to index
        %parallel_loop3A_569 = arith.index_cast %parallel_loop3A_320 : i32 to index
        %parallel_loop3A_570 = tpu.vector_load %arg15[%parallel_loop3A_567, %parallel_loop3A_568, %parallel_loop3A_569] {strides = array<i32>} : memref<12x8x128xf32, #tpu.memory_space<vmem>>, vector<1x1x16xf32>,
        %parallel_loop3A_571 = vector.shape_cast %parallel_loop3A_570 : vector<1x1x16xf32> to vector<16xf32>
        %parallel_loop3A_572 = vector.shape_cast %parallel_loop3A_565 : vector<16xf32> to vector<1x1x16xf32>
        tpu.vector_store %arg15[%parallel_loop3A_567, %parallel_loop3A_568, %parallel_loop3A_569], %parallel_loop3A_572 {strides = array<i32>} : memref<12x8x128xf32, #tpu.memory_space<vmem>>, vector<1x1x16xf32>,
      } {sc.loop_unroll_factor = 4 : i64, sc.parallel_access}
      %mul3A_243 = arith.constant 12 : i32
      %mul3A_244 = arith.muli %add3A_227, %mul3A_243 : i32
      %add3A_245 = arith.addi %add3A_37, %mul3A_244 : i32
      %dma_start3A_246 = arith.constant 0 : i32
      %dma_start3A_247 = arith.constant 0 : i32
      %dma_start3A_248 = tpu.memref_slice %arg6[%add3A_245, %dma_start3A_246, %dma_start3A_247] : memref<12288x8x128xf32, #tpu.memory_space<hbm>> -> memref<12x8x128xf32, #tpu.memory_space<hbm>>
      %dma_start3A_249 = arith.constant 0 : i32
      %dma_start3A_250 = arith.constant 0 : i32
      %dma_start3A_251 = tpu.memref_slice %arg6[%add3A_245, %dma_start3A_249, %dma_start3A_250] : memref<12288x8x128xf32, #tpu.memory_space<hbm>> -> memref<12x8x128xf32, #tpu.memory_space<hbm>>
      tpu.enqueue_dma source(%arg14 : memref<12x8x128xf32, #tpu.memory_space<vmem>>) target(%dma_start3A_251 : memref<12x8x128xf32, #tpu.memory_space<hbm>>) target_semaphore(%arg24 : memref<!tpu.dma_semaphore, #tpu.memory_space<semaphore_mem>>)
      %add3A_252 = arith.addi %add3A_39, %mul3A_244 : i32
      %dma_start3A_253 = arith.constant 0 : i32
      %dma_start3A_254 = arith.constant 0 : i32
      %dma_start3A_255 = tpu.memref_slice %arg6[%add3A_252, %dma_start3A_253, %dma_start3A_254] : memref<12288x8x128xf32, #tpu.memory_space<hbm>> -> memref<12x8x128xf32, #tpu.memory_space<hbm>>
      %dma_start3A_256 = arith.constant 0 : i32
      %dma_start3A_257 = arith.constant 0 : i32
      %dma_start3A_258 = tpu.memref_slice %arg6[%add3A_252, %dma_start3A_256, %dma_start3A_257] : memref<12288x8x128xf32, #tpu.memory_space<hbm>> -> memref<12x8x128xf32, #tpu.memory_space<hbm>>
      tpu.enqueue_dma source(%arg15 : memref<12x8x128xf32, #tpu.memory_space<vmem>>) target(%dma_start3A_258 : memref<12x8x128xf32, #tpu.memory_space<hbm>>) target_semaphore(%arg24 : memref<!tpu.dma_semaphore, #tpu.memory_space<semaphore_mem>>)
      %add3A_259 = arith.constant 4 : i32
      %add3A_260 = arith.addi %add3A_227, %add3A_259 : i32
      %sub3A_261 = arith.constant 1 : i32
      %sub3A_262 = arith.subi %add3A_260, %sub3A_261 : i32
      %lt3A_263 = arith.constant 16 : i32
      %lt3A_264 = arith.cmpi slt, %sub3A_262, %lt3A_263 : i32
      %convert_element_type3A_265 = arith.extui %lt3A_264 : i1 to i32
      %cond3A_266 = arith.constant 0 : i32
      %cond3A_267 = arith.cmpi ne, %convert_element_type3A_265, %cond3A_266 : i32
      scf.if %cond3A_267 {
        %dma_wait3A_312 = arith.constant 0 : i32
        %dma_wait3A_313 = arith.constant 0 : i32
        %dma_wait3A_314 = tpu.memref_slice %arg6[%add3A_37, %dma_wait3A_312, %dma_wait3A_313] : memref<12288x8x128xf32, #tpu.memory_space<hbm>> -> memref<12x8x128xf32, #tpu.memory_space<hbm>>
        %dma_wait3A_315 = arith.constant 0 : i32
        %dma_wait3A_316 = arith.constant 0 : i32
        %dma_wait3A_317 = tpu.memref_slice %arg6[%add3A_37, %dma_wait3A_315, %dma_wait3A_316] : memref<12288x8x128xf32, #tpu.memory_space<hbm>> -> memref<12x8x128xf32, #tpu.memory_space<hbm>>
        tpu.wait_dma2 semaphore(%arg23 : memref<!tpu.dma_semaphore, #tpu.memory_space<semaphore_mem>>) src(%arg12 : memref<12x8x128xf32, #tpu.memory_space<vmem>>) dst(%dma_wait3A_317 : memref<12x8x128xf32, #tpu.memory_space<hbm>>)
        %dma_wait3A_318 = arith.constant 0 : i32
        %dma_wait3A_319 = arith.constant 0 : i32
        %dma_wait3A_320 = tpu.memref_slice %arg6[%add3A_39, %dma_wait3A_318, %dma_wait3A_319] : memref<12288x8x128xf32, #tpu.memory_space<hbm>> -> memref<12x8x128xf32, #tpu.memory_space<hbm>>
        %dma_wait3A_321 = arith.constant 0 : i32
        %dma_wait3A_322 = arith.constant 0 : i32
        %dma_wait3A_323 = tpu.memref_slice %arg6[%add3A_39, %dma_wait3A_321, %dma_wait3A_322] : memref<12288x8x128xf32, #tpu.memory_space<hbm>> -> memref<12x8x128xf32, #tpu.memory_space<hbm>>
        tpu.wait_dma2 semaphore(%arg23 : memref<!tpu.dma_semaphore, #tpu.memory_space<semaphore_mem>>) src(%arg13 : memref<12x8x128xf32, #tpu.memory_space<vmem>>) dst(%dma_wait3A_323 : memref<12x8x128xf32, #tpu.memory_space<hbm>>)
        %add3A_324 = arith.constant 4 : i32
        %add3A_325 = arith.addi %add3A_227, %add3A_324 : i32
        %sub3A_326 = arith.constant 1 : i32
        %sub3A_327 = arith.subi %add3A_325, %sub3A_326 : i32
        %mul3A_328 = arith.constant 12 : i32
        %mul3A_329 = arith.muli %sub3A_327, %mul3A_328 : i32
        %add3A_330 = arith.addi %add3A_37, %mul3A_329 : i32
        %dma_start3A_331 = arith.constant 0 : i32
        %dma_start3A_332 = arith.constant 0 : i32
        %dma_start3A_333 = tpu.memref_slice %arg2[%add3A_330, %dma_start3A_331, %dma_start3A_332] : memref<12288x8x128xf32, #tpu.memory_space<hbm>> -> memref<12x8x128xf32, #tpu.memory_space<hbm>>
        %dma_start3A_334 = arith.constant 0 : i32
        %dma_start3A_335 = arith.constant 0 : i32
        %dma_start3A_336 = tpu.memref_slice %arg2[%add3A_330, %dma_start3A_334, %dma_start3A_335] : memref<12288x8x128xf32, #tpu.memory_space<hbm>> -> memref<12x8x128xf32, #tpu.memory_space<hbm>>
        tpu.enqueue_dma source(%dma_start3A_336 : memref<12x8x128xf32, #tpu.memory_space<hbm>>) target(%arg12 : memref<12x8x128xf32, #tpu.memory_space<vmem>>) target_semaphore(%arg19 : memref<!tpu.dma_semaphore, #tpu.memory_space<semaphore_mem>>)
        %add3A_337 = arith.addi %add3A_39, %mul3A_329 : i32
        %dma_start3A_338 = arith.constant 0 : i32
        %dma_start3A_339 = arith.constant 0 : i32
        %dma_start3A_340 = tpu.memref_slice %arg2[%add3A_337, %dma_start3A_338, %dma_start3A_339] : memref<12288x8x128xf32, #tpu.memory_space<hbm>> -> memref<12x8x128xf32, #tpu.memory_space<hbm>>
        %dma_start3A_341 = arith.constant 0 : i32
        %dma_start3A_342 = arith.constant 0 : i32
        %dma_start3A_343 = tpu.memref_slice %arg2[%add3A_337, %dma_start3A_341, %dma_start3A_342] : memref<12288x8x128xf32, #tpu.memory_space<hbm>> -> memref<12x8x128xf32, #tpu.memory_space<hbm>>
        tpu.enqueue_dma source(%dma_start3A_343 : memref<12x8x128xf32, #tpu.memory_space<hbm>>) target(%arg13 : memref<12x8x128xf32, #tpu.memory_space<vmem>>) target_semaphore(%arg19 : memref<!tpu.dma_semaphore, #tpu.memory_space<semaphore_mem>>)
      } else {
      }
      %mul3A_268 = arith.constant 4 : i32
      %mul3A_269 = arith.muli %scan3A_138, %mul3A_268 : i32
      %add3A_270 = arith.constant 3 : i32
      %add3A_271 = arith.addi %mul3A_269, %add3A_270 : i32
      %dma_wait3A_272 = arith.constant 0 : i32
      %dma_wait3A_273 = arith.constant 0 : i32
      %dma_wait3A_274 = tpu.memref_slice %arg2[%add3A_37, %dma_wait3A_272, %dma_wait3A_273] : memref<12288x8x128xf32, #tpu.memory_space<hbm>> -> memref<12x8x128xf32, #tpu.memory_space<hbm>>
      %dma_wait3A_275 = arith.constant 0 : i32
      %dma_wait3A_276 = arith.constant 0 : i32
      %dma_wait3A_277 = tpu.memref_slice %arg2[%add3A_37, %dma_wait3A_275, %dma_wait3A_276] : memref<12288x8x128xf32, #tpu.memory_space<hbm>> -> memref<12x8x128xf32, #tpu.memory_space<hbm>>
      tpu.wait_dma2 semaphore(%arg21 : memref<!tpu.dma_semaphore, #tpu.memory_space<semaphore_mem>>) src(%dma_wait3A_277 : memref<12x8x128xf32, #tpu.memory_space<hbm>>) dst(%arg16 : memref<12x8x128xf32, #tpu.memory_space<vmem>>)
      %dma_wait3A_278 = arith.constant 0 : i32
      %dma_wait3A_279 = arith.constant 0 : i32
      %dma_wait3A_280 = tpu.memref_slice %arg2[%add3A_39, %dma_wait3A_278, %dma_wait3A_279] : memref<12288x8x128xf32, #tpu.memory_space<hbm>> -> memref<12x8x128xf32, #tpu.memory_space<hbm>>
      %dma_wait3A_281 = arith.constant 0 : i32
      %dma_wait3A_282 = arith.constant 0 : i32
      %dma_wait3A_283 = tpu.memref_slice %arg2[%add3A_39, %dma_wait3A_281, %dma_wait3A_282] : memref<12288x8x128xf32, #tpu.memory_space<hbm>> -> memref<12x8x128xf32, #tpu.memory_space<hbm>>
      tpu.wait_dma2 semaphore(%arg21 : memref<!tpu.dma_semaphore, #tpu.memory_space<semaphore_mem>>) src(%dma_wait3A_283 : memref<12x8x128xf32, #tpu.memory_space<hbm>>) dst(%arg17 : memref<12x8x128xf32, #tpu.memory_space<vmem>>)
      %parallel_loop3A_284 = arith.constant 0 : i32
      %parallel_loop3A_285 = arith.constant 96 : i32
      %parallel_loop3A_286 = arith.constant 1 : i32
      scf.for %parallel_loop3A_312 = %parallel_loop3A_284 to %parallel_loop3A_285 step %parallel_loop3A_286  : i32 {
        %parallel_loop3A_313 = arith.constant 8 : i32
        %parallel_loop3A_314 = arith.divsi %parallel_loop3A_312, %parallel_loop3A_313 : i32
        %parallel_loop3A_315 = arith.constant 8 : i32
        %parallel_loop3A_316 = arith.remsi %parallel_loop3A_312, %parallel_loop3A_315 : i32
        %parallel_loop3A_317 = arith.constant 6 : i32
        %parallel_loop3A_318 = arith.remsi %parallel_loop3A_314, %parallel_loop3A_317 : i32
        %parallel_loop3A_319 = arith.constant 16 : i32
        %parallel_loop3A_320 = arith.muli %parallel_loop3A_316, %parallel_loop3A_319 : i32
        %parallel_loop3A_321 = arith.index_cast %parallel_loop3A_318 : i32 to index
        %parallel_loop3A_322 = arith.index_cast %parallel_loop3A_320 : i32 to index
        %parallel_loop3A_323 = tpu.vector_load %arg7[%parallel_loop3A_321, %parallel_loop3A_322] {strides = array<i32>} : memref<6x128xf32, #tpu.memory_space<vmem>>, vector<1x16xf32>,
        %parallel_loop3A_324 = vector.shape_cast %parallel_loop3A_323 : vector<1x16xf32> to vector<16xf32>
        %parallel_loop3A_325 = arith.index_cast %parallel_loop3A_318 : i32 to index
        %parallel_loop3A_326 = arith.index_cast %parallel_loop3A_320 : i32 to index
        %parallel_loop3A_327 = tpu.vector_load %arg8[%parallel_loop3A_325, %parallel_loop3A_326] {strides = array<i32>} : memref<6x128xf32, #tpu.memory_space<vmem>>, vector<1x16xf32>,
        %parallel_loop3A_328 = vector.shape_cast %parallel_loop3A_327 : vector<1x16xf32> to vector<16xf32>
        %parallel_loop3A_329 = arith.index_cast %parallel_loop3A_318 : i32 to index
        %parallel_loop3A_330 = arith.index_cast %parallel_loop3A_320 : i32 to index
        %parallel_loop3A_331 = tpu.vector_load %arg9[%parallel_loop3A_329, %parallel_loop3A_330] {strides = array<i32>} : memref<6x128xf32, #tpu.memory_space<vmem>>, vector<1x16xf32>,
        %parallel_loop3A_332 = vector.shape_cast %parallel_loop3A_331 : vector<1x16xf32> to vector<16xf32>
        %parallel_loop3A_333 = arith.constant 0 : i32
        %parallel_loop3A_334 = arith.index_cast %parallel_loop3A_314 : i32 to index
        %parallel_loop3A_335 = arith.index_cast %parallel_loop3A_333 : i32 to index
        %parallel_loop3A_336 = arith.index_cast %parallel_loop3A_320 : i32 to index
        %parallel_loop3A_337 = tpu.vector_load %arg16[%parallel_loop3A_334, %parallel_loop3A_335, %parallel_loop3A_336] {strides = array<i32>} : memref<12x8x128xf32, #tpu.memory_space<vmem>>, vector<1x1x16xf32>,
        %parallel_loop3A_338 = vector.shape_cast %parallel_loop3A_337 : vector<1x1x16xf32> to vector<16xf32>
        %parallel_loop3A_339 = arith.constant 0 : i32
        %parallel_loop3A_340 = arith.index_cast %parallel_loop3A_314 : i32 to index
        %parallel_loop3A_341 = arith.index_cast %parallel_loop3A_339 : i32 to index
        %parallel_loop3A_342 = arith.index_cast %parallel_loop3A_320 : i32 to index
        %parallel_loop3A_343 = tpu.vector_load %arg17[%parallel_loop3A_340, %parallel_loop3A_341, %parallel_loop3A_342] {strides = array<i32>} : memref<12x8x128xf32, #tpu.memory_space<vmem>>, vector<1x1x16xf32>,
        %parallel_loop3A_344 = vector.shape_cast %parallel_loop3A_343 : vector<1x1x16xf32> to vector<16xf32>
        %parallel_loop3A_345 = arith.mulf %parallel_loop3A_338, %parallel_loop3A_324 : vector<16xf32>
        %parallel_loop3A_346 = arith.mulf %parallel_loop3A_344, %parallel_loop3A_328 : vector<16xf32>
        %parallel_loop3A_347 = arith.addf %parallel_loop3A_345, %parallel_loop3A_346 : vector<16xf32>
        %parallel_loop3A_348 = arith.constant 0 : i32
        %parallel_loop3A_349 = arith.index_cast %parallel_loop3A_314 : i32 to index
        %parallel_loop3A_350 = arith.index_cast %parallel_loop3A_348 : i32 to index
        %parallel_loop3A_351 = arith.index_cast %parallel_loop3A_320 : i32 to index
        %parallel_loop3A_352 = tpu.vector_load %arg16[%parallel_loop3A_349, %parallel_loop3A_350, %parallel_loop3A_351] {strides = array<i32>} : memref<12x8x128xf32, #tpu.memory_space<vmem>>, vector<1x1x16xf32>,
        %parallel_loop3A_353 = vector.shape_cast %parallel_loop3A_352 : vector<1x1x16xf32> to vector<16xf32>
        %parallel_loop3A_354 = vector.shape_cast %parallel_loop3A_347 : vector<16xf32> to vector<1x1x16xf32>
        tpu.vector_store %arg16[%parallel_loop3A_349, %parallel_loop3A_350, %parallel_loop3A_351], %parallel_loop3A_354 {strides = array<i32>} : memref<12x8x128xf32, #tpu.memory_space<vmem>>, vector<1x1x16xf32>,
        %parallel_loop3A_355 = arith.mulf %parallel_loop3A_344, %parallel_loop3A_332 : vector<16xf32>
        %parallel_loop3A_356 = arith.constant 0 : i32
        %parallel_loop3A_357 = arith.index_cast %parallel_loop3A_314 : i32 to index
        %parallel_loop3A_358 = arith.index_cast %parallel_loop3A_356 : i32 to index
        %parallel_loop3A_359 = arith.index_cast %parallel_loop3A_320 : i32 to index
        %parallel_loop3A_360 = tpu.vector_load %arg17[%parallel_loop3A_357, %parallel_loop3A_358, %parallel_loop3A_359] {strides = array<i32>} : memref<12x8x128xf32, #tpu.memory_space<vmem>>, vector<1x1x16xf32>,
        %parallel_loop3A_361 = vector.shape_cast %parallel_loop3A_360 : vector<1x1x16xf32> to vector<16xf32>
        %parallel_loop3A_362 = vector.shape_cast %parallel_loop3A_355 : vector<16xf32> to vector<1x1x16xf32>
        tpu.vector_store %arg17[%parallel_loop3A_357, %parallel_loop3A_358, %parallel_loop3A_359], %parallel_loop3A_362 {strides = array<i32>} : memref<12x8x128xf32, #tpu.memory_space<vmem>>, vector<1x1x16xf32>,
        %parallel_loop3A_363 = arith.constant 1 : i32
        %parallel_loop3A_364 = arith.index_cast %parallel_loop3A_314 : i32 to index
        %parallel_loop3A_365 = arith.index_cast %parallel_loop3A_363 : i32 to index
        %parallel_loop3A_366 = arith.index_cast %parallel_loop3A_320 : i32 to index
        %parallel_loop3A_367 = tpu.vector_load %arg16[%parallel_loop3A_364, %parallel_loop3A_365, %parallel_loop3A_366] {strides = array<i32>} : memref<12x8x128xf32, #tpu.memory_space<vmem>>, vector<1x1x16xf32>,
        %parallel_loop3A_368 = vector.shape_cast %parallel_loop3A_367 : vector<1x1x16xf32> to vector<16xf32>
        %parallel_loop3A_369 = arith.constant 1 : i32
        %parallel_loop3A_370 = arith.index_cast %parallel_loop3A_314 : i32 to index
        %parallel_loop3A_371 = arith.index_cast %parallel_loop3A_369 : i32 to index
        %parallel_loop3A_372 = arith.index_cast %parallel_loop3A_320 : i32 to index
        %parallel_loop3A_373 = tpu.vector_load %arg17[%parallel_loop3A_370, %parallel_loop3A_371, %parallel_loop3A_372] {strides = array<i32>} : memref<12x8x128xf32, #tpu.memory_space<vmem>>, vector<1x1x16xf32>,
        %parallel_loop3A_374 = vector.shape_cast %parallel_loop3A_373 : vector<1x1x16xf32> to vector<16xf32>
        %parallel_loop3A_375 = arith.mulf %parallel_loop3A_368, %parallel_loop3A_324 : vector<16xf32>
        %parallel_loop3A_376 = arith.mulf %parallel_loop3A_374, %parallel_loop3A_328 : vector<16xf32>
        %parallel_loop3A_377 = arith.addf %parallel_loop3A_375, %parallel_loop3A_376 : vector<16xf32>
        %parallel_loop3A_378 = arith.constant 1 : i32
        %parallel_loop3A_379 = arith.index_cast %parallel_loop3A_314 : i32 to index
        %parallel_loop3A_380 = arith.index_cast %parallel_loop3A_378 : i32 to index
        %parallel_loop3A_381 = arith.index_cast %parallel_loop3A_320 : i32 to index
        %parallel_loop3A_382 = tpu.vector_load %arg16[%parallel_loop3A_379, %parallel_loop3A_380, %parallel_loop3A_381] {strides = array<i32>} : memref<12x8x128xf32, #tpu.memory_space<vmem>>, vector<1x1x16xf32>,
        %parallel_loop3A_383 = vector.shape_cast %parallel_loop3A_382 : vector<1x1x16xf32> to vector<16xf32>
        %parallel_loop3A_384 = vector.shape_cast %parallel_loop3A_377 : vector<16xf32> to vector<1x1x16xf32>
        tpu.vector_store %arg16[%parallel_loop3A_379, %parallel_loop3A_380, %parallel_loop3A_381], %parallel_loop3A_384 {strides = array<i32>} : memref<12x8x128xf32, #tpu.memory_space<vmem>>, vector<1x1x16xf32>,
        %parallel_loop3A_385 = arith.mulf %parallel_loop3A_374, %parallel_loop3A_332 : vector<16xf32>
        %parallel_loop3A_386 = arith.constant 1 : i32
        %parallel_loop3A_387 = arith.index_cast %parallel_loop3A_314 : i32 to index
        %parallel_loop3A_388 = arith.index_cast %parallel_loop3A_386 : i32 to index
        %parallel_loop3A_389 = arith.index_cast %parallel_loop3A_320 : i32 to index
        %parallel_loop3A_390 = tpu.vector_load %arg17[%parallel_loop3A_387, %parallel_loop3A_388, %parallel_loop3A_389] {strides = array<i32>} : memref<12x8x128xf32, #tpu.memory_space<vmem>>, vector<1x1x16xf32>,
        %parallel_loop3A_391 = vector.shape_cast %parallel_loop3A_390 : vector<1x1x16xf32> to vector<16xf32>
        %parallel_loop3A_392 = vector.shape_cast %parallel_loop3A_385 : vector<16xf32> to vector<1x1x16xf32>
        tpu.vector_store %arg17[%parallel_loop3A_387, %parallel_loop3A_388, %parallel_loop3A_389], %parallel_loop3A_392 {strides = array<i32>} : memref<12x8x128xf32, #tpu.memory_space<vmem>>, vector<1x1x16xf32>,
        %parallel_loop3A_393 = arith.constant 2 : i32
        %parallel_loop3A_394 = arith.index_cast %parallel_loop3A_314 : i32 to index
        %parallel_loop3A_395 = arith.index_cast %parallel_loop3A_393 : i32 to index
        %parallel_loop3A_396 = arith.index_cast %parallel_loop3A_320 : i32 to index
        %parallel_loop3A_397 = tpu.vector_load %arg16[%parallel_loop3A_394, %parallel_loop3A_395, %parallel_loop3A_396] {strides = array<i32>} : memref<12x8x128xf32, #tpu.memory_space<vmem>>, vector<1x1x16xf32>,
        %parallel_loop3A_398 = vector.shape_cast %parallel_loop3A_397 : vector<1x1x16xf32> to vector<16xf32>
        %parallel_loop3A_399 = arith.constant 2 : i32
        %parallel_loop3A_400 = arith.index_cast %parallel_loop3A_314 : i32 to index
        %parallel_loop3A_401 = arith.index_cast %parallel_loop3A_399 : i32 to index
        %parallel_loop3A_402 = arith.index_cast %parallel_loop3A_320 : i32 to index
        %parallel_loop3A_403 = tpu.vector_load %arg17[%parallel_loop3A_400, %parallel_loop3A_401, %parallel_loop3A_402] {strides = array<i32>} : memref<12x8x128xf32, #tpu.memory_space<vmem>>, vector<1x1x16xf32>,
        %parallel_loop3A_404 = vector.shape_cast %parallel_loop3A_403 : vector<1x1x16xf32> to vector<16xf32>
        %parallel_loop3A_405 = arith.mulf %parallel_loop3A_398, %parallel_loop3A_324 : vector<16xf32>
        %parallel_loop3A_406 = arith.mulf %parallel_loop3A_404, %parallel_loop3A_328 : vector<16xf32>
        %parallel_loop3A_407 = arith.addf %parallel_loop3A_405, %parallel_loop3A_406 : vector<16xf32>
        %parallel_loop3A_408 = arith.constant 2 : i32
        %parallel_loop3A_409 = arith.index_cast %parallel_loop3A_314 : i32 to index
        %parallel_loop3A_410 = arith.index_cast %parallel_loop3A_408 : i32 to index
        %parallel_loop3A_411 = arith.index_cast %parallel_loop3A_320 : i32 to index
        %parallel_loop3A_412 = tpu.vector_load %arg16[%parallel_loop3A_409, %parallel_loop3A_410, %parallel_loop3A_411] {strides = array<i32>} : memref<12x8x128xf32, #tpu.memory_space<vmem>>, vector<1x1x16xf32>,
        %parallel_loop3A_413 = vector.shape_cast %parallel_loop3A_412 : vector<1x1x16xf32> to vector<16xf32>
        %parallel_loop3A_414 = vector.shape_cast %parallel_loop3A_407 : vector<16xf32> to vector<1x1x16xf32>
        tpu.vector_store %arg16[%parallel_loop3A_409, %parallel_loop3A_410, %parallel_loop3A_411], %parallel_loop3A_414 {strides = array<i32>} : memref<12x8x128xf32, #tpu.memory_space<vmem>>, vector<1x1x16xf32>,
        %parallel_loop3A_415 = arith.mulf %parallel_loop3A_404, %parallel_loop3A_332 : vector<16xf32>
        %parallel_loop3A_416 = arith.constant 2 : i32
        %parallel_loop3A_417 = arith.index_cast %parallel_loop3A_314 : i32 to index
        %parallel_loop3A_418 = arith.index_cast %parallel_loop3A_416 : i32 to index
        %parallel_loop3A_419 = arith.index_cast %parallel_loop3A_320 : i32 to index
        %parallel_loop3A_420 = tpu.vector_load %arg17[%parallel_loop3A_417, %parallel_loop3A_418, %parallel_loop3A_419] {strides = array<i32>} : memref<12x8x128xf32, #tpu.memory_space<vmem>>, vector<1x1x16xf32>,
        %parallel_loop3A_421 = vector.shape_cast %parallel_loop3A_420 : vector<1x1x16xf32> to vector<16xf32>
        %parallel_loop3A_422 = vector.shape_cast %parallel_loop3A_415 : vector<16xf32> to vector<1x1x16xf32>
        tpu.vector_store %arg17[%parallel_loop3A_417, %parallel_loop3A_418, %parallel_loop3A_419], %parallel_loop3A_422 {strides = array<i32>} : memref<12x8x128xf32, #tpu.memory_space<vmem>>, vector<1x1x16xf32>,
        %parallel_loop3A_423 = arith.constant 3 : i32
        %parallel_loop3A_424 = arith.index_cast %parallel_loop3A_314 : i32 to index
        %parallel_loop3A_425 = arith.index_cast %parallel_loop3A_423 : i32 to index
        %parallel_loop3A_426 = arith.index_cast %parallel_loop3A_320 : i32 to index
        %parallel_loop3A_427 = tpu.vector_load %arg16[%parallel_loop3A_424, %parallel_loop3A_425, %parallel_loop3A_426] {strides = array<i32>} : memref<12x8x128xf32, #tpu.memory_space<vmem>>, vector<1x1x16xf32>,
        %parallel_loop3A_428 = vector.shape_cast %parallel_loop3A_427 : vector<1x1x16xf32> to vector<16xf32>
        %parallel_loop3A_429 = arith.constant 3 : i32
        %parallel_loop3A_430 = arith.index_cast %parallel_loop3A_314 : i32 to index
        %parallel_loop3A_431 = arith.index_cast %parallel_loop3A_429 : i32 to index
        %parallel_loop3A_432 = arith.index_cast %parallel_loop3A_320 : i32 to index
        %parallel_loop3A_433 = tpu.vector_load %arg17[%parallel_loop3A_430, %parallel_loop3A_431, %parallel_loop3A_432] {strides = array<i32>} : memref<12x8x128xf32, #tpu.memory_space<vmem>>, vector<1x1x16xf32>,
        %parallel_loop3A_434 = vector.shape_cast %parallel_loop3A_433 : vector<1x1x16xf32> to vector<16xf32>
        %parallel_loop3A_435 = arith.mulf %parallel_loop3A_428, %parallel_loop3A_324 : vector<16xf32>
        %parallel_loop3A_436 = arith.mulf %parallel_loop3A_434, %parallel_loop3A_328 : vector<16xf32>
        %parallel_loop3A_437 = arith.addf %parallel_loop3A_435, %parallel_loop3A_436 : vector<16xf32>
        %parallel_loop3A_438 = arith.constant 3 : i32
        %parallel_loop3A_439 = arith.index_cast %parallel_loop3A_314 : i32 to index
        %parallel_loop3A_440 = arith.index_cast %parallel_loop3A_438 : i32 to index
        %parallel_loop3A_441 = arith.index_cast %parallel_loop3A_320 : i32 to index
        %parallel_loop3A_442 = tpu.vector_load %arg16[%parallel_loop3A_439, %parallel_loop3A_440, %parallel_loop3A_441] {strides = array<i32>} : memref<12x8x128xf32, #tpu.memory_space<vmem>>, vector<1x1x16xf32>,
        %parallel_loop3A_443 = vector.shape_cast %parallel_loop3A_442 : vector<1x1x16xf32> to vector<16xf32>
        %parallel_loop3A_444 = vector.shape_cast %parallel_loop3A_437 : vector<16xf32> to vector<1x1x16xf32>
        tpu.vector_store %arg16[%parallel_loop3A_439, %parallel_loop3A_440, %parallel_loop3A_441], %parallel_loop3A_444 {strides = array<i32>} : memref<12x8x128xf32, #tpu.memory_space<vmem>>, vector<1x1x16xf32>,
        %parallel_loop3A_445 = arith.mulf %parallel_loop3A_434, %parallel_loop3A_332 : vector<16xf32>
        %parallel_loop3A_446 = arith.constant 3 : i32
        %parallel_loop3A_447 = arith.index_cast %parallel_loop3A_314 : i32 to index
        %parallel_loop3A_448 = arith.index_cast %parallel_loop3A_446 : i32 to index
        %parallel_loop3A_449 = arith.index_cast %parallel_loop3A_320 : i32 to index
        %parallel_loop3A_450 = tpu.vector_load %arg17[%parallel_loop3A_447, %parallel_loop3A_448, %parallel_loop3A_449] {strides = array<i32>} : memref<12x8x128xf32, #tpu.memory_space<vmem>>, vector<1x1x16xf32>,
        %parallel_loop3A_451 = vector.shape_cast %parallel_loop3A_450 : vector<1x1x16xf32> to vector<16xf32>
        %parallel_loop3A_452 = vector.shape_cast %parallel_loop3A_445 : vector<16xf32> to vector<1x1x16xf32>
        tpu.vector_store %arg17[%parallel_loop3A_447, %parallel_loop3A_448, %parallel_loop3A_449], %parallel_loop3A_452 {strides = array<i32>} : memref<12x8x128xf32, #tpu.memory_space<vmem>>, vector<1x1x16xf32>,
        %parallel_loop3A_453 = arith.constant 4 : i32
        %parallel_loop3A_454 = arith.index_cast %parallel_loop3A_314 : i32 to index
        %parallel_loop3A_455 = arith.index_cast %parallel_loop3A_453 : i32 to index
        %parallel_loop3A_456 = arith.index_cast %parallel_loop3A_320 : i32 to index
        %parallel_loop3A_457 = tpu.vector_load %arg16[%parallel_loop3A_454, %parallel_loop3A_455, %parallel_loop3A_456] {strides = array<i32>} : memref<12x8x128xf32, #tpu.memory_space<vmem>>, vector<1x1x16xf32>,
        %parallel_loop3A_458 = vector.shape_cast %parallel_loop3A_457 : vector<1x1x16xf32> to vector<16xf32>
        %parallel_loop3A_459 = arith.constant 4 : i32
        %parallel_loop3A_460 = arith.index_cast %parallel_loop3A_314 : i32 to index
        %parallel_loop3A_461 = arith.index_cast %parallel_loop3A_459 : i32 to index
        %parallel_loop3A_462 = arith.index_cast %parallel_loop3A_320 : i32 to index
        %parallel_loop3A_463 = tpu.vector_load %arg17[%parallel_loop3A_460, %parallel_loop3A_461, %parallel_loop3A_462] {strides = array<i32>} : memref<12x8x128xf32, #tpu.memory_space<vmem>>, vector<1x1x16xf32>,
        %parallel_loop3A_464 = vector.shape_cast %parallel_loop3A_463 : vector<1x1x16xf32> to vector<16xf32>
        %parallel_loop3A_465 = arith.mulf %parallel_loop3A_458, %parallel_loop3A_324 : vector<16xf32>
        %parallel_loop3A_466 = arith.mulf %parallel_loop3A_464, %parallel_loop3A_328 : vector<16xf32>
        %parallel_loop3A_467 = arith.addf %parallel_loop3A_465, %parallel_loop3A_466 : vector<16xf32>
        %parallel_loop3A_468 = arith.constant 4 : i32
        %parallel_loop3A_469 = arith.index_cast %parallel_loop3A_314 : i32 to index
        %parallel_loop3A_470 = arith.index_cast %parallel_loop3A_468 : i32 to index
        %parallel_loop3A_471 = arith.index_cast %parallel_loop3A_320 : i32 to index
        %parallel_loop3A_472 = tpu.vector_load %arg16[%parallel_loop3A_469, %parallel_loop3A_470, %parallel_loop3A_471] {strides = array<i32>} : memref<12x8x128xf32, #tpu.memory_space<vmem>>, vector<1x1x16xf32>,
        %parallel_loop3A_473 = vector.shape_cast %parallel_loop3A_472 : vector<1x1x16xf32> to vector<16xf32>
        %parallel_loop3A_474 = vector.shape_cast %parallel_loop3A_467 : vector<16xf32> to vector<1x1x16xf32>
        tpu.vector_store %arg16[%parallel_loop3A_469, %parallel_loop3A_470, %parallel_loop3A_471], %parallel_loop3A_474 {strides = array<i32>} : memref<12x8x128xf32, #tpu.memory_space<vmem>>, vector<1x1x16xf32>,
        %parallel_loop3A_475 = arith.mulf %parallel_loop3A_464, %parallel_loop3A_332 : vector<16xf32>
        %parallel_loop3A_476 = arith.constant 4 : i32
        %parallel_loop3A_477 = arith.index_cast %parallel_loop3A_314 : i32 to index
        %parallel_loop3A_478 = arith.index_cast %parallel_loop3A_476 : i32 to index
        %parallel_loop3A_479 = arith.index_cast %parallel_loop3A_320 : i32 to index
        %parallel_loop3A_480 = tpu.vector_load %arg17[%parallel_loop3A_477, %parallel_loop3A_478, %parallel_loop3A_479] {strides = array<i32>} : memref<12x8x128xf32, #tpu.memory_space<vmem>>, vector<1x1x16xf32>,
        %parallel_loop3A_481 = vector.shape_cast %parallel_loop3A_480 : vector<1x1x16xf32> to vector<16xf32>
        %parallel_loop3A_482 = vector.shape_cast %parallel_loop3A_475 : vector<16xf32> to vector<1x1x16xf32>
        tpu.vector_store %arg17[%parallel_loop3A_477, %parallel_loop3A_478, %parallel_loop3A_479], %parallel_loop3A_482 {strides = array<i32>} : memref<12x8x128xf32, #tpu.memory_space<vmem>>, vector<1x1x16xf32>,
        %parallel_loop3A_483 = arith.constant 5 : i32
        %parallel_loop3A_484 = arith.index_cast %parallel_loop3A_314 : i32 to index
        %parallel_loop3A_485 = arith.index_cast %parallel_loop3A_483 : i32 to index
        %parallel_loop3A_486 = arith.index_cast %parallel_loop3A_320 : i32 to index
        %parallel_loop3A_487 = tpu.vector_load %arg16[%parallel_loop3A_484, %parallel_loop3A_485, %parallel_loop3A_486] {strides = array<i32>} : memref<12x8x128xf32, #tpu.memory_space<vmem>>, vector<1x1x16xf32>,
        %parallel_loop3A_488 = vector.shape_cast %parallel_loop3A_487 : vector<1x1x16xf32> to vector<16xf32>
        %parallel_loop3A_489 = arith.constant 5 : i32
        %parallel_loop3A_490 = arith.index_cast %parallel_loop3A_314 : i32 to index
        %parallel_loop3A_491 = arith.index_cast %parallel_loop3A_489 : i32 to index
        %parallel_loop3A_492 = arith.index_cast %parallel_loop3A_320 : i32 to index
        %parallel_loop3A_493 = tpu.vector_load %arg17[%parallel_loop3A_490, %parallel_loop3A_491, %parallel_loop3A_492] {strides = array<i32>} : memref<12x8x128xf32, #tpu.memory_space<vmem>>, vector<1x1x16xf32>,
        %parallel_loop3A_494 = vector.shape_cast %parallel_loop3A_493 : vector<1x1x16xf32> to vector<16xf32>
        %parallel_loop3A_495 = arith.mulf %parallel_loop3A_488, %parallel_loop3A_324 : vector<16xf32>
        %parallel_loop3A_496 = arith.mulf %parallel_loop3A_494, %parallel_loop3A_328 : vector<16xf32>
        %parallel_loop3A_497 = arith.addf %parallel_loop3A_495, %parallel_loop3A_496 : vector<16xf32>
        %parallel_loop3A_498 = arith.constant 5 : i32
        %parallel_loop3A_499 = arith.index_cast %parallel_loop3A_314 : i32 to index
        %parallel_loop3A_500 = arith.index_cast %parallel_loop3A_498 : i32 to index
        %parallel_loop3A_501 = arith.index_cast %parallel_loop3A_320 : i32 to index
        %parallel_loop3A_502 = tpu.vector_load %arg16[%parallel_loop3A_499, %parallel_loop3A_500, %parallel_loop3A_501] {strides = array<i32>} : memref<12x8x128xf32, #tpu.memory_space<vmem>>, vector<1x1x16xf32>,
        %parallel_loop3A_503 = vector.shape_cast %parallel_loop3A_502 : vector<1x1x16xf32> to vector<16xf32>
        %parallel_loop3A_504 = vector.shape_cast %parallel_loop3A_497 : vector<16xf32> to vector<1x1x16xf32>
        tpu.vector_store %arg16[%parallel_loop3A_499, %parallel_loop3A_500, %parallel_loop3A_501], %parallel_loop3A_504 {strides = array<i32>} : memref<12x8x128xf32, #tpu.memory_space<vmem>>, vector<1x1x16xf32>,
        %parallel_loop3A_505 = arith.mulf %parallel_loop3A_494, %parallel_loop3A_332 : vector<16xf32>
        %parallel_loop3A_506 = arith.constant 5 : i32
        %parallel_loop3A_507 = arith.index_cast %parallel_loop3A_314 : i32 to index
        %parallel_loop3A_508 = arith.index_cast %parallel_loop3A_506 : i32 to index
        %parallel_loop3A_509 = arith.index_cast %parallel_loop3A_320 : i32 to index
        %parallel_loop3A_510 = tpu.vector_load %arg17[%parallel_loop3A_507, %parallel_loop3A_508, %parallel_loop3A_509] {strides = array<i32>} : memref<12x8x128xf32, #tpu.memory_space<vmem>>, vector<1x1x16xf32>,
        %parallel_loop3A_511 = vector.shape_cast %parallel_loop3A_510 : vector<1x1x16xf32> to vector<16xf32>
        %parallel_loop3A_512 = vector.shape_cast %parallel_loop3A_505 : vector<16xf32> to vector<1x1x16xf32>
        tpu.vector_store %arg17[%parallel_loop3A_507, %parallel_loop3A_508, %parallel_loop3A_509], %parallel_loop3A_512 {strides = array<i32>} : memref<12x8x128xf32, #tpu.memory_space<vmem>>, vector<1x1x16xf32>,
        %parallel_loop3A_513 = arith.constant 6 : i32
        %parallel_loop3A_514 = arith.index_cast %parallel_loop3A_314 : i32 to index
        %parallel_loop3A_515 = arith.index_cast %parallel_loop3A_513 : i32 to index
        %parallel_loop3A_516 = arith.index_cast %parallel_loop3A_320 : i32 to index
        %parallel_loop3A_517 = tpu.vector_load %arg16[%parallel_loop3A_514, %parallel_loop3A_515, %parallel_loop3A_516] {strides = array<i32>} : memref<12x8x128xf32, #tpu.memory_space<vmem>>, vector<1x1x16xf32>,
        %parallel_loop3A_518 = vector.shape_cast %parallel_loop3A_517 : vector<1x1x16xf32> to vector<16xf32>
        %parallel_loop3A_519 = arith.constant 6 : i32
        %parallel_loop3A_520 = arith.index_cast %parallel_loop3A_314 : i32 to index
        %parallel_loop3A_521 = arith.index_cast %parallel_loop3A_519 : i32 to index
        %parallel_loop3A_522 = arith.index_cast %parallel_loop3A_320 : i32 to index
        %parallel_loop3A_523 = tpu.vector_load %arg17[%parallel_loop3A_520, %parallel_loop3A_521, %parallel_loop3A_522] {strides = array<i32>} : memref<12x8x128xf32, #tpu.memory_space<vmem>>, vector<1x1x16xf32>,
        %parallel_loop3A_524 = vector.shape_cast %parallel_loop3A_523 : vector<1x1x16xf32> to vector<16xf32>
        %parallel_loop3A_525 = arith.mulf %parallel_loop3A_518, %parallel_loop3A_324 : vector<16xf32>
        %parallel_loop3A_526 = arith.mulf %parallel_loop3A_524, %parallel_loop3A_328 : vector<16xf32>
        %parallel_loop3A_527 = arith.addf %parallel_loop3A_525, %parallel_loop3A_526 : vector<16xf32>
        %parallel_loop3A_528 = arith.constant 6 : i32
        %parallel_loop3A_529 = arith.index_cast %parallel_loop3A_314 : i32 to index
        %parallel_loop3A_530 = arith.index_cast %parallel_loop3A_528 : i32 to index
        %parallel_loop3A_531 = arith.index_cast %parallel_loop3A_320 : i32 to index
        %parallel_loop3A_532 = tpu.vector_load %arg16[%parallel_loop3A_529, %parallel_loop3A_530, %parallel_loop3A_531] {strides = array<i32>} : memref<12x8x128xf32, #tpu.memory_space<vmem>>, vector<1x1x16xf32>,
        %parallel_loop3A_533 = vector.shape_cast %parallel_loop3A_532 : vector<1x1x16xf32> to vector<16xf32>
        %parallel_loop3A_534 = vector.shape_cast %parallel_loop3A_527 : vector<16xf32> to vector<1x1x16xf32>
        tpu.vector_store %arg16[%parallel_loop3A_529, %parallel_loop3A_530, %parallel_loop3A_531], %parallel_loop3A_534 {strides = array<i32>} : memref<12x8x128xf32, #tpu.memory_space<vmem>>, vector<1x1x16xf32>,
        %parallel_loop3A_535 = arith.mulf %parallel_loop3A_524, %parallel_loop3A_332 : vector<16xf32>
        %parallel_loop3A_536 = arith.constant 6 : i32
        %parallel_loop3A_537 = arith.index_cast %parallel_loop3A_314 : i32 to index
        %parallel_loop3A_538 = arith.index_cast %parallel_loop3A_536 : i32 to index
        %parallel_loop3A_539 = arith.index_cast %parallel_loop3A_320 : i32 to index
        %parallel_loop3A_540 = tpu.vector_load %arg17[%parallel_loop3A_537, %parallel_loop3A_538, %parallel_loop3A_539] {strides = array<i32>} : memref<12x8x128xf32, #tpu.memory_space<vmem>>, vector<1x1x16xf32>,
        %parallel_loop3A_541 = vector.shape_cast %parallel_loop3A_540 : vector<1x1x16xf32> to vector<16xf32>
        %parallel_loop3A_542 = vector.shape_cast %parallel_loop3A_535 : vector<16xf32> to vector<1x1x16xf32>
        tpu.vector_store %arg17[%parallel_loop3A_537, %parallel_loop3A_538, %parallel_loop3A_539], %parallel_loop3A_542 {strides = array<i32>} : memref<12x8x128xf32, #tpu.memory_space<vmem>>, vector<1x1x16xf32>,
        %parallel_loop3A_543 = arith.constant 7 : i32
        %parallel_loop3A_544 = arith.index_cast %parallel_loop3A_314 : i32 to index
        %parallel_loop3A_545 = arith.index_cast %parallel_loop3A_543 : i32 to index
        %parallel_loop3A_546 = arith.index_cast %parallel_loop3A_320 : i32 to index
        %parallel_loop3A_547 = tpu.vector_load %arg16[%parallel_loop3A_544, %parallel_loop3A_545, %parallel_loop3A_546] {strides = array<i32>} : memref<12x8x128xf32, #tpu.memory_space<vmem>>, vector<1x1x16xf32>,
        %parallel_loop3A_548 = vector.shape_cast %parallel_loop3A_547 : vector<1x1x16xf32> to vector<16xf32>
        %parallel_loop3A_549 = arith.constant 7 : i32
        %parallel_loop3A_550 = arith.index_cast %parallel_loop3A_314 : i32 to index
        %parallel_loop3A_551 = arith.index_cast %parallel_loop3A_549 : i32 to index
        %parallel_loop3A_552 = arith.index_cast %parallel_loop3A_320 : i32 to index
        %parallel_loop3A_553 = tpu.vector_load %arg17[%parallel_loop3A_550, %parallel_loop3A_551, %parallel_loop3A_552] {strides = array<i32>} : memref<12x8x128xf32, #tpu.memory_space<vmem>>, vector<1x1x16xf32>,
        %parallel_loop3A_554 = vector.shape_cast %parallel_loop3A_553 : vector<1x1x16xf32> to vector<16xf32>
        %parallel_loop3A_555 = arith.mulf %parallel_loop3A_548, %parallel_loop3A_324 : vector<16xf32>
        %parallel_loop3A_556 = arith.mulf %parallel_loop3A_554, %parallel_loop3A_328 : vector<16xf32>
        %parallel_loop3A_557 = arith.addf %parallel_loop3A_555, %parallel_loop3A_556 : vector<16xf32>
        %parallel_loop3A_558 = arith.constant 7 : i32
        %parallel_loop3A_559 = arith.index_cast %parallel_loop3A_314 : i32 to index
        %parallel_loop3A_560 = arith.index_cast %parallel_loop3A_558 : i32 to index
        %parallel_loop3A_561 = arith.index_cast %parallel_loop3A_320 : i32 to index
        %parallel_loop3A_562 = tpu.vector_load %arg16[%parallel_loop3A_559, %parallel_loop3A_560, %parallel_loop3A_561] {strides = array<i32>} : memref<12x8x128xf32, #tpu.memory_space<vmem>>, vector<1x1x16xf32>,
        %parallel_loop3A_563 = vector.shape_cast %parallel_loop3A_562 : vector<1x1x16xf32> to vector<16xf32>
        %parallel_loop3A_564 = vector.shape_cast %parallel_loop3A_557 : vector<16xf32> to vector<1x1x16xf32>
        tpu.vector_store %arg16[%parallel_loop3A_559, %parallel_loop3A_560, %parallel_loop3A_561], %parallel_loop3A_564 {strides = array<i32>} : memref<12x8x128xf32, #tpu.memory_space<vmem>>, vector<1x1x16xf32>,
        %parallel_loop3A_565 = arith.mulf %parallel_loop3A_554, %parallel_loop3A_332 : vector<16xf32>
        %parallel_loop3A_566 = arith.constant 7 : i32
        %parallel_loop3A_567 = arith.index_cast %parallel_loop3A_314 : i32 to index
        %parallel_loop3A_568 = arith.index_cast %parallel_loop3A_566 : i32 to index
        %parallel_loop3A_569 = arith.index_cast %parallel_loop3A_320 : i32 to index
        %parallel_loop3A_570 = tpu.vector_load %arg17[%parallel_loop3A_567, %parallel_loop3A_568, %parallel_loop3A_569] {strides = array<i32>} : memref<12x8x128xf32, #tpu.memory_space<vmem>>, vector<1x1x16xf32>,
        %parallel_loop3A_571 = vector.shape_cast %parallel_loop3A_570 : vector<1x1x16xf32> to vector<16xf32>
        %parallel_loop3A_572 = vector.shape_cast %parallel_loop3A_565 : vector<16xf32> to vector<1x1x16xf32>
        tpu.vector_store %arg17[%parallel_loop3A_567, %parallel_loop3A_568, %parallel_loop3A_569], %parallel_loop3A_572 {strides = array<i32>} : memref<12x8x128xf32, #tpu.memory_space<vmem>>, vector<1x1x16xf32>,
      } {sc.loop_unroll_factor = 4 : i64, sc.parallel_access}
      %mul3A_287 = arith.constant 12 : i32
      %mul3A_288 = arith.muli %add3A_271, %mul3A_287 : i32
      %add3A_289 = arith.addi %add3A_37, %mul3A_288 : i32
      %dma_start3A_290 = arith.constant 0 : i32
      %dma_start3A_291 = arith.constant 0 : i32
      %dma_start3A_292 = tpu.memref_slice %arg6[%add3A_289, %dma_start3A_290, %dma_start3A_291] : memref<12288x8x128xf32, #tpu.memory_space<hbm>> -> memref<12x8x128xf32, #tpu.memory_space<hbm>>
      %dma_start3A_293 = arith.constant 0 : i32
      %dma_start3A_294 = arith.constant 0 : i32
      %dma_start3A_295 = tpu.memref_slice %arg6[%add3A_289, %dma_start3A_293, %dma_start3A_294] : memref<12288x8x128xf32, #tpu.memory_space<hbm>> -> memref<12x8x128xf32, #tpu.memory_space<hbm>>
      tpu.enqueue_dma source(%arg16 : memref<12x8x128xf32, #tpu.memory_space<vmem>>) target(%dma_start3A_295 : memref<12x8x128xf32, #tpu.memory_space<hbm>>) target_semaphore(%arg25 : memref<!tpu.dma_semaphore, #tpu.memory_space<semaphore_mem>>)
      %add3A_296 = arith.addi %add3A_39, %mul3A_288 : i32
      %dma_start3A_297 = arith.constant 0 : i32
      %dma_start3A_298 = arith.constant 0 : i32
      %dma_start3A_299 = tpu.memref_slice %arg6[%add3A_296, %dma_start3A_297, %dma_start3A_298] : memref<12288x8x128xf32, #tpu.memory_space<hbm>> -> memref<12x8x128xf32, #tpu.memory_space<hbm>>
      %dma_start3A_300 = arith.constant 0 : i32
      %dma_start3A_301 = arith.constant 0 : i32
      %dma_start3A_302 = tpu.memref_slice %arg6[%add3A_296, %dma_start3A_300, %dma_start3A_301] : memref<12288x8x128xf32, #tpu.memory_space<hbm>> -> memref<12x8x128xf32, #tpu.memory_space<hbm>>
      tpu.enqueue_dma source(%arg17 : memref<12x8x128xf32, #tpu.memory_space<vmem>>) target(%dma_start3A_302 : memref<12x8x128xf32, #tpu.memory_space<hbm>>) target_semaphore(%arg25 : memref<!tpu.dma_semaphore, #tpu.memory_space<semaphore_mem>>)
      %add3A_303 = arith.constant 4 : i32
      %add3A_304 = arith.addi %add3A_271, %add3A_303 : i32
      %sub3A_305 = arith.constant 1 : i32
      %sub3A_306 = arith.subi %add3A_304, %sub3A_305 : i32
      %lt3A_307 = arith.constant 16 : i32
      %lt3A_308 = arith.cmpi slt, %sub3A_306, %lt3A_307 : i32
      %convert_element_type3A_309 = arith.extui %lt3A_308 : i1 to i32
      %cond3A_310 = arith.constant 0 : i32
      %cond3A_311 = arith.cmpi ne, %convert_element_type3A_309, %cond3A_310 : i32
      scf.if %cond3A_311 {
        %dma_wait3A_312 = arith.constant 0 : i32
        %dma_wait3A_313 = arith.constant 0 : i32
        %dma_wait3A_314 = tpu.memref_slice %arg6[%add3A_37, %dma_wait3A_312, %dma_wait3A_313] : memref<12288x8x128xf32, #tpu.memory_space<hbm>> -> memref<12x8x128xf32, #tpu.memory_space<hbm>>
        %dma_wait3A_315 = arith.constant 0 : i32
        %dma_wait3A_316 = arith.constant 0 : i32
        %dma_wait3A_317 = tpu.memref_slice %arg6[%add3A_37, %dma_wait3A_315, %dma_wait3A_316] : memref<12288x8x128xf32, #tpu.memory_space<hbm>> -> memref<12x8x128xf32, #tpu.memory_space<hbm>>
        tpu.wait_dma2 semaphore(%arg24 : memref<!tpu.dma_semaphore, #tpu.memory_space<semaphore_mem>>) src(%arg14 : memref<12x8x128xf32, #tpu.memory_space<vmem>>) dst(%dma_wait3A_317 : memref<12x8x128xf32, #tpu.memory_space<hbm>>)
        %dma_wait3A_318 = arith.constant 0 : i32
        %dma_wait3A_319 = arith.constant 0 : i32
        %dma_wait3A_320 = tpu.memref_slice %arg6[%add3A_39, %dma_wait3A_318, %dma_wait3A_319] : memref<12288x8x128xf32, #tpu.memory_space<hbm>> -> memref<12x8x128xf32, #tpu.memory_space<hbm>>
        %dma_wait3A_321 = arith.constant 0 : i32
        %dma_wait3A_322 = arith.constant 0 : i32
        %dma_wait3A_323 = tpu.memref_slice %arg6[%add3A_39, %dma_wait3A_321, %dma_wait3A_322] : memref<12288x8x128xf32, #tpu.memory_space<hbm>> -> memref<12x8x128xf32, #tpu.memory_space<hbm>>
        tpu.wait_dma2 semaphore(%arg24 : memref<!tpu.dma_semaphore, #tpu.memory_space<semaphore_mem>>) src(%arg15 : memref<12x8x128xf32, #tpu.memory_space<vmem>>) dst(%dma_wait3A_323 : memref<12x8x128xf32, #tpu.memory_space<hbm>>)
        %add3A_324 = arith.constant 4 : i32
        %add3A_325 = arith.addi %add3A_271, %add3A_324 : i32
        %sub3A_326 = arith.constant 1 : i32
        %sub3A_327 = arith.subi %add3A_325, %sub3A_326 : i32
        %mul3A_328 = arith.constant 12 : i32
        %mul3A_329 = arith.muli %sub3A_327, %mul3A_328 : i32
        %add3A_330 = arith.addi %add3A_37, %mul3A_329 : i32
        %dma_start3A_331 = arith.constant 0 : i32
        %dma_start3A_332 = arith.constant 0 : i32
        %dma_start3A_333 = tpu.memref_slice %arg2[%add3A_330, %dma_start3A_331, %dma_start3A_332] : memref<12288x8x128xf32, #tpu.memory_space<hbm>> -> memref<12x8x128xf32, #tpu.memory_space<hbm>>
        %dma_start3A_334 = arith.constant 0 : i32
        %dma_start3A_335 = arith.constant 0 : i32
        %dma_start3A_336 = tpu.memref_slice %arg2[%add3A_330, %dma_start3A_334, %dma_start3A_335] : memref<12288x8x128xf32, #tpu.memory_space<hbm>> -> memref<12x8x128xf32, #tpu.memory_space<hbm>>
        tpu.enqueue_dma source(%dma_start3A_336 : memref<12x8x128xf32, #tpu.memory_space<hbm>>) target(%arg14 : memref<12x8x128xf32, #tpu.memory_space<vmem>>) target_semaphore(%arg20 : memref<!tpu.dma_semaphore, #tpu.memory_space<semaphore_mem>>)
        %add3A_337 = arith.addi %add3A_39, %mul3A_329 : i32
        %dma_start3A_338 = arith.constant 0 : i32
        %dma_start3A_339 = arith.constant 0 : i32
        %dma_start3A_340 = tpu.memref_slice %arg2[%add3A_337, %dma_start3A_338, %dma_start3A_339] : memref<12288x8x128xf32, #tpu.memory_space<hbm>> -> memref<12x8x128xf32, #tpu.memory_space<hbm>>
        %dma_start3A_341 = arith.constant 0 : i32
        %dma_start3A_342 = arith.constant 0 : i32
        %dma_start3A_343 = tpu.memref_slice %arg2[%add3A_337, %dma_start3A_341, %dma_start3A_342] : memref<12288x8x128xf32, #tpu.memory_space<hbm>> -> memref<12x8x128xf32, #tpu.memory_space<hbm>>
        tpu.enqueue_dma source(%dma_start3A_343 : memref<12x8x128xf32, #tpu.memory_space<hbm>>) target(%arg15 : memref<12x8x128xf32, #tpu.memory_space<vmem>>) target_semaphore(%arg20 : memref<!tpu.dma_semaphore, #tpu.memory_space<semaphore_mem>>)
      } else {
      }
    }
    %scan3A_90 = arith.constant 4 : i32
    %dma_wait3A = arith.constant 0 : i32
    %dma_wait3A_91 = arith.constant 0 : i32
    %dma_wait3A_92 = tpu.memref_slice %arg6[%add3A_37, %dma_wait3A, %dma_wait3A_91] : memref<12288x8x128xf32, #tpu.memory_space<hbm>> -> memref<12x8x128xf32, #tpu.memory_space<hbm>>
    %dma_wait3A_93 = arith.constant 0 : i32
    %dma_wait3A_94 = arith.constant 0 : i32
    %dma_wait3A_95 = tpu.memref_slice %arg6[%add3A_37, %dma_wait3A_93, %dma_wait3A_94] : memref<12288x8x128xf32, #tpu.memory_space<hbm>> -> memref<12x8x128xf32, #tpu.memory_space<hbm>>
    tpu.wait_dma2 semaphore(%arg22 : memref<!tpu.dma_semaphore, #tpu.memory_space<semaphore_mem>>) src(%arg10 : memref<12x8x128xf32, #tpu.memory_space<vmem>>) dst(%dma_wait3A_95 : memref<12x8x128xf32, #tpu.memory_space<hbm>>)
    %dma_wait3A_96 = arith.constant 0 : i32
    %dma_wait3A_97 = arith.constant 0 : i32
    %dma_wait3A_98 = tpu.memref_slice %arg6[%add3A_39, %dma_wait3A_96, %dma_wait3A_97] : memref<12288x8x128xf32, #tpu.memory_space<hbm>> -> memref<12x8x128xf32, #tpu.memory_space<hbm>>
    %dma_wait3A_99 = arith.constant 0 : i32
    %dma_wait3A_100 = arith.constant 0 : i32
    %dma_wait3A_101 = tpu.memref_slice %arg6[%add3A_39, %dma_wait3A_99, %dma_wait3A_100] : memref<12288x8x128xf32, #tpu.memory_space<hbm>> -> memref<12x8x128xf32, #tpu.memory_space<hbm>>
    tpu.wait_dma2 semaphore(%arg22 : memref<!tpu.dma_semaphore, #tpu.memory_space<semaphore_mem>>) src(%arg11 : memref<12x8x128xf32, #tpu.memory_space<vmem>>) dst(%dma_wait3A_101 : memref<12x8x128xf32, #tpu.memory_space<hbm>>)
    %dma_wait3A_102 = arith.constant 0 : i32
    %dma_wait3A_103 = arith.constant 0 : i32
    %dma_wait3A_104 = tpu.memref_slice %arg6[%add3A_37, %dma_wait3A_102, %dma_wait3A_103] : memref<12288x8x128xf32, #tpu.memory_space<hbm>> -> memref<12x8x128xf32, #tpu.memory_space<hbm>>
    %dma_wait3A_105 = arith.constant 0 : i32
    %dma_wait3A_106 = arith.constant 0 : i32
    %dma_wait3A_107 = tpu.memref_slice %arg6[%add3A_37, %dma_wait3A_105, %dma_wait3A_106] : memref<12288x8x128xf32, #tpu.memory_space<hbm>> -> memref<12x8x128xf32, #tpu.memory_space<hbm>>
    tpu.wait_dma2 semaphore(%arg23 : memref<!tpu.dma_semaphore, #tpu.memory_space<semaphore_mem>>) src(%arg12 : memref<12x8x128xf32, #tpu.memory_space<vmem>>) dst(%dma_wait3A_107 : memref<12x8x128xf32, #tpu.memory_space<hbm>>)
    %dma_wait3A_108 = arith.constant 0 : i32
    %dma_wait3A_109 = arith.constant 0 : i32
    %dma_wait3A_110 = tpu.memref_slice %arg6[%add3A_39, %dma_wait3A_108, %dma_wait3A_109] : memref<12288x8x128xf32, #tpu.memory_space<hbm>> -> memref<12x8x128xf32, #tpu.memory_space<hbm>>
    %dma_wait3A_111 = arith.constant 0 : i32
    %dma_wait3A_112 = arith.constant 0 : i32
    %dma_wait3A_113 = tpu.memref_slice %arg6[%add3A_39, %dma_wait3A_111, %dma_wait3A_112] : memref<12288x8x128xf32, #tpu.memory_space<hbm>> -> memref<12x8x128xf32, #tpu.memory_space<hbm>>
    tpu.wait_dma2 semaphore(%arg23 : memref<!tpu.dma_semaphore, #tpu.memory_space<semaphore_mem>>) src(%arg13 : memref<12x8x128xf32, #tpu.memory_space<vmem>>) dst(%dma_wait3A_113 : memref<12x8x128xf32, #tpu.memory_space<hbm>>)
    %dma_wait3A_114 = arith.constant 0 : i32
    %dma_wait3A_115 = arith.constant 0 : i32
    %dma_wait3A_116 = tpu.memref_slice %arg6[%add3A_37, %dma_wait3A_114, %dma_wait3A_115] : memref<12288x8x128xf32, #tpu.memory_space<hbm>> -> memref<12x8x128xf32, #tpu.memory_space<hbm>>
    %dma_wait3A_117 = arith.constant 0 : i32
    %dma_wait3A_118 = arith.constant 0 : i32
    %dma_wait3A_119 = tpu.memref_slice %arg6[%add3A_37, %dma_wait3A_117, %dma_wait3A_118] : memref<12288x8x128xf32, #tpu.memory_space<hbm>> -> memref<12x8x128xf32, #tpu.memory_space<hbm>>
    tpu.wait_dma2 semaphore(%arg24 : memref<!tpu.dma_semaphore, #tpu.memory_space<semaphore_mem>>) src(%arg14 : memref<12x8x128xf32, #tpu.memory_space<vmem>>) dst(%dma_wait3A_119 : memref<12x8x128xf32, #tpu.memory_space<hbm>>)
    %dma_wait3A_120 = arith.constant 0 : i32
    %dma_wait3A_121 = arith.constant 0 : i32
    %dma_wait3A_122 = tpu.memref_slice %arg6[%add3A_39, %dma_wait3A_120, %dma_wait3A_121] : memref<12288x8x128xf32, #tpu.memory_space<hbm>> -> memref<12x8x128xf32, #tpu.memory_space<hbm>>
    %dma_wait3A_123 = arith.constant 0 : i32
    %dma_wait3A_124 = arith.constant 0 : i32
    %dma_wait3A_125 = tpu.memref_slice %arg6[%add3A_39, %dma_wait3A_123, %dma_wait3A_124] : memref<12288x8x128xf32, #tpu.memory_space<hbm>> -> memref<12x8x128xf32, #tpu.memory_space<hbm>>
    tpu.wait_dma2 semaphore(%arg24 : memref<!tpu.dma_semaphore, #tpu.memory_space<semaphore_mem>>) src(%arg15 : memref<12x8x128xf32, #tpu.memory_space<vmem>>) dst(%dma_wait3A_125 : memref<12x8x128xf32, #tpu.memory_space<hbm>>)
    %dma_wait3A_126 = arith.constant 0 : i32
    %dma_wait3A_127 = arith.constant 0 : i32
    %dma_wait3A_128 = tpu.memref_slice %arg6[%add3A_37, %dma_wait3A_126, %dma_wait3A_127] : memref<12288x8x128xf32, #tpu.memory_space<hbm>> -> memref<12x8x128xf32, #tpu.memory_space<hbm>>
    %dma_wait3A_129 = arith.constant 0 : i32
    %dma_wait3A_130 = arith.constant 0 : i32
    %dma_wait3A_131 = tpu.memref_slice %arg6[%add3A_37, %dma_wait3A_129, %dma_wait3A_130] : memref<12288x8x128xf32, #tpu.memory_space<hbm>> -> memref<12x8x128xf32, #tpu.memory_space<hbm>>
    tpu.wait_dma2 semaphore(%arg25 : memref<!tpu.dma_semaphore, #tpu.memory_space<semaphore_mem>>) src(%arg16 : memref<12x8x128xf32, #tpu.memory_space<vmem>>) dst(%dma_wait3A_131 : memref<12x8x128xf32, #tpu.memory_space<hbm>>)
    %dma_wait3A_132 = arith.constant 0 : i32
    %dma_wait3A_133 = arith.constant 0 : i32
    %dma_wait3A_134 = tpu.memref_slice %arg6[%add3A_39, %dma_wait3A_132, %dma_wait3A_133] : memref<12288x8x128xf32, #tpu.memory_space<hbm>> -> memref<12x8x128xf32, #tpu.memory_space<hbm>>
    %dma_wait3A_135 = arith.constant 0 : i32
    %dma_wait3A_136 = arith.constant 0 : i32
    %dma_wait3A_137 = tpu.memref_slice %arg6[%add3A_39, %dma_wait3A_135, %dma_wait3A_136] : memref<12288x8x128xf32, #tpu.memory_space<hbm>> -> memref<12x8x128xf32, #tpu.memory_space<hbm>>
    tpu.wait_dma2 semaphore(%arg25 : memref<!tpu.dma_semaphore, #tpu.memory_space<semaphore_mem>>) src(%arg17 : memref<12x8x128xf32, #tpu.memory_space<vmem>>) dst(%dma_wait3A_137 : memref<12x8x128xf32, #tpu.memory_space<hbm>>)
    return
  }
}

</mosaic_0001>

<sc_bundles>
// kernel: kernel.3.cloned.1.call-start
scs
__scs_entry_jumppad:
0x0: {  	(pc) =	sbr.rel $0x88, $3  }
0x1: {  	(tag) =	ssettag $0x0;
	lr =	simm.s32 $0x1  }
0x2: {  	[smem:$0x3FA0] =	sst lr;
	_ =	strace $0xD0000000  }
0x3: {  	_ = 	snop  }
0x4: {  	_ = 	snop  }
0x5: {  	_ = 	snop  }
0x6: {  	_ = 	snop  }
0x7: {  	_ = 	snop  }
__scs_overlays_trampoline_lowered:
0x8: {  	[smem:$0x3FAF] =	sst s0  }
0x9: {  	[smem:$0x3FB0] =	sst s1  }
0xa: {  	[smem:$0x3FB1] =	sst s2  }
0xb: {  	[smem:$0x3FB2] =	sst s3  }
0xc: {  	[smem:$0x3FB3] =	sst s4  }
0xd: {  	[smem:$0x3FB4] =	sst s5  }
0xe: {  	[smem:$0x3FB5] =	sst s6  }
0xf: {  	[smem:$0x3FB6] =	sst s7  }
0x10: {  	[smem:$0x3FB7] =	sst s8  }
0x11: {  	[smem:$0x3FB8] =	sst s9;
	s0 =	simm.s32 @!p0 $0x0  }
0x12: {  	s1 =	sld [smem:$0x3F9E];
	s0 =	simm.s32 @p0 $0x1  }
0x13: {  	[smem:$0x3FB9] =	sst s0;
	s0 =	simm.s32 @!p1 $0x0  }
0x14: {  	s2 =	sld [smem:$0x3F9D];
	s0 =	simm.s32 @p1 $0x1  }
0x15: {  	[smem:$0x3FBA] =	sst s0;
	s0 =	simm.s32 @!p2 $0x0  }
0x16: {  	s3 =	sld [smem:$0x3FDB];
	s0 =	simm.s32 @p2 $0x1  }
0x17: {  	s4 =	simm.s32 $0x1BF5;
	[smem:$0x3FBC] =	sst s0  }
0x18: {  	s0 =	sld [smem:$0x3F9F];
	_ =	swait.ge [sflag:s4], $0x0  }
0x19: {  	s7 =	sld [smem:$0x3FA0]  }
0x1a: {  	s8 =	sadd.s32 $0xFFFFE003, lr  }
0x1b: {  	s9 =	sadd.s32 $0xFFFFFEF7, lr;
	s5 =	simm.s32 $0xFFFFFFFF;
	p2 =	slt.u32 s8, $0xFFFFF086  }
0x1c: {  	p1 =	slt.u32 s9, $0xF7A;
	s5 =	simm.s32 @!p2 $0x0  }
0x1d: {  	s5 =	simm.s32 @p1 $0x1;
	p0 =	seq.s32 s7, s2  }
0x1e: {  	s7 =	smul.u32 @!p0 $0xF7A, s2;
	p2 =	seq.s32 @!p0 s5, $0x0  }
0x1f: {  	s9 =	smul.u32 $0xF7A, s1;
	s8 =	simm.s32 @!p0 $0x1BF5;
	p2 =	por !p2, p0  }
0x20: {  	[sflag:s8] =	ssyncset.s32 @!p0 $0xFFFFF086;
	s6 =	sadd.s32 @!p0 s3, s7;
	s7 =	simm.s32 @!p0 $0x108  }
0x21: {  	s3 =	sadd.s32 s3, s9;
	s6 =	sadd.s32 @!p0 $0x88, s6;
	s7 =	simm.s32 @p2 $0x1082  }
0x22: {  	[simem:s7], [sflag:s8] =	dma.local @!p0 [hbm:s6], $0xF7A  }
0x23: {  	s9 =	sor.u32 $0xD0000000, s2;
	s6 =	simm.s32 $0x108;
	_ =	swait.ge @!p0 [sflag:s8], $0x0  }
0x24: {  	s3 =	sadd.s32 $0x88, s3;
	s6 =	simm.s32 @!p1 $0x1082;
	[sflag:s4] =	ssyncset.s32 $0xFFFFF086  }
0x25: {  	[simem:s6], [sflag:s4] =	dma.local [hbm:s3], $0xF7A  }
0x26: {  	[smem:$0x3FA0] =	sst s1;
	(tag) =	ssettag s2;
	_ =	strace s9  }
0x27: {  	s1 =	sld [smem:$0x3FB0]  }
0x28: {  	s2 =	sld [smem:$0x3FB1]  }
0x29: {  	s4 =	sld [smem:$0x3FB3]  }
0x2a: {  	p0 =	seq.s32 s5, $0x0;
	s5 =	sld [smem:$0x3FB4]  }
0x2b: {  	s6 =	sld [smem:$0x3FB5]  }
0x2c: {  	s7 =	sld [smem:$0x3FB6]  }
0x2d: {  	s3 =	simm.s32 $0x108;
	s8 =	sld [smem:$0x3FB7]  }
0x2e: {  	s3 =	simm.s32 @!p0 $0x1082;
	s9 =	sld [smem:$0x3FB8]  }
0x2f: {  	lr =	sadd.s32 s0, s3;
	s0 =	sld [smem:$0x3FAF]  }
0x30: {  	s3 =	sld [smem:$0x3FB2]  }
0x31: {  	[smem:$0x3FBB] =	sst s10  }
0x32: {  	s10 =	sld [smem:$0x3FB9];
	_ =	sdelay $0x3  }
0x33: {  	p0 =	seq.s32 s10, $0x1;
	s10 =	sld [smem:$0x3FBB];
	_ =	sdelay $0x3  }
0x34: {  	[smem:$0x3FBB] =	sst s10  }
0x35: {  	s10 =	sld [smem:$0x3FBA];
	_ =	sdelay $0x3  }
0x36: {  	p1 =	seq.s32 s10, $0x1;
	s10 =	sld [smem:$0x3FBB];
	_ =	sdelay $0x3  }
0x37: {  	[smem:$0x3FBB] =	sst s10  }
0x38: {  	s10 =	sld [smem:$0x3FBC]  }
0x39: {  	_ = 	snop;
	(pc) =	sbr.ind lr, $3  }
0x3a: {  	_ = 	snop  }
0x3b: {  	_ = 	snop  }
0x3c: {  	p2 =	seq.s32 s10, $0x1;
	s10 =	sld [smem:$0x3FBB]  }
0x3d: {  	_ =	shalt  }
0x3e: {  	_ =	shalt  }
0x3f: {  	_ =	shalt  }
0x40: {  	_ =	shalt  }
0x41: {  	_ =	shalt  }
0x42: {  	_ =	shalt  }
0x43: {  	_ =	shalt  }
0x44: {  	_ =	shalt  }
0x45: {  	_ =	shalt  }
0x46: {  	_ =	shalt  }
0x47: {  	_ =	shalt  }
0x48: {  	_ =	shalt  }
0x49: {  	_ =	shalt  }
0x4a: {  	_ =	shalt  }
0x4b: {  	_ =	shalt  }
0x4c: {  	_ =	shalt  }
0x4d: {  	_ =	shalt  }
0x4e: {  	_ =	shalt  }
0x4f: {  	_ =	shalt  }
0x50: {  	_ =	shalt  }
0x51: {  	_ =	shalt  }
0x52: {  	_ =	shalt  }
0x53: {  	_ =	shalt  }
0x54: {  	_ =	shalt  }
0x55: {  	_ =	shalt  }
0x56: {  	_ =	shalt  }
0x57: {  	_ =	shalt  }
0x58: {  	_ =	shalt  }
0x59: {  	_ =	shalt  }
0x5a: {  	_ =	shalt  }
0x5b: {  	_ =	shalt  }
0x5c: {  	_ =	shalt  }
0x5d: {  	_ =	shalt  }
0x5e: {  	_ =	shalt  }
0x5f: {  	_ =	shalt  }
0x60: {  	_ =	shalt  }
0x61: {  	_ =	shalt  }
0x62: {  	_ =	shalt  }
0x63: {  	_ =	shalt  }
0x64: {  	_ =	shalt  }
0x65: {  	_ =	shalt  }
0x66: {  	_ =	shalt  }
0x67: {  	_ =	shalt  }
0x68: {  	_ =	shalt  }
0x69: {  	_ =	shalt  }
0x6a: {  	_ =	shalt  }
0x6b: {  	_ =	shalt  }
0x6c: {  	_ =	shalt  }
0x6d: {  	_ =	shalt  }
0x6e: {  	_ =	shalt  }
0x6f: {  	_ =	shalt  }
0x70: {  	_ =	shalt  }
0x71: {  	_ =	shalt  }
0x72: {  	_ =	shalt  }
0x73: {  	_ =	shalt  }
0x74: {  	_ =	shalt  }
0x75: {  	_ =	shalt  }
0x76: {  	_ =	shalt  }
0x77: {  	_ =	shalt  }
0x78: {  	_ =	shalt  }
0x79: {  	_ =	shalt  }
0x7a: {  	_ =	shalt  }
0x7b: {  	_ =	shalt  }
0x7c: {  	_ =	shalt  }
0x7d: {  	_ =	shalt  }
0x7e: {  	_ =	shalt  }
0x7f: {  	_ =	shalt  }
0x80: {  	_ =	shalt  }
0x81: {  	_ =	shalt  }
0x82: {  	_ =	shalt  }
0x83: {  	_ =	shalt  }
0x84: {  	_ =	shalt  }
0x85: {  	_ =	shalt  }
0x86: {  	_ =	shalt  }
0x87: {  	_ =	shalt  }
.Lfunc_end0:
.L_simem_size_0:
called_computation_lowered:
.L_overlay_start_0:
0x88: {  	s2 =	sld [smem:$0x3FD9]  }
0x89: {  	s3 =	sld [smem:$0x3FFE];
	_ =	sdelay $0x1  }
0x8a: {  	s1 =	srdreg.scid  }
0x8b: {  	s0 =	sand.u32 $0x1, s1  }
0x8c: {  	s17 =	sshll.u32 s0, $0xA;
	s2 =	sadd.s32 s3, s2  }
0x8d: {  	s2 =	sadd.s32 s2, s17  }
0x8e: {  	[smem:$0x3FC7] =	sst s2  }
0x8f: {  	_ = 	snop  }
0x90: {  	s2 =	sld [smem:$0x3FC9]  }
0x91: {  	s18 =	sld [smem:$0x3FD0];
	(tm) =	ssettm $0x1  }
0x92: {  	s4 =	sld [smem:$0x3FFB];
	_ =	sdelay $0x3  }
0x93: {  	_ =	strace s4  }
0x94: {  	s4 =	sld [smem:$0x3FFC];
	_ =	sdelay $0x3  }
0x95: {  	_ =	strace s4  }
0x96: {  	s4 =	sld [smem:$0x3FFD];
	_ =	sdelay $0x3  }
0x97: {  	_ =	strace s4  }
0x98: {  	_ =	strace $0x8FFFFFFF  }
0x99: {  	s19 =	sld [smem:$0x3FDB];
	_ =	sdelay $0x1  }
0x9a: {  	s5 =	simm.s32 $_scs_section_size  }
0x9b: {  	s6 =	simm.s32 $_size__tile_overlayer_lowered;
	s7 =	simm.s32 $_tile_overlayer_lowered  }
0x9c: {  	s22 =	simm.s32 $0x1BFF;
	s21 =	sshll.u32 s7, $0x1;
	s4 =	sadd.s32 s5, s19  }
0x9d: {  	s8 =	simm.s32 $0x0;
	s20 =	sshll.u32 s6, $0x1;
	s6 =	sadd.s32 s21, s4  }
0x9e: {  	[timem:s8], [sflag:s22] =	dma.local [hbm:s6], s20  }
0x9f: {  	_ =	swait.ge [sflag:s22], s20  }
0xa0: {  	s5 =	ssub.s32 $0x0, s20;
	[sflag:s22] =	ssyncset.done $0x0  }
0xa1: {  	[sflag:s22] =	ssyncadd.s32 s5;
	_ =	sdelay $0x1  }
0xa2: {  	s23 =	simm.s32 $0x1B8B  }
0xa3: {  	_ =	swait.ge [sflag:s23], $0x1  }
0xa4: {  	[sflag:s23] =	ssyncset.done $0x0  }
0xa5: {  	s25 =	simm.s32 $0x1B8E;
	s24 =	sld [smem:$0x3FFE];
	[sflag:s23] =	ssyncadd.s32 $0xFFFFFFFF  }
0xa6: {  	s26 =	simm.s32 $execute0_lowered;
	[smem:$0x3FD2] =	sst s25  }
0xa7: {  	s6 =	sshll.u32 s26, $0x1;
	_ =	strace $0x80000046;
	[dreg:$0x1] =	wrdreg $0xFFFFFFFF  }
0xa8: {  	s28 =	simm.s32 $_size_execute0_lowered;
	s4 =	sadd.s32 s4, s6;
	[dreg:$0x0] =	wrdreg $0x0  }
0xa9: {  	s6 =	sshll.u32 s28, $0x1;
	[dreg:$0x2] =	wrdreg s4  }
0xaa: {  	[dreg:$0x3] =	wrdreg s6  }
0xab: {  	[dreg:$0x4] =	wrdreg $0xC0  }
0xac: {  	_ =	task [dreg:s8], $0x5FFFF  }
0xad: {  	[dreg:$0x1] =	wrdreg $0xFFFFFFFF  }
0xae: {  	[dreg:$0x0] =	wrdreg $0x60  }
0xaf: {  	[dreg:$0x2] =	wrdreg s2  }
0xb0: {  	[dreg:$0x3] =	wrdreg s24  }
0xb1: {  	[dreg:$0x4] =	wrdreg s18  }
0xb2: {  	[dreg:$0x5] =	wrdreg $0x9  }
0xb3: {  	_ =	task.clear_ibuf [dreg:s8], $0x6FFFF;
	_ =	strace $0x90000046  }
0xb4: {  	s29 =	simm.s32 $0x9;
	_ =	strace $0x80000048  }
0xb5: {  	_ =	swait.ge [sflag:s29], $0x1  }
0xb6: {  	[sflag:s29] =	ssyncadd.s32 $0xFFFFFFFF  }
0xb7: {  	_ =	strace $0x90000048  }
0xb8: {  	_ =	sfence  }
0xb9: {  	s30 =	sld [smem:$0x0];
	_ =	sdelay $0x2  }
0xba: {  	s31 =	sshll.u32 s1, $0xD;
	s1 =	sshrl.u32 s1, $0x2  }
0xbb: {  	s3 =	sand.u32 $0x4000, s31;
	s1 =	sadd.s32 s1, s30  }
0xbc: {  	s0 =	sor.u32 s3, s0;
	s1 =	sshll.u32 s1, $0x11  }
0xbd: {  	s0 =	sor.u32 s1, s0  }
0xbe: {  	s0 =	sadd.s32 $0x8F2B, s0  }
0xbf: {  	[sflag:s0] =	ssyncadd.remote.s32 $0x1  }
0xc0: {  	_ =	sfence.sel $0xFFFF  }
0xc1: {  	[dreg:$0x0] =	wrdreg $0xFFFFFFFF;
	(pc) =	sbr.abs _section_cstart, $3  }
0xc2: {  	[dreg:$0x1] =	wrdreg $0xFFFFFFFF  }
0xc3: {  	_ =	task.clear_ibuf [dreg:s8], $0x2FFFF;
	_ =	strace $0x9FFFFFFF  }
0xc4: {  	(tm) =	ssettm $0x7FFFFFFF  }
0xc5: {  	_ =	shalt  }
tec
execute0_lowered:
.L_overlay_start_1:
0x0: {  	(tag) =	ssettag $0x1  }
0x1: {  	s2 =	rddreg [dreg:$0x0]  }
0x2: {  	s0 =	rddreg [dreg:$0x1]  }
0x3: {  	s3 =	rddreg [dreg:$0x2];
	s5 =	stileid.u32  }
0x4: {  	s1 =	srdreg.scid;
	s29 =	simm.s32 $0x1;
	s4 =	sshll.u32 s5, $0x1  }
0x5: {  	s5 =	sshrl.u32 s5, $0x1;
	s1 =	sand.u32 $0x1, s1;
	s6 =	sand.u32 $0x2, s4  }
0x6: {  	s4 =	simm.s32 $0x0;
	s7 =	smul.u32 $0x600, s5;
	s5 =	sshll.u32 s5, $0x7  }
0x7: {  	s6 =	sor.u32 s1, s6;
	[smem:$0x7FF] =	sst s4;
	s1 =	ssub.s32 $0x2, s1  }
0x8: {  	s8 =	sadd.s32 s5, s0;
	s0 =	sadd.s32 $0x400, s0;
	s6 =	smul.u32 $0xC0, s6  }
0x9: {  	_ =	strace $0x80000047;
	[dreg:$0x4] =	wrdreg s0;
	s20 =	sadd.s32 $0xA00, s8  }
0xa: {  	s9 =	sshrl.u32 s1, $0x1;
	s8 =	sadd.s32 $0x600, s8;
	[dreg:$0x5] =	wrdreg s20  }
0xb: {  	s19 =	ssub.s32 s1, s9;
	[dreg:$0x6] =	wrdreg s8;
	s5 =	sadd.s32 s7, s6  }
0xc: {  	s0 =	smax.u32 s19, $0x1;
	s7 =	sadd.s32 $0x300, s5;
	s21 =	sshll.u32 s5, $0x7  }
0xd: {  	[dreg:$0xe] =	wrdreg s0;
	s22 =	sshll.u32 s7, $0x7;
	s1 =	sadd.s32 s2, s21  }
0xe: {  	s30 =	simm.s32 $0x15C00;
	s6 =	sadd.s32 s2, s22;
	[dreg:$0x7] =	wrdreg s1  }
0xf: {  	s31 =	simm.s32 $0x2;
	s23 =	sadd.s32 $0x600, s1;
	[dreg:$0x8] =	wrdreg s6  }
.Ltmp0:
0x10: {  	s24 =	sadd.s32 $0x18600, s1;
	[dreg:$0x9] =	wrdreg s23;
	(pc) =	sbr.rel .LBB2_1-.Ltmp0, $4  }
0x11: {  	s10 =	simm.s32 $0x0;
	s25 =	sadd.s32 $0xC00, s1;
	[dreg:$0xa] =	wrdreg s24  }
0x12: {  	s8 =	simm.s32 $0x7;
	s26 =	sadd.s32 $0x18C00, s1;
	[dreg:$0xb] =	wrdreg s25  }
0x13: {  	s0 =	simm.s32 $0x3;
	s28 =	sadd.s32 $0x1200, s1;
	[dreg:$0xc] =	wrdreg s26  }
0x14: {  	s17 =	sadd.s32 $0x19200, s1;
	s1 =	simm.s32 $0x4;
	[dreg:$0xd] =	wrdreg s28  }
.LBB2_12:
0x15: {  	s6 =	simm.s32 $0x5  }
0x16: {  	_ =	swait.ge [sflag:s6], $0x3000  }
0x17: {  	[sflag:s6] =	ssyncset.done $0x0  }
0x18: {  	[sflag:s6] =	ssyncadd.s32 $0xFFFFD000  }
0x19: {  	_ =	swait.ge [sflag:s6], $0x3000  }
0x1a: {  	[sflag:s6] =	ssyncset.done $0x0  }
0x1b: {  	s26 =	simm.s32 $0x6;
	[sflag:s6] =	ssyncadd.s32 $0xFFFFD000  }
0x1c: {  	_ =	swait.ge [sflag:s26], $0x3000  }
0x1d: {  	[sflag:s26] =	ssyncset.done $0x0  }
0x1e: {  	[sflag:s26] =	ssyncadd.s32 $0xFFFFD000  }
0x1f: {  	_ =	swait.ge [sflag:s26], $0x3000  }
0x20: {  	[sflag:s26] =	ssyncset.done $0x0  }
0x21: {  	[sflag:s26] =	ssyncadd.s32 $0xFFFFD000  }
0x22: {  	_ =	swait.ge [sflag:s8], $0x3000  }
0x23: {  	[sflag:s8] =	ssyncset.done $0x0  }
0x24: {  	[sflag:s8] =	ssyncadd.s32 $0xFFFFD000  }
0x25: {  	_ =	swait.ge [sflag:s8], $0x3000  }
0x26: {  	[sflag:s8] =	ssyncset.done $0x0  }
0x27: {  	s9 =	simm.s32 $0x8;
	[sflag:s8] =	ssyncadd.s32 $0xFFFFD000  }
0x28: {  	_ =	swait.ge [sflag:s9], $0x3000  }
0x29: {  	[sflag:s9] =	ssyncset.done $0x0  }
0x2a: {  	[sflag:s9] =	ssyncadd.s32 $0xFFFFD000  }
0x2b: {  	_ =	swait.ge [sflag:s9], $0x3000  }
0x2c: {  	s10 =	rddreg [dreg:$0xf]  }
0x2d: {  	s28 =	rddreg [dreg:$0xe];
	s10 =	sadd.s32 $0x1, s10  }
0x2e: {  	p0 =	sne.s32 s10, s28  }
.Ltmp1:
0x2f: {  	_ = 	snop;
	(pc) =	sbr.rel @!p0 .LBB2_13-.Ltmp1, $3  }
0x30: {  	_ =	sdelay $0x1  }
0x31: {  	[sflag:s9] =	ssyncset.done $0x0  }
0x32: {  	[sflag:s9] =	ssyncadd.s32 $0xFFFFD000  }
.LBB2_1:
0x33: {  	[dreg:$0xf] =	wrdreg s10  }
0x34: {  	s6 =	rddreg [dreg:$0x5];
	s9 =	simm.s32 $0x9  }
0x35: {  	[tilespmem:s4], [sflag:$0x9] =	stream.linear.gather [hbm4b:s6+s4], $0x300, $0x38;
	[tilespmem:$0x18C00] =	vst v63  }
0x36: {  	_ =	swait.ge [sflag:s9], $0x300  }
0x37: {  	[sflag:s9] =	ssyncset.done $0x0  }
0x38: {  	s12 =	simm.s32 $0x400;
	s11 =	rddreg [dreg:$0x6];
	[sflag:s9] =	ssyncadd.s32 $0xFFFFFD00  }
0x39: {  	[tilespmem:s12], [sflag:$0x9] =	stream.linear.gather [hbm4b:s11+s4], $0x300, $0x38;
	[tilespmem:$0x18C00] =	vst v63  }
0x3a: {  	_ =	swait.ge [sflag:s9], $0x300  }
0x3b: {  	[sflag:s9] =	ssyncset.done $0x0  }
0x3c: {  	s14 =	simm.s32 $0x800;
	s13 =	rddreg [dreg:$0x4];
	[sflag:s9] =	ssyncadd.s32 $0xFFFFFD00  }
0x3d: {  	[tilespmem:s14], [sflag:$0x9] =	stream.linear.gather [hbm4b:s13+s4], $0x300, $0x38;
	[tilespmem:$0x18C00] =	vst v63  }
0x3e: {  	_ =	swait.ge [sflag:s9], $0x300  }
0x3f: {  	[sflag:s9] =	ssyncset.done $0x0  }
0x40: {  	s16 =	simm.s32 $0xC00;
	s15 =	rddreg [dreg:$0x7];
	[sflag:s9] =	ssyncadd.s32 $0xFFFFFD00  }
0x41: {  	[tilespmem:s16], [sflag:$0x1] =	stream.linear.gather [hbm4b:s15+s4], $0x3000, $0x38;
	[tilespmem:$0x18C00] =	vst v63  }
0x42: {  	s19 =	simm.s32 $0x3C00;
	s18 =	rddreg [dreg:$0x8]  }
0x43: {  	[tilespmem:s19], [sflag:$0x1] =	stream.linear.gather [hbm4b:s18+s4], $0x3000, $0x38;
	[tilespmem:$0x18C00] =	vst v63  }
0x44: {  	s21 =	simm.s32 $0x6C00;
	s20 =	rddreg [dreg:$0x9]  }
0x45: {  	[tilespmem:s21], [sflag:$0x2] =	stream.linear.gather [hbm4b:s20+s4], $0x3000, $0x38;
	[tilespmem:$0x18C00] =	vst v63  }
0x46: {  	s23 =	simm.s32 $0x9C00;
	s22 =	rddreg [dreg:$0xa]  }
0x47: {  	[tilespmem:s23], [sflag:$0x2] =	stream.linear.gather [hbm4b:s22+s4], $0x3000, $0x38;
	[tilespmem:$0x18C00] =	vst v63  }
0x48: {  	s25 =	simm.s32 $0xCC00;
	s24 =	rddreg [dreg:$0xb]  }
0x49: {  	[tilespmem:s25], [sflag:$0x3] =	stream.linear.gather [hbm4b:s24+s4], $0x3000, $0x38;
	[tilespmem:$0x18C00] =	vst v63  }
0x4a: {  	s28 =	simm.s32 $0xFC00;
	s12 =	simm.s32 $0x0;
	s26 =	rddreg [dreg:$0xc]  }
0x4b: {  	[tilespmem:s28], [sflag:$0x3] =	stream.linear.gather [hbm4b:s26+s4], $0x3000, $0x38;
	[tilespmem:$0x18C00] =	vst v63  }
.LBB2_2:
0x4c: {  	_ =	swait.ge [sflag:s29], $0x3000  }
0x4d: {  	[sflag:s29] =	ssyncset.done $0x0  }
0x4e: {  	s10 =	simm.s32 $0x0;
	s6 =	simm.s32 $0x0;
	[sflag:s29] =	ssyncadd.s32 $0xFFFFD000  }
0x4f: {  	s18 =	simm.s32 $0x0;
	s11 =	sand.u32 $0x40, s10;
	_ =	swait.ge [sflag:s29], $0x3000  }
0x50: {  	p0 =	por $0x1, $0x1;
	s9 =	sor.u32 $0x30, s11;
	[sflag:s29] =	ssyncset.done $0x0  }
0x51: {  	s13 =	simm.s32 $0xFFFFFD00;
	s14 =	sor.u32 s18, s9;
	[sflag:s29] =	ssyncadd.s32 $0xFFFFD000  }
0x52: {  	s13 =	smov.u32 @p0 s6;
	v3 =	vld [tilespmem:s14+$0xF80]  }
0x53: {  	s15 =	sor.u32 s9, s13;
	v4 =	vld [tilespmem:s14+$0x3F80]  }
0x54: {  	v2 =	vld [tilespmem:s15+$0x0]  }
0x55: {  	s9 =	sor.u32 s11, s13;
	v1 =	vld [tilespmem:s15+$0x400]  }
0x56: {  	s19 =	sor.u32 $0x10, s11;
	v5 =	vld [tilespmem:s9+$0x0]  }
0x57: {  	s6 =	sor.u32 s19, s13;
	v6 =	vld [tilespmem:s9+$0x400]  }
0x58: {  	s20 =	sor.u32 $0x20, s11;
	v39 =	vld [tilespmem:s6+$0x0]  }
0x59: {  	s21 =	sor.u32 s20, s13;
	v41 =	vld [tilespmem:s6+$0x400]  }
0x5a: {  	v22 =	vld [tilespmem:s21+$0x0]  }
0x5b: {  	s13 =	sor.u32 s11, s18;
	v47 =	vld [tilespmem:s21+$0x400]  }
0x5c: {  	v19 =	vld [tilespmem:s13+$0xC00]  }
0x5d: {  	v61 =	vld [tilespmem:s13+$0x3C00]  }
0x5e: {  	v0 =	vld [tilespmem:s15+$0x800]  }
0x5f: {  	v20 =	vld [tilespmem:s13+$0xC80]  }
0x60: {  	v62 =	vld [tilespmem:s13+$0x3C80]  }
0x61: {  	v21 =	vld [tilespmem:s13+$0xD00]  }
0x62: {  	v63 =	vld [tilespmem:s13+$0x3D00]  }
0x63: {  	v23 =	vld [tilespmem:s13+$0xD80]  }
0x64: {  	v7 =	vld [tilespmem:s13+$0x3D80]  }
0x65: {  	v24 =	vld [tilespmem:s13+$0xE00]  }
0x66: {  	v8 =	vld [tilespmem:s13+$0x3E00]  }
0x67: {  	v27 =	vld [tilespmem:s13+$0xE80]  }
0x68: {  	v9 =	vld [tilespmem:s13+$0x3E80]  }
0x69: {  	v30 =	vld [tilespmem:s13+$0xF00]  }
0x6a: {  	v10 =	vld [tilespmem:s13+$0x3F00]  }
0x6b: {  	v31 =	vld [tilespmem:s13+$0xF80]  }
0x6c: {  	s15 =	sor.u32 s18, s19;
	v52 =	vld [tilespmem:s13+$0x3F80]  }
0x6d: {  	v32 =	vld [tilespmem:s15+$0xC00]  }
0x6e: {  	v11 =	vld [tilespmem:s15+$0x3C00]  }
0x6f: {  	v34 =	vld [tilespmem:s15+$0xC80]  }
0x70: {  	v12 =	vld [tilespmem:s15+$0x3C80]  }
0x71: {  	v35 =	vld [tilespmem:s15+$0xD00]  }
0x72: {  	v13 =	vld [tilespmem:s15+$0x3D00]  }
0x73: {  	v36 =	vld [tilespmem:s15+$0xD80]  }
0x74: {  	v14 =	vld [tilespmem:s15+$0x3D80]  }
0x75: {  	v37 =	vld [tilespmem:s15+$0xE00]  }
0x76: {  	v15 =	vld [tilespmem:s15+$0x3E00]  }
0x77: {  	v38 =	vld [tilespmem:s15+$0xE80]  }
0x78: {  	v16 =	vld [tilespmem:s15+$0x3E80];
	v3 =	vmul.f32 v3, v2;
	v25 =	vmul.f32 v4, v1  }
0x79: {  	v40 =	vld [tilespmem:s15+$0xF00];
	v26 =	vmul.f32 v19, v5;
	v28 =	vmul.f32 v61, v6  }
0x7a: {  	v17 =	vld [tilespmem:s15+$0x3F00];
	v4 =	vmul.f32 v4, v0;
	v29 =	vmul.f32 v20, v5  }
0x7b: {  	v42 =	vld [tilespmem:s15+$0xF80];
	v33 =	vmul.f32 v62, v6;
	v45 =	vmul.f32 v21, v5  }
0x7c: {  	s18 =	sor.u32 s18, s20;
	v18 =	vld [tilespmem:s15+$0x3F80];
	v46 =	vmul.f32 v63, v6;
	v49 =	vmul.f32 v23, v5  }
0x7d: {  	v43 =	vld [tilespmem:s18+$0xC00];
	v50 =	vmul.f32 v7, v6;
	v24 =	vmul.f32 v24, v5  }
0x7e: {  	v44 =	vld [tilespmem:s18+$0xC80];
	v54 =	vmul.f32 v8, v6;
	v27 =	vmul.f32 v27, v5  }
0x7f: {  	v48 =	vld [tilespmem:s18+$0xD00];
	v55 =	vmul.f32 v9, v6;
	v56 =	vmul.f32 v30, v5  }
0x80: {  	v19 =	vld [tilespmem:s18+$0x3C00];
	v57 =	vmul.f32 v10, v6;
	v5 =	vmul.f32 v31, v5  }
0x81: {  	v20 =	vld [tilespmem:s18+$0x3C80];
	[tilespmem:$0x1FFB0] =	vst v7;
	v6 =	vmul.f32 v52, v6;
	v32 =	vmul.f32 v32, v39  }
0x82: {  	v21 =	vld [tilespmem:s18+$0x3D00];
	[tilespmem:$0x1FFC0] =	vst v8;
	v58 =	vmul.f32 v11, v41;
	v3 =	vadd.f32 v25, v3;
	v25 =	vadd.f32 v28, v26  }
0x83: {  	v59 =	vmul.f32 v34, v39;
	v26 =	vadd.f32 v33, v29;
	v51 =	vld [tilespmem:s18+$0xD80];
	v28 =	vadd.f32 v46, v45;
	[tilespmem:$0x1FFD0] =	vst v9  }
0x84: {  	v60 =	vmul.f32 v12, v41;
	v29 =	vadd.f32 v50, v49;
	v30 =	vadd.f32 v54, v24;
	v23 =	vld [tilespmem:s18+$0x3D80];
	[tilespmem:$0x1FFE0] =	vst v10  }
0x85: {  	v31 =	vadd.f32 v55, v27;
	v34 =	vadd.f32 v6, v5;
	v5 =	vmul.f32 v35, v39;
	v50 =	vld [tilespmem:s18+$0xE00];
	[tilespmem:$0x1FFF0] =	vst v52  }
0x86: {  	v33 =	vadd.f32 v57, v56;
	v6 =	vmul.f32 v13, v41;
	v57 =	vmul.f32 v14, v41;
	v24 =	vld [tilespmem:s18+$0x3E00]  }
0x87: {  	v46 =	vmul.f32 v18, v41;
	v35 =	vadd.f32 v58, v32;
	v58 =	vmul.f32 v37, v39;
	v52 =	vld [tilespmem:s18+$0xE80]  }
0x88: {  	v37 =	vadd.f32 v6, v5;
	v5 =	vmul.f32 v16, v41;
	v27 =	vld [tilespmem:s18+$0x3E80];
	[tilespmem:s14+$0xF80] =	vst v3;
	v3 =	vmul.f32 v36, v39  }
0x89: {  	v54 =	vld [tilespmem:s18+$0xF00];
	v36 =	vadd.f32 v60, v59;
	v59 =	vmul.f32 v15, v41;
	[tilespmem:s14+$0x3F80] =	vst v4;
	v4 =	vmul.f32 v38, v39  }
0x8a: {  	v32 =	vld [tilespmem:s18+$0x3F00];
	v60 =	vmul.f32 v17, v41;
	v38 =	vadd.f32 v57, v3;
	v3 =	vmul.f32 v40, v39  }
0x8b: {  	v53 =	vld [tilespmem:s14+$0x3C00];
	v39 =	vmul.f32 v42, v39;
	v41 =	vadd.f32 v5, v4;
	v4 =	vmul.f32 v43, v22  }
0x8c: {  	v6 =	vld [tilespmem:s14+$0xC00];
	v5 =	vmul.f32 v19, v47;
	v42 =	vadd.f32 v60, v3;
	v3 =	vmul.f32 v44, v22  }
0x8d: {  	v49 =	vld [tilespmem:s14+$0xC80];
	v60 =	vmul.f32 v20, v47;
	v43 =	vadd.f32 v46, v39;
	v39 =	vmul.f32 v48, v22  }
0x8e: {  	v56 =	vld [tilespmem:s14+$0x3C80];
	v48 =	vmul.f32 v21, v47;
	v45 =	vadd.f32 v5, v4;
	v5 =	vmul.f32 v51, v22  }
0x8f: {  	v55 =	vld [tilespmem:s18+$0xF80];
	v40 =	vadd.f32 v59, v58;
	v44 =	vmul.f32 v23, v47;
	v51 =	vmul.f32 v50, v22  }
0x90: {  	v57 =	vld [tilespmem:s14+$0xD00];
	v4 =	vmul.f32 v53, v0;
	v52 =	vmul.f32 v52, v22;
	v46 =	vadd.f32 v60, v3  }
0x91: {  	v58 =	vld [tilespmem:s14+$0x3D00];
	v3 =	vmul.f32 v6, v2;
	v6 =	vmul.f32 v53, v1;
	v48 =	vadd.f32 v48, v39  }
0x92: {  	v39 =	vld [tilespmem:s18+$0x3F80];
	v53 =	vmul.f32 v24, v47;
	v50 =	vadd.f32 v44, v5;
	v5 =	vmul.f32 v27, v47  }
0x93: {  	v59 =	vld [tilespmem:s14+$0xD80];
	v3 =	vadd.f32 v6, v3;
	v6 =	vmul.f32 v49, v2;
	v49 =	vmul.f32 v56, v1  }
0x94: {  	v60 =	vld [tilespmem:s14+$0x3D80];
	v53 =	vadd.f32 v53, v51;
	v51 =	vmul.f32 v56, v0;
	v56 =	vmul.f32 v54, v22  }
0x95: {  	v44 =	vld [tilespmem:s14+$0x3E00];
	v54 =	vadd.f32 v5, v52;
	v5 =	vmul.f32 v32, v47;
	v22 =	vmul.f32 v55, v22  }
0x96: {  	[tilespmem:s14+$0x3C00] =	vst v4;
	v4 =	vld [tilespmem:s14+$0xE00];
	v52 =	vmul.f32 v57, v2;
	v57 =	vmul.f32 v58, v1  }
0x97: {  	[tilespmem:s14+$0xC00] =	vst v3;
	v3 =	vld [tilespmem:s14+$0xE80];
	v6 =	vadd.f32 v49, v6;
	v55 =	vadd.f32 v5, v56;
	v49 =	vmul.f32 v39, v47  }
0x98: {  	[tilespmem:s14+$0x3C80] =	vst v51;
	v51 =	vmul.f32 v58, v0;
	v5 =	vmul.f32 v59, v2;
	v57 =	vadd.f32 v57, v52;
	v47 =	vld [tilespmem:s14+$0x3E80]  }
0x99: {  	s19 =	simm.s32 $0x0;
	v52 =	vmul.f32 v60, v0;
	[tilespmem:s14+$0xC80] =	vst v6;
	v6 =	vld [tilespmem:s14+$0xF00];
	v56 =	vadd.f32 v49, v22;
	v49 =	vmul.f32 v60, v1  }
.LBB2_3:
0x9a: {  	v58 =	vld [tilespmem:s14+$0x3F00];
	_ =	sdelay $0x3  }
0x9b: {  	v60 =	vadd.f32 v49, v5;
	v4 =	vmul.f32 v4, v2;
	v5 =	vmul.f32 v44, v1  }
0x9c: {  	v59 =	vld [tilespmem:s9+$0x800];
	v7 =	vmul.f32 v44, v0;
	v44 =	vmul.f32 v58, v0  }
0x9d: {  	v5 =	vadd.f32 v5, v4;
	v4 =	vmul.f32 v47, v1;
	v47 =	vmul.f32 v47, v0;
	v0 =	vld [tilespmem:$0x1FFB0];
	_ =	sdelay $0x4  }
0x9e: {  	v9 =	vmul.f32 v0, v59;
	v0 =	vld [tilespmem:$0x1FFC0];
	_ =	sdelay $0x2  }
0x9f: {  	s19 =	sadd.s32 $0x4, s19;
	s10 =	sadd.s32 $0x40, s10;
	[tilespmem:s13+$0xC00] =	vst v25  }
0xa0: {  	[tilespmem:s13+$0xC80] =	vst v26;
	v25 =	vld [tilespmem:s6+$0x800];
	s11 =	sshrl.u32 s19, $0x3;
	s20 =	sand.u32 $0x40, s10  }
0xa1: {  	[tilespmem:s13+$0xD00] =	vst v28;
	s25 =	sshll.u32 s11, $0xA;
	s22 =	sor.u32 $0x30, s20;
	v10 =	vmul.f32 v0, v59;
	v0 =	vld [tilespmem:$0x1FFD0]  }
0xa2: {  	v26 =	vld [tilespmem:s21+$0x800];
	[tilespmem:s14+$0x3D00] =	vst v51;
	s9 =	sshll.u32 s11, $0x7;
	s11 =	sor.u32 s25, s22;
	v3 =	vmul.f32 v3, v2  }
0xa3: {  	[tilespmem:s13+$0xD80] =	vst v29;
	v28 =	vld [tilespmem:s11+$0xF80]  }
0xa4: {  	[tilespmem:s13+$0xE00] =	vst v30;
	p1 =	slt.u32 s19, $0x30;
	s16 =	sadd.s32 $0xFFFFFD00, s9;
	s23 =	sor.u32 s20, s25;
	v6 =	vmul.f32 v6, v2;
	v29 =	vld [tilespmem:s11+$0x3F80];
	v30 =	vadd.f32 v4, v3;
	v3 =	vmul.f32 v58, v1  }
0xa5: {  	s16 =	smov.u32 @p1 s9;
	v22 =	vmul.f32 v62, v59;
	v62 =	vmul.f32 v13, v25;
	v13 =	vld [tilespmem:s23+$0xD00]  }
0xa6: {  	[tilespmem:s13+$0xE80] =	vst v31;
	s24 =	sor.u32 s22, s16;
	v31 =	vadd.f32 v3, v6;
	v6 =	vmul.f32 v0, v59;
	v0 =	vld [tilespmem:$0x1FFE0]  }
0xa7: {  	[tilespmem:s13+$0xF00] =	vst v33;
	s26 =	sor.u32 $0x20, s20;
	s9 =	sor.u32 s20, s16;
	v2 =	vld [tilespmem:s24+$0x0]  }
0xa8: {  	s21 =	sor.u32 s26, s16;
	v33 =	vld [tilespmem:s9+$0x0]  }
0xa9: {  	[tilespmem:s15+$0xC00] =	vst v35;
	v51 =	vld [tilespmem:s21+$0x0]  }
0xaa: {  	[tilespmem:$0x1FF90] =	vst v52;
	v1 =	vld [tilespmem:s24+$0x400]  }
0xab: {  	[tilespmem:$0x1FFA0] =	vst v7;
	v4 =	vmul.f32 v0, v59;
	v0 =	vld [tilespmem:$0x1FFF0]  }
0xac: {  	s28 =	sor.u32 $0x10, s20;
	[tilespmem:s13+$0xF80] =	vst v34;
	v52 =	vld [tilespmem:s21+$0x400]  }
0xad: {  	s6 =	sor.u32 s28, s16;
	v8 =	vmul.f32 v63, v59;
	[tilespmem:s18+$0xC00] =	vst v45;
	v34 =	vld [tilespmem:s9+$0x400]  }
0xae: {  	v7 =	vmul.f32 v61, v59;
	v58 =	vld [tilespmem:s6+$0x0];
	[tilespmem:s15+$0xC80] =	vst v36;
	v36 =	vmul.f32 v12, v25  }
0xaf: {  	[tilespmem:s18+$0xC80] =	vst v46;
	v12 =	vld [tilespmem:s23+$0xC00];
	v3 =	vmul.f32 v11, v25;
	v11 =	vmul.f32 v29, v1  }
0xb0: {  	[tilespmem:s18+$0xD00] =	vst v48;
	v49 =	vmul.f32 v0, v59;
	v59 =	vld [tilespmem:s6+$0x400];
	v0 =	vmul.f32 v28, v2  }
0xb1: {  	[tilespmem:s15+$0xE00] =	vst v40;
	v40 =	vmul.f32 v18, v25;
	v18 =	vld [tilespmem:s23+$0x3C00]  }
0xb2: {  	v61 =	vmul.f32 v17, v25;
	[tilespmem:s18+$0xD80] =	vst v50;
	v17 =	vld [tilespmem:s23+$0x3C80];
	v11 =	vadd.f32 v11, v0  }
0xb3: {  	v63 =	vmul.f32 v15, v25;
	[tilespmem:s18+$0xE80] =	vst v54;
	v0 =	vld [tilespmem:s24+$0x800]  }
0xb4: {  	v19 =	vmul.f32 v19, v26;
	v27 =	vmul.f32 v27, v26;
	[tilespmem:s11+$0xF80] =	vst v11;
	v11 =	vld [tilespmem:s23+$0xC80]  }
0xb5: {  	v15 =	vld [tilespmem:s23+$0xD80];
	v13 =	vmul.f32 v13, v33;
	v12 =	vmul.f32 v12, v33;
	[tilespmem:s15+$0xD00] =	vst v37  }
0xb6: {  	v46 =	vld [tilespmem:s23+$0x3D00];
	v37 =	vmul.f32 v14, v25;
	[tilespmem:s15+$0xD80] =	vst v38;
	v14 =	vmul.f32 v18, v34  }
0xb7: {  	v54 =	vld [tilespmem:s23+$0x3E00];
	v38 =	vmul.f32 v16, v25;
	[tilespmem:s15+$0xE80] =	vst v41;
	v41 =	vmul.f32 v20, v26  }
0xb8: {  	[tilespmem:s15+$0xF00] =	vst v42;
	v20 =	vmul.f32 v21, v26;
	v42 =	vmul.f32 v23, v26;
	v25 =	vadd.f32 v14, v12;
	v14 =	vld [tilespmem:s23+$0xE00]  }
0xb9: {  	[tilespmem:s18+$0xE00] =	vst v53;
	v16 =	vld [tilespmem:s23+$0x3D80];
	v12 =	vmul.f32 v17, v34;
	v11 =	vmul.f32 v11, v33  }
0xba: {  	[tilespmem:s18+$0xF80] =	vst v56;
	v56 =	vld [tilespmem:s23+$0x3E80];
	v21 =	vmul.f32 v24, v26;
	v23 =	vmul.f32 v32, v26  }
0xbb: {  	v24 =	vmul.f32 v39, v26;
	[tilespmem:s14+$0xD00] =	vst v57;
	v57 =	vld [tilespmem:s23+$0x3F80];
	v26 =	vadd.f32 v12, v11;
	v11 =	vmul.f32 v46, v34  }
0xbc: {  	[tilespmem:s15+$0xF80] =	vst v43;
	v12 =	vld [tilespmem:s23+$0xE80]  }
0xbd: {  	[tilespmem:s14+$0xE00] =	vst v5;
	v5 =	vmul.f32 v54, v34;
	v14 =	vmul.f32 v14, v33;
	v28 =	vadd.f32 v11, v13;
	v13 =	vld [tilespmem:s23+$0xF00]  }
0xbe: {  	s20 =	sor.u32 s25, s28;
	v15 =	vmul.f32 v15, v33;
	[tilespmem:$0x1FFB0] =	vst v16;
	v11 =	vmul.f32 v16, v34;
	v16 =	vld [tilespmem:s23+$0x3F00]  }
0xbf: {  	[tilespmem:s14+$0xE80] =	vst v30;
	v30 =	vadd.f32 v5, v14;
	v14 =	vld [tilespmem:s20+$0xC00]  }
0xc0: {  	[tilespmem:s14+$0xF00] =	vst v31;
	v32 =	vmul.f32 v29, v0;
	v29 =	vadd.f32 v11, v15;
	v15 =	vld [tilespmem:s23+$0xF80]  }
0xc1: {  	v5 =	vmul.f32 v56, v34;
	[tilespmem:s13+$0x3C00] =	vst v7;
	v11 =	vld [tilespmem:s20+$0x3C00];
	v12 =	vmul.f32 v12, v33  }
0xc2: {  	[tilespmem:s13+$0x3E80] =	vst v6;
	v6 =	vld [tilespmem:s20+$0xD80]  }
0xc3: {  	v7 =	vmul.f32 v13, v33;
	v31 =	vadd.f32 v5, v12;
	[tilespmem:$0x1FFE0] =	vst v16;
	v5 =	vmul.f32 v16, v34;
	v16 =	vld [tilespmem:s20+$0xC80]  }
0xc4: {  	[tilespmem:s18+$0xF00] =	vst v55;
	v12 =	vld [tilespmem:s20+$0x3C80]  }
0xc5: {  	[tilespmem:s13+$0x3D00] =	vst v8;
	v13 =	vld [tilespmem:s20+$0x3D00];
	v8 =	vmul.f32 v15, v33;
	v33 =	vadd.f32 v5, v7;
	v5 =	vmul.f32 v57, v34  }
0xc6: {  	[tilespmem:s14+$0xD80] =	vst v60;
	v7 =	vld [tilespmem:s20+$0xD00]  }
0xc7: {  	[tilespmem:s13+$0x3D80] =	vst v9;
	v9 =	vmul.f32 v14, v58;
	v34 =	vadd.f32 v5, v8;
	v5 =	vmul.f32 v11, v59;
	v8 =	vld [tilespmem:s20+$0xE00]  }
0xc8: {  	[tilespmem:s13+$0x3F00] =	vst v4;
	v14 =	vld [tilespmem:s20+$0x3D80]  }
0xc9: {  	v15 =	vld [tilespmem:s20+$0x3E00];
	[tilespmem:s15+$0x3C00] =	vst v3;
	v4 =	vmul.f32 v16, v58;
	v35 =	vadd.f32 v5, v9;
	v5 =	vmul.f32 v12, v59  }
0xca: {  	[tilespmem:s15+$0x3C80] =	vst v36;
	v16 =	vld [tilespmem:s20+$0x3E80]  }
0xcb: {  	v3 =	vmul.f32 v7, v58;
	v36 =	vadd.f32 v5, v4;
	v4 =	vmul.f32 v13, v59;
	v5 =	vld [tilespmem:s20+$0xE80];
	[tilespmem:s15+$0x3D00] =	vst v62  }
0xcc: {  	[tilespmem:s15+$0x3D80] =	vst v37;
	v7 =	vmul.f32 v8, v58;
	v8 =	vld [tilespmem:$0x1FF90]  }
0xcd: {  	v6 =	vmul.f32 v6, v58;
	v37 =	vadd.f32 v4, v3;
	v3 =	vmul.f32 v14, v59;
	v4 =	vld [tilespmem:s20+$0xF00];
	[tilespmem:s15+$0x3E00] =	vst v63  }
0xce: {  	v62 =	vmov v17;
	v17 =	vld [tilespmem:s20+$0x3F00];
	[tilespmem:s15+$0x3E80] =	vst v38  }
0xcf: {  	v38 =	vadd.f32 v3, v6;
	v3 =	vmul.f32 v15, v59;
	v6 =	vld [tilespmem:s20+$0xF80];
	[tilespmem:s15+$0x3F00] =	vst v61  }
0xd0: {  	s28 =	sor.u32 s25, s26;
	v61 =	vmov v18;
	v18 =	vld [tilespmem:s20+$0x3F80];
	[tilespmem:s15+$0x3F80] =	vst v40  }
0xd1: {  	v40 =	vadd.f32 v3, v7;
	v7 =	vld [tilespmem:s28+$0xC00];
	[tilespmem:s18+$0x3C00] =	vst v19  }
0xd2: {  	v5 =	vmul.f32 v5, v58;
	v3 =	vmul.f32 v16, v59;
	[tilespmem:s14+$0x3D80] =	vst v8;
	v8 =	vld [tilespmem:$0x1FFA0]  }
0xd3: {  	[tilespmem:s18+$0x3C80] =	vst v41;
	v19 =	vld [tilespmem:s28+$0x3C00]  }
0xd4: {  	v4 =	vmul.f32 v4, v58;
	v41 =	vadd.f32 v3, v5;
	v3 =	vmul.f32 v17, v59;
	v5 =	vld [tilespmem:s28+$0xC80];
	[tilespmem:s18+$0x3D00] =	vst v20  }
0xd5: {  	v20 =	vld [tilespmem:s28+$0x3C80];
	[tilespmem:s18+$0x3D80] =	vst v42  }
0xd6: {  	v6 =	vmul.f32 v6, v58;
	v42 =	vadd.f32 v3, v4;
	v3 =	vmul.f32 v18, v59;
	v4 =	vld [tilespmem:s28+$0xD00];
	[tilespmem:s18+$0x3E00] =	vst v21  }
0xd7: {  	v21 =	vld [tilespmem:s28+$0x3D00];
	[tilespmem:s18+$0x3E80] =	vst v27  }
0xd8: {  	v7 =	vmul.f32 v7, v51;
	v43 =	vadd.f32 v3, v6;
	v3 =	vmul.f32 v19, v52;
	v6 =	vld [tilespmem:s28+$0xD80];
	[tilespmem:s18+$0x3F00] =	vst v23  }
0xd9: {  	v23 =	vld [tilespmem:s28+$0x3D80];
	[tilespmem:s18+$0x3F80] =	vst v24;
	s18 =	smov.u32 s28  }
0xda: {  	[tilespmem:s14+$0x3E80] =	vst v47;
	v5 =	vmul.f32 v5, v51;
	v24 =	vld [tilespmem:s18+$0x3E00];
	v45 =	vadd.f32 v3, v7;
	v3 =	vmul.f32 v20, v52  }
0xdb: {  	[tilespmem:s14+$0x3F00] =	vst v44;
	v7 =	vld [tilespmem:s18+$0xE00]  }
0xdc: {  	v63 =	vmovc v46;
	v27 =	vld [tilespmem:s18+$0x3E80];
	v4 =	vmul.f32 v4, v51;
	v46 =	vadd.f32 v3, v5;
	v3 =	vmul.f32 v21, v52  }
0xdd: {  	[tilespmem:s14+$0x3E00] =	vst v8;
	s14 =	smov.u32 s11;
	v5 =	vld [tilespmem:s18+$0xE80]  }
0xde: {  	[tilespmem:s14+$0x3F80] =	vst v32;
	v32 =	vld [tilespmem:s18+$0x3F00];
	v6 =	vmul.f32 v6, v51;
	v48 =	vadd.f32 v3, v4;
	v3 =	vmul.f32 v23, v52  }
0xdf: {  	v4 =	vld [tilespmem:s18+$0xF00]  }
0xe0: {  	v39 =	vld [tilespmem:s18+$0x3F80];
	v7 =	vmul.f32 v7, v51;
	v50 =	vadd.f32 v3, v6;
	v3 =	vmul.f32 v24, v52  }
0xe1: {  	v6 =	vld [tilespmem:s18+$0xF80]  }
0xe2: {  	v5 =	vmul.f32 v5, v51;
	v53 =	vadd.f32 v3, v7;
	v3 =	vmul.f32 v27, v52;
	v7 =	vld [tilespmem:s14+$0xC00]  }
0xe3: {  	v8 =	vld [tilespmem:s14+$0x3C00]  }
0xe4: {  	[tilespmem:$0x1FFC0] =	vst v54;
	v9 =	vld [tilespmem:s14+$0x3C80];
	v4 =	vmul.f32 v4, v51;
	v54 =	vadd.f32 v3, v5;
	v3 =	vmul.f32 v32, v52  }
0xe5: {  	v5 =	vld [tilespmem:s14+$0xC80]  }
0xe6: {  	[tilespmem:s13+$0x3E00] =	vst v10;
	v10 =	vld [tilespmem:s14+$0xD00];
	v6 =	vmul.f32 v6, v51;
	v55 =	vadd.f32 v3, v4;
	v3 =	vmul.f32 v39, v52  }
0xe7: {  	[tilespmem:$0x1FFD0] =	vst v56;
	v4 =	vmul.f32 v7, v2;
	v7 =	vld [tilespmem:s14+$0x3D00]  }
0xe8: {  	[tilespmem:s13+$0x3C80] =	vst v22;
	v22 =	vld [tilespmem:s14+$0x3D80];
	v56 =	vadd.f32 v3, v6;
	v3 =	vmul.f32 v8, v1;
	v6 =	vmul.f32 v8, v0  }
0xe9: {  	p0 =	slt.u32 s19, $0x5C;
	[tilespmem:$0x1FFF0] =	vst v57;
	v8 =	vld [tilespmem:s14+$0xD80]  }
.Ltmp2:
0xea: {  	v44 =	vld [tilespmem:s14+$0x3E00];
	v5 =	vmul.f32 v5, v2;
	v3 =	vadd.f32 v3, v4;
	[tilespmem:s14+$0x3C00] =	vst v6;
	v6 =	vmul.f32 v9, v1;
	(pc) =	sbr.rel @p0 .LBB2_3-.Ltmp2, $4  }
0xeb: {  	[tilespmem:s13+$0x3F80] =	vst v49;
	v47 =	vld [tilespmem:s14+$0x3E80];
	v9 =	vmul.f32 v9, v0  }
0xec: {  	v10 =	vmul.f32 v10, v2;
	v4 =	vld [tilespmem:s14+$0xE00];
	[tilespmem:s14+$0xC00] =	vst v3;
	v6 =	vadd.f32 v6, v5;
	v60 =	vmul.f32 v7, v1  }
0xed: {  	v49 =	vmul.f32 v22, v1;
	v52 =	vmul.f32 v22, v0;
	v3 =	vld [tilespmem:s14+$0xE80];
	[tilespmem:s14+$0x3C80] =	vst v9  }
0xee: {  	s13 =	smov.u32 s23;
	s15 =	smov.u32 s20;
	v51 =	vmul.f32 v7, v0;
	v5 =	vmul.f32 v8, v2;
	[tilespmem:s14+$0xC80] =	vst v6;
	v57 =	vadd.f32 v60, v10;
	v6 =	vld [tilespmem:s14+$0xF00]  }
0xef: {  	v7 =	vld [tilespmem:s9+$0x800];
	[tilespmem:s13+$0xC00] =	vst v25  }
0xf0: {  	[tilespmem:s13+$0xC80] =	vst v26  }
0xf1: {  	[tilespmem:s13+$0xD00] =	vst v28  }
0xf2: {  	[tilespmem:s13+$0xD80] =	vst v29  }
0xf3: {  	[tilespmem:s13+$0xE00] =	vst v30  }
0xf4: {  	[tilespmem:s13+$0xE80] =	vst v31  }
0xf5: {  	[tilespmem:s13+$0xF00] =	vst v33  }
0xf6: {  	[tilespmem:s13+$0xF80] =	vst v34  }
0xf7: {  	v8 =	vld [tilespmem:s6+$0x800];
	[tilespmem:s15+$0xC00] =	vst v35  }
0xf8: {  	[tilespmem:s15+$0xC80] =	vst v36  }
0xf9: {  	[tilespmem:s15+$0xD00] =	vst v37  }
0xfa: {  	[tilespmem:s15+$0xD80] =	vst v38  }
0xfb: {  	[tilespmem:s15+$0xE00] =	vst v40  }
0xfc: {  	[tilespmem:s15+$0xE80] =	vst v41  }
0xfd: {  	[tilespmem:s15+$0xF00] =	vst v42  }
0xfe: {  	[tilespmem:s15+$0xF80] =	vst v43  }
0xff: {  	v9 =	vld [tilespmem:s21+$0x800];
	[tilespmem:s18+$0xC00] =	vst v45  }
0x100: {  	[tilespmem:s18+$0xC80] =	vst v46  }
0x101: {  	[tilespmem:s18+$0xD00] =	vst v48  }
0x102: {  	[tilespmem:s18+$0xD80] =	vst v50  }
0x103: {  	v10 =	vld [tilespmem:s14+$0x3F00];
	[tilespmem:s18+$0xE00] =	vst v53  }
0x104: {  	[tilespmem:s18+$0xE80] =	vst v54  }
0x105: {  	[tilespmem:s18+$0xF00] =	vst v55  }
0x106: {  	v22 =	vmul.f32 v44, v1;
	[tilespmem:s18+$0xF80] =	vst v56;
	v4 =	vmul.f32 v4, v2  }
0x107: {  	[tilespmem:s14+$0x3D00] =	vst v51;
	v5 =	vadd.f32 v49, v5;
	v25 =	vmul.f32 v47, v1;
	v3 =	vmul.f32 v3, v2  }
0x108: {  	[tilespmem:s14+$0xD00] =	vst v57;
	v4 =	vadd.f32 v22, v4;
	v2 =	vmul.f32 v6, v2;
	v1 =	vmul.f32 v10, v1  }
0x109: {  	[tilespmem:s14+$0xD80] =	vst v5;
	v3 =	vadd.f32 v25, v3  }
0x10a: {  	[tilespmem:s14+$0xE00] =	vst v4;
	v1 =	vadd.f32 v1, v2  }
0x10b: {  	v2 =	vmul.f32 v61, v7;
	[tilespmem:s14+$0xE80] =	vst v3  }
0x10c: {  	[tilespmem:s14+$0xF00] =	vst v1  }
0x10d: {  	v3 =	vmul.f32 v62, v7;
	[tilespmem:s13+$0x3C00] =	vst v2  }
0x10e: {  	v1 =	vmul.f32 v63, v7;
	v2 =	vld [tilespmem:$0x1FFB0]  }
0x10f: {  	[tilespmem:s13+$0x3C80] =	vst v3  }
0x110: {  	v3 =	vld [tilespmem:$0x1FFC0];
	[tilespmem:s13+$0x3D00] =	vst v1  }
0x111: {  	v1 =	vld [tilespmem:$0x1FFD0];
	_ =	sdelay $0x1  }
0x112: {  	v2 =	vmul.f32 v2, v7;
	_ =	sdelay $0x1  }
0x113: {  	v3 =	vmul.f32 v3, v7;
	[tilespmem:s13+$0x3D80] =	vst v2  }
0x114: {  	v1 =	vmul.f32 v1, v7;
	v2 =	vld [tilespmem:$0x1FFE0]  }
0x115: {  	[tilespmem:s13+$0x3E00] =	vst v3  }
0x116: {  	v3 =	vld [tilespmem:$0x1FFF0];
	[tilespmem:s13+$0x3E80] =	vst v1;
	v1 =	vmul.f32 v11, v8;
	_ =	sdelay $0x1  }
0x117: {  	[tilespmem:s15+$0x3C00] =	vst v1;
	v1 =	vmul.f32 v14, v8  }
0x118: {  	[tilespmem:s14+$0x3D80] =	vst v52;
	v2 =	vmul.f32 v2, v7  }
0x119: {  	[tilespmem:s15+$0x3D80] =	vst v1;
	v1 =	vmul.f32 v17, v8  }
0x11a: {  	v3 =	vmul.f32 v3, v7;
	[tilespmem:s13+$0x3F00] =	vst v2  }
0x11b: {  	v2 =	vmul.f32 v12, v8;
	[tilespmem:s15+$0x3F00] =	vst v1  }
0x11c: {  	v1 =	vmul.f32 v20, v9;
	[tilespmem:s13+$0x3F80] =	vst v3  }
0x11d: {  	v3 =	vmul.f32 v13, v8;
	[tilespmem:s15+$0x3C80] =	vst v2  }
0x11e: {  	v2 =	vmul.f32 v15, v8;
	[tilespmem:s18+$0x3C80] =	vst v1  }
0x11f: {  	v1 =	vmul.f32 v24, v9;
	[tilespmem:s15+$0x3D00] =	vst v3  }
0x120: {  	v3 =	vmul.f32 v16, v8;
	[tilespmem:s15+$0x3E00] =	vst v2  }
0x121: {  	v2 =	vmul.f32 v18, v8;
	[tilespmem:s18+$0x3E00] =	vst v1  }
0x122: {  	v1 =	vmul.f32 v39, v9;
	[tilespmem:s15+$0x3E80] =	vst v3  }
0x123: {  	v3 =	vmul.f32 v19, v9;
	[tilespmem:s15+$0x3F80] =	vst v2  }
0x124: {  	v2 =	vmul.f32 v21, v9;
	[tilespmem:s18+$0x3F80] =	vst v1  }
0x125: {  	v1 =	vmul.f32 v47, v0;
	[tilespmem:s18+$0x3C00] =	vst v3  }
0x126: {  	v3 =	vmul.f32 v23, v9;
	[tilespmem:s18+$0x3D00] =	vst v2  }
0x127: {  	s13 =	smul.u32 $0x30, s12;
	v2 =	vmul.f32 v27, v9;
	[tilespmem:s14+$0x3E80] =	vst v1  }
0x128: {  	[tilespmem:s18+$0x3D80] =	vst v3;
	v3 =	vmul.f32 v32, v9  }
0x129: {  	s20 =	sadd.s32 s5, s13;
	[tilespmem:s18+$0x3E80] =	vst v2;
	v2 =	vmul.f32 v44, v0  }
0x12a: {  	s6 =	sshll.u32 s20, $0x7;
	v0 =	vmul.f32 v10, v0;
	[tilespmem:s18+$0x3F00] =	vst v3  }
0x12b: {  	s6 =	sand.u32 $0x1FFFF800, s6;
	[tilespmem:s14+$0x3E00] =	vst v2  }
0x12c: {  	s21 =	simm.s32 $0xC00;
	s22 =	sadd.s32 s7, s13;
	s6 =	sadd.s32 s3, s6;
	[tilespmem:s14+$0x3F00] =	vst v0  }
0x12d: {  	[hbm4b:s6+s4] =	stream.linear.scatter [tilespmem:s21], [sflag:$0x5], $0x3000, $0x38;
	[tilespmem:$0x18C00] =	vst v63  }
0x12e: {  	s6 =	sshll.u32 s22, $0x7  }
0x12f: {  	s6 =	sand.u32 $0x1FFFF800, s6  }
0x130: {  	s23 =	simm.s32 $0x3C00;
	p0 =	sne.s32 s12, $0x0;
	s6 =	sadd.s32 s3, s6  }
0x131: {  	[hbm4b:s6+s4] =	stream.linear.scatter [tilespmem:s23], [sflag:$0x5], $0x3000, $0x38;
	[tilespmem:$0x18C00] =	vst v63  }
0x132: {  	s6 =	simm.s32 @p0 $0x8  }
0x133: {  	_ =	swait.ge @p0 [sflag:s6], $0x3000  }
0x134: {  	[sflag:s6] =	ssyncset.done @p0 $0x0  }
0x135: {  	s9 =	sadd.s32 @p0 $0x24, s13;
	[sflag:s6] =	ssyncadd.s32 @p0 $0xFFFFD000  }
0x136: {  	s10 =	sadd.s32 @p0 s5, s9;
	_ =	swait.ge @p0 [sflag:s6], $0x3000  }
0x137: {  	s10 =	sshll.u32 @p0 s10, $0x7;
	[sflag:s6] =	ssyncset.done @p0 $0x0  }
0x138: {  	[sflag:s6] =	ssyncadd.s32 @p0 $0xFFFFD000;
	s6 =	sand.u32 @p0 $0x1FFFFA00, s10  }
0x139: {  	s11 =	simm.s32 @p0 $0x12C00;
	s10 =	simm.s32 @p0 $0x0;
	s6 =	sadd.s32 @p0 s2, s6  }
0x13a: {  	[tilespmem:s11], [sflag:$0x4] =	stream.linear.gather @p0 [hbm4b:s6+s10], $0x3000, $0x38;
	[tilespmem:$0x18C00] =	vst v63  }
0x13b: {  	s6 =	sadd.s32 @p0 s7, s9  }
0x13c: {  	s9 =	simm.s32 @!p0 $0x0;
	s6 =	sshll.u32 @p0 s6, $0x7  }
0x13d: {  	s10 =	simm.s32 @!p0 $0x12C00;
	s11 =	rddreg [dreg:$0xd];
	s6 =	sand.u32 @p0 $0x1FFFFA00, s6  }
0x13e: {  	[tilespmem:s10], [sflag:$0x4] =	stream.linear.gather @!p0 [hbm4b:s11+s9], $0x3000, $0x38;
	[tilespmem:$0x18C00] =	vst v63  }
0x13f: {  	s9 =	smov.u32 s17;
	s6 =	sadd.s32 @p0 s2, s6  }
0x140: {  	s21 =	simm.s32 $0x0;
	s9 =	smov.u32 @p0 s6  }
0x141: {  	[tilespmem:s30], [sflag:$0x4] =	stream.linear.gather [hbm4b:s9+s21], $0x3000, $0x38;
	[tilespmem:$0x18C00] =	vst v63  }
0x142: {  	_ =	swait.ge [sflag:s31], $0x3000  }
0x143: {  	[sflag:s31] =	ssyncset.done $0x0  }
0x144: {  	s24 =	sand.u32 $0x40, s21;
	[sflag:s31] =	ssyncadd.s32 $0xFFFFD000  }
0x145: {  	s25 =	simm.s32 $0x0;
	s26 =	sor.u32 $0x30, s24;
	_ =	swait.ge [sflag:s31], $0x3000  }
0x146: {  	s15 =	simm.s32 $0xFFFFFD00;
	s14 =	sor.u32 s25, s26;
	[sflag:s31] =	ssyncset.done $0x0  }
0x147: {  	s6 =	simm.s32 $0x0;
	p0 =	por $0x1, $0x1;
	[sflag:s31] =	ssyncadd.s32 $0xFFFFD000  }
0x148: {  	s15 =	smov.u32 @p0 s6;
	v3 =	vld [tilespmem:s14+$0x6F80]  }
0x149: {  	s16 =	sor.u32 s26, s15;
	v4 =	vld [tilespmem:s14+$0x9F80]  }
0x14a: {  	v2 =	vld [tilespmem:s16+$0x0]  }
0x14b: {  	s19 =	sor.u32 s24, s15;
	v1 =	vld [tilespmem:s16+$0x400]  }
0x14c: {  	s28 =	sor.u32 $0x10, s24;
	v5 =	vld [tilespmem:s19+$0x0]  }
0x14d: {  	s9 =	sor.u32 s28, s15;
	v6 =	vld [tilespmem:s19+$0x400]  }
0x14e: {  	s20 =	sor.u32 $0x20, s24;
	v39 =	vld [tilespmem:s9+$0x0]  }
0x14f: {  	s6 =	sor.u32 s20, s15;
	v41 =	vld [tilespmem:s9+$0x400]  }
0x150: {  	v22 =	vld [tilespmem:s6+$0x0]  }
0x151: {  	s15 =	sor.u32 s24, s25;
	v47 =	vld [tilespmem:s6+$0x400]  }
0x152: {  	v19 =	vld [tilespmem:s15+$0x6C00]  }
0x153: {  	v61 =	vld [tilespmem:s15+$0x9C00]  }
0x154: {  	v0 =	vld [tilespmem:s16+$0x800]  }
0x155: {  	v20 =	vld [tilespmem:s15+$0x6C80]  }
0x156: {  	v62 =	vld [tilespmem:s15+$0x9C80]  }
0x157: {  	v21 =	vld [tilespmem:s15+$0x6D00]  }
0x158: {  	v63 =	vld [tilespmem:s15+$0x9D00]  }
0x159: {  	v23 =	vld [tilespmem:s15+$0x6D80]  }
0x15a: {  	v7 =	vld [tilespmem:s15+$0x9D80]  }
0x15b: {  	v24 =	vld [tilespmem:s15+$0x6E00]  }
0x15c: {  	v8 =	vld [tilespmem:s15+$0x9E00]  }
0x15d: {  	v27 =	vld [tilespmem:s15+$0x6E80]  }
0x15e: {  	v9 =	vld [tilespmem:s15+$0x9E80]  }
0x15f: {  	v30 =	vld [tilespmem:s15+$0x6F00]  }
0x160: {  	v10 =	vld [tilespmem:s15+$0x9F00]  }
0x161: {  	v31 =	vld [tilespmem:s15+$0x6F80]  }
0x162: {  	s18 =	sor.u32 s25, s28;
	v52 =	vld [tilespmem:s15+$0x9F80]  }
0x163: {  	v32 =	vld [tilespmem:s18+$0x6C00]  }
0x164: {  	v11 =	vld [tilespmem:s18+$0x9C00]  }
0x165: {  	v34 =	vld [tilespmem:s18+$0x6C80]  }
0x166: {  	v12 =	vld [tilespmem:s18+$0x9C80]  }
0x167: {  	v35 =	vld [tilespmem:s18+$0x6D00]  }
0x168: {  	v13 =	vld [tilespmem:s18+$0x9D00]  }
0x169: {  	v36 =	vld [tilespmem:s18+$0x6D80]  }
0x16a: {  	v14 =	vld [tilespmem:s18+$0x9D80]  }
0x16b: {  	v37 =	vld [tilespmem:s18+$0x6E00]  }
0x16c: {  	v15 =	vld [tilespmem:s18+$0x9E00]  }
0x16d: {  	v38 =	vld [tilespmem:s18+$0x6E80]  }
0x16e: {  	v16 =	vld [tilespmem:s18+$0x9E80]  }
0x16f: {  	v40 =	vld [tilespmem:s18+$0x6F00];
	v3 =	vmul.f32 v3, v2;
	v25 =	vmul.f32 v4, v1  }
0x170: {  	v17 =	vld [tilespmem:s18+$0x9F00];
	v26 =	vmul.f32 v19, v5;
	v28 =	vmul.f32 v61, v6  }
0x171: {  	v42 =	vld [tilespmem:s18+$0x6F80];
	v4 =	vmul.f32 v4, v0;
	v29 =	vmul.f32 v20, v5  }
0x172: {  	s10 =	sor.u32 s25, s20;
	v18 =	vld [tilespmem:s18+$0x9F80];
	v56 =	vmul.f32 v62, v6;
	v57 =	vmul.f32 v21, v5  }
0x173: {  	v43 =	vld [tilespmem:s10+$0x6C00];
	v58 =	vmul.f32 v63, v6;
	v59 =	vmul.f32 v23, v5  }
0x174: {  	v44 =	vld [tilespmem:s10+$0x6C80];
	v60 =	vmul.f32 v7, v6;
	v24 =	vmul.f32 v24, v5  }
0x175: {  	v48 =	vld [tilespmem:s10+$0x6D00];
	v54 =	vmul.f32 v8, v6;
	v27 =	vmul.f32 v27, v5  }
0x176: {  	v19 =	vld [tilespmem:s10+$0x9C00];
	v55 =	vmul.f32 v9, v6;
	v32 =	vmul.f32 v32, v39;
	v3 =	vadd.f32 v25, v3  }
0x177: {  	v20 =	vld [tilespmem:s10+$0x9C80];
	[tilespmem:$0x1FF40] =	vst v7;
	v46 =	vmul.f32 v18, v41;
	v25 =	vadd.f32 v28, v26;
	v26 =	vadd.f32 v56, v29  }
0x178: {  	v21 =	vld [tilespmem:s10+$0x9D00];
	[tilespmem:$0x1FF50] =	vst v8;
	v28 =	vadd.f32 v58, v57;
	v29 =	vadd.f32 v60, v59;
	v56 =	vmul.f32 v30, v5  }
0x179: {  	v51 =	vld [tilespmem:s10+$0x6D80];
	[tilespmem:$0x1FF60] =	vst v9;
	v57 =	vmul.f32 v10, v6;
	v30 =	vadd.f32 v54, v24;
	v5 =	vmul.f32 v31, v5  }
0x17a: {  	v6 =	vmul.f32 v52, v6;
	v31 =	vadd.f32 v55, v27;
	v58 =	vmul.f32 v11, v41;
	v23 =	vld [tilespmem:s10+$0x9D80];
	[tilespmem:$0x1FF70] =	vst v10  }
0x17b: {  	v59 =	vmul.f32 v34, v39;
	v60 =	vmul.f32 v12, v41;
	v50 =	vld [tilespmem:s10+$0x6E00];
	[tilespmem:$0x1FF80] =	vst v52;
	v33 =	vadd.f32 v57, v56  }
0x17c: {  	v34 =	vadd.f32 v6, v5;
	v5 =	vmul.f32 v35, v39;
	v6 =	vmul.f32 v13, v41;
	v24 =	vld [tilespmem:s10+$0x9E00]  }
0x17d: {  	v35 =	vadd.f32 v58, v32;
	v57 =	vmul.f32 v14, v41;
	v58 =	vmul.f32 v37, v39;
	v52 =	vld [tilespmem:s10+$0x6E80]  }
0x17e: {  	v27 =	vld [tilespmem:s10+$0x9E80];
	[tilespmem:s14+$0x6F80] =	vst v3;
	v3 =	vmul.f32 v36, v39;
	v36 =	vadd.f32 v60, v59;
	v59 =	vmul.f32 v15, v41  }
0x17f: {  	v54 =	vld [tilespmem:s10+$0x6F00];
	[tilespmem:s14+$0x9F80] =	vst v4;
	v4 =	vmul.f32 v38, v39;
	v37 =	vadd.f32 v6, v5;
	v5 =	vmul.f32 v16, v41  }
0x180: {  	v60 =	vmul.f32 v17, v41;
	v53 =	vld [tilespmem:s14+$0x9C00];
	v38 =	vadd.f32 v57, v3;
	v3 =	vmul.f32 v40, v39  }
0x181: {  	v32 =	vld [tilespmem:s10+$0x9F00];
	v39 =	vmul.f32 v42, v39;
	v41 =	vadd.f32 v5, v4;
	v4 =	vmul.f32 v43, v22  }
0x182: {  	v6 =	vld [tilespmem:s14+$0x6C00];
	v5 =	vmul.f32 v19, v47;
	v42 =	vadd.f32 v60, v3;
	v3 =	vmul.f32 v44, v22  }
0x183: {  	v49 =	vld [tilespmem:s14+$0x6C80];
	v60 =	vmul.f32 v20, v47;
	v43 =	vadd.f32 v46, v39;
	v39 =	vmul.f32 v48, v22  }
0x184: {  	v56 =	vld [tilespmem:s14+$0x9C80];
	v40 =	vadd.f32 v59, v58;
	v48 =	vmul.f32 v21, v47;
	v44 =	vmul.f32 v23, v47  }
0x185: {  	v55 =	vld [tilespmem:s10+$0x6F80];
	v45 =	vadd.f32 v5, v4;
	v5 =	vmul.f32 v51, v22;
	v4 =	vmul.f32 v53, v0  }
0x186: {  	v57 =	vld [tilespmem:s14+$0x6D00];
	v51 =	vmul.f32 v50, v22;
	v52 =	vmul.f32 v52, v22;
	v46 =	vadd.f32 v60, v3  }
0x187: {  	v58 =	vld [tilespmem:s14+$0x9D00];
	v3 =	vmul.f32 v6, v2;
	v6 =	vmul.f32 v53, v1;
	v48 =	vadd.f32 v48, v39  }
0x188: {  	v39 =	vld [tilespmem:s10+$0x9F80];
	v53 =	vmul.f32 v24, v47;
	v50 =	vadd.f32 v44, v5;
	v5 =	vmul.f32 v27, v47  }
0x189: {  	v59 =	vld [tilespmem:s14+$0x6D80];
	v3 =	vadd.f32 v6, v3;
	v6 =	vmul.f32 v49, v2;
	v49 =	vmul.f32 v56, v1  }
0x18a: {  	v60 =	vld [tilespmem:s14+$0x9D80];
	v53 =	vadd.f32 v53, v51;
	v51 =	vmul.f32 v56, v0;
	v56 =	vmul.f32 v54, v22  }
0x18b: {  	[tilespmem:s14+$0x9C00] =	vst v4;
	v4 =	vld [tilespmem:s14+$0x6E00];
	v22 =	vmul.f32 v55, v22;
	v54 =	vadd.f32 v5, v52;
	v5 =	vmul.f32 v32, v47  }
0x18c: {  	v44 =	vld [tilespmem:s14+$0x9E00];
	v52 =	vmul.f32 v57, v2;
	v57 =	vmul.f32 v58, v1;
	[tilespmem:s14+$0x6C00] =	vst v3  }
0x18d: {  	v3 =	vld [tilespmem:s14+$0x6E80];
	v6 =	vadd.f32 v49, v6;
	[tilespmem:s14+$0x9C80] =	vst v51;
	v51 =	vmul.f32 v58, v0;
	v49 =	vmul.f32 v39, v47  }
0x18e: {  	v55 =	vadd.f32 v5, v56;
	v47 =	vld [tilespmem:s14+$0x9E80];
	v5 =	vmul.f32 v59, v2;
	v57 =	vadd.f32 v57, v52  }
0x18f: {  	s11 =	simm.s32 $0x0;
	v52 =	vmul.f32 v60, v0;
	[tilespmem:s14+$0x6C80] =	vst v6;
	v6 =	vld [tilespmem:s14+$0x6F00];
	v56 =	vadd.f32 v49, v22;
	v49 =	vmul.f32 v60, v1  }
.LBB2_5:
0x190: {  	v58 =	vld [tilespmem:s14+$0x9F00];
	_ =	sdelay $0x3  }
0x191: {  	v60 =	vadd.f32 v49, v5;
	v4 =	vmul.f32 v4, v2;
	v5 =	vmul.f32 v44, v1  }
0x192: {  	v59 =	vld [tilespmem:s19+$0x800];
	v7 =	vmul.f32 v44, v0;
	v44 =	vmul.f32 v58, v0  }
0x193: {  	v5 =	vadd.f32 v5, v4;
	v4 =	vmul.f32 v47, v1;
	v47 =	vmul.f32 v47, v0;
	v0 =	vld [tilespmem:$0x1FF40];
	_ =	sdelay $0x4  }
0x194: {  	v9 =	vmul.f32 v0, v59;
	v0 =	vld [tilespmem:$0x1FF50];
	_ =	sdelay $0x2  }
0x195: {  	s11 =	sadd.s32 $0x4, s11;
	s21 =	sadd.s32 $0x40, s21;
	[tilespmem:s15+$0x6C00] =	vst v25  }
0x196: {  	[tilespmem:s15+$0x6C80] =	vst v26;
	v25 =	vld [tilespmem:s9+$0x800];
	s16 =	sshrl.u32 s11, $0x3;
	s22 =	sand.u32 $0x40, s21  }
0x197: {  	[tilespmem:s15+$0x6D00] =	vst v28;
	s19 =	sshll.u32 s16, $0x7;
	s16 =	sshll.u32 s16, $0xA;
	s23 =	sor.u32 $0x30, s22;
	v10 =	vmul.f32 v0, v59;
	v0 =	vld [tilespmem:$0x1FF60]  }
0x198: {  	v26 =	vld [tilespmem:s6+$0x800];
	[tilespmem:s14+$0x9D00] =	vst v51;
	s20 =	sor.u32 s16, s23;
	v3 =	vmul.f32 v3, v2  }
0x199: {  	[tilespmem:s15+$0x6D80] =	vst v29;
	v28 =	vld [tilespmem:s20+$0x6F80]  }
0x19a: {  	[tilespmem:s15+$0x6E00] =	vst v30;
	p1 =	slt.u32 s11, $0x30;
	s26 =	sadd.s32 $0xFFFFFD00, s19;
	s24 =	sor.u32 s22, s16;
	v6 =	vmul.f32 v6, v2;
	v29 =	vld [tilespmem:s20+$0x9F80];
	v30 =	vadd.f32 v4, v3;
	v3 =	vmul.f32 v58, v1  }
0x19b: {  	s26 =	smov.u32 @p1 s19;
	v22 =	vmul.f32 v62, v59;
	v62 =	vmul.f32 v13, v25;
	v13 =	vld [tilespmem:s24+$0x6D00]  }
0x19c: {  	[tilespmem:s15+$0x6E80] =	vst v31;
	s25 =	sor.u32 s23, s26;
	v31 =	vadd.f32 v3, v6;
	v6 =	vmul.f32 v0, v59;
	v0 =	vld [tilespmem:$0x1FF70]  }
0x19d: {  	[tilespmem:s15+$0x6F00] =	vst v33;
	s6 =	sor.u32 $0x10, s22;
	s28 =	sor.u32 $0x20, s22;
	s19 =	sor.u32 s22, s26;
	v2 =	vld [tilespmem:s25+$0x0]  }
0x19e: {  	s9 =	sor.u32 s6, s26;
	s22 =	sor.u32 s16, s6;
	s6 =	sor.u32 s28, s26;
	v33 =	vld [tilespmem:s19+$0x0]  }
0x19f: {  	[tilespmem:s18+$0x6C00] =	vst v35;
	v51 =	vld [tilespmem:s6+$0x0]  }
0x1a0: {  	[tilespmem:$0x1FF20] =	vst v52;
	v1 =	vld [tilespmem:s25+$0x400]  }
0x1a1: {  	[tilespmem:$0x1FF30] =	vst v7;
	v4 =	vmul.f32 v0, v59;
	v0 =	vld [tilespmem:$0x1FF80]  }
0x1a2: {  	[tilespmem:s15+$0x6F80] =	vst v34;
	v52 =	vld [tilespmem:s6+$0x400]  }
0x1a3: {  	v8 =	vmul.f32 v63, v59;
	[tilespmem:s10+$0x6C00] =	vst v45;
	v34 =	vld [tilespmem:s19+$0x400]  }
0x1a4: {  	v7 =	vmul.f32 v61, v59;
	v58 =	vld [tilespmem:s9+$0x0];
	[tilespmem:s18+$0x6C80] =	vst v36;
	v36 =	vmul.f32 v12, v25  }
0x1a5: {  	[tilespmem:s10+$0x6C80] =	vst v46;
	v12 =	vld [tilespmem:s24+$0x6C00];
	v3 =	vmul.f32 v11, v25;
	v11 =	vmul.f32 v29, v1  }
0x1a6: {  	[tilespmem:s10+$0x6D00] =	vst v48;
	v49 =	vmul.f32 v0, v59;
	v59 =	vld [tilespmem:s9+$0x400];
	v0 =	vmul.f32 v28, v2  }
0x1a7: {  	[tilespmem:s18+$0x6E00] =	vst v40;
	v40 =	vmul.f32 v18, v25;
	v18 =	vld [tilespmem:s24+$0x9C00]  }
0x1a8: {  	v61 =	vmul.f32 v17, v25;
	[tilespmem:s10+$0x6D80] =	vst v50;
	v17 =	vld [tilespmem:s24+$0x9C80];
	v11 =	vadd.f32 v11, v0  }
0x1a9: {  	v63 =	vmul.f32 v15, v25;
	[tilespmem:s10+$0x6E80] =	vst v54;
	v0 =	vld [tilespmem:s25+$0x800]  }
0x1aa: {  	v19 =	vmul.f32 v19, v26;
	v27 =	vmul.f32 v27, v26;
	[tilespmem:s20+$0x6F80] =	vst v11;
	v11 =	vld [tilespmem:s24+$0x6C80]  }
0x1ab: {  	v15 =	vld [tilespmem:s24+$0x6D80];
	v13 =	vmul.f32 v13, v33;
	v12 =	vmul.f32 v12, v33;
	[tilespmem:s18+$0x6D00] =	vst v37  }
0x1ac: {  	v46 =	vld [tilespmem:s24+$0x9D00];
	v37 =	vmul.f32 v14, v25;
	[tilespmem:s18+$0x6D80] =	vst v38;
	v14 =	vmul.f32 v18, v34  }
0x1ad: {  	v54 =	vld [tilespmem:s24+$0x9E00];
	v38 =	vmul.f32 v16, v25;
	[tilespmem:s18+$0x6E80] =	vst v41;
	v41 =	vmul.f32 v20, v26  }
0x1ae: {  	[tilespmem:s18+$0x6F00] =	vst v42;
	v20 =	vmul.f32 v21, v26;
	v42 =	vmul.f32 v23, v26;
	v25 =	vadd.f32 v14, v12;
	v14 =	vld [tilespmem:s24+$0x6E00]  }
0x1af: {  	[tilespmem:s10+$0x6E00] =	vst v53;
	v16 =	vld [tilespmem:s24+$0x9D80];
	v12 =	vmul.f32 v17, v34;
	v11 =	vmul.f32 v11, v33  }
0x1b0: {  	[tilespmem:s10+$0x6F80] =	vst v56;
	v56 =	vld [tilespmem:s24+$0x9E80];
	v21 =	vmul.f32 v24, v26;
	v23 =	vmul.f32 v32, v26  }
0x1b1: {  	v24 =	vmul.f32 v39, v26;
	[tilespmem:s14+$0x6D00] =	vst v57;
	v57 =	vld [tilespmem:s24+$0x9F80];
	v26 =	vadd.f32 v12, v11;
	v11 =	vmul.f32 v46, v34  }
0x1b2: {  	[tilespmem:s18+$0x6F80] =	vst v43;
	v12 =	vld [tilespmem:s24+$0x6E80]  }
0x1b3: {  	[tilespmem:s14+$0x6E00] =	vst v5;
	v5 =	vmul.f32 v54, v34;
	v14 =	vmul.f32 v14, v33;
	v28 =	vadd.f32 v11, v13;
	v13 =	vld [tilespmem:s24+$0x6F00]  }
0x1b4: {  	v15 =	vmul.f32 v15, v33;
	[tilespmem:$0x1FF40] =	vst v16;
	v11 =	vmul.f32 v16, v34;
	v16 =	vld [tilespmem:s24+$0x9F00]  }
0x1b5: {  	[tilespmem:s14+$0x6E80] =	vst v30;
	v30 =	vadd.f32 v5, v14;
	v14 =	vld [tilespmem:s22+$0x6C00]  }
0x1b6: {  	[tilespmem:s14+$0x6F00] =	vst v31;
	v32 =	vmul.f32 v29, v0;
	v29 =	vadd.f32 v11, v15;
	v15 =	vld [tilespmem:s24+$0x6F80]  }
0x1b7: {  	v5 =	vmul.f32 v56, v34;
	[tilespmem:s15+$0x9C00] =	vst v7;
	v11 =	vld [tilespmem:s22+$0x9C00];
	v12 =	vmul.f32 v12, v33  }
0x1b8: {  	[tilespmem:s15+$0x9E80] =	vst v6;
	v6 =	vld [tilespmem:s22+$0x6D80]  }
0x1b9: {  	v7 =	vmul.f32 v13, v33;
	v31 =	vadd.f32 v5, v12;
	[tilespmem:$0x1FF70] =	vst v16;
	v5 =	vmul.f32 v16, v34;
	v16 =	vld [tilespmem:s22+$0x6C80]  }
0x1ba: {  	[tilespmem:s10+$0x6F00] =	vst v55;
	v12 =	vld [tilespmem:s22+$0x9C80]  }
0x1bb: {  	[tilespmem:s15+$0x9D00] =	vst v8;
	v13 =	vld [tilespmem:s22+$0x9D00];
	v8 =	vmul.f32 v15, v33;
	v33 =	vadd.f32 v5, v7;
	v5 =	vmul.f32 v57, v34  }
0x1bc: {  	[tilespmem:s14+$0x6D80] =	vst v60;
	v7 =	vld [tilespmem:s22+$0x6D00]  }
0x1bd: {  	[tilespmem:s15+$0x9D80] =	vst v9;
	v9 =	vmul.f32 v14, v58;
	v34 =	vadd.f32 v5, v8;
	v5 =	vmul.f32 v11, v59;
	v8 =	vld [tilespmem:s22+$0x6E00]  }
0x1be: {  	[tilespmem:s15+$0x9F00] =	vst v4;
	v14 =	vld [tilespmem:s22+$0x9D80]  }
0x1bf: {  	v15 =	vld [tilespmem:s22+$0x9E00];
	[tilespmem:s18+$0x9C00] =	vst v3;
	v4 =	vmul.f32 v16, v58;
	v35 =	vadd.f32 v5, v9;
	v5 =	vmul.f32 v12, v59  }
0x1c0: {  	[tilespmem:s18+$0x9C80] =	vst v36;
	v16 =	vld [tilespmem:s22+$0x9E80]  }
0x1c1: {  	v3 =	vmul.f32 v7, v58;
	v36 =	vadd.f32 v5, v4;
	v4 =	vmul.f32 v13, v59;
	v5 =	vld [tilespmem:s22+$0x6E80];
	[tilespmem:s18+$0x9D00] =	vst v62  }
0x1c2: {  	[tilespmem:s18+$0x9D80] =	vst v37;
	v7 =	vmul.f32 v8, v58;
	v8 =	vld [tilespmem:$0x1FF20]  }
0x1c3: {  	v6 =	vmul.f32 v6, v58;
	v37 =	vadd.f32 v4, v3;
	v3 =	vmul.f32 v14, v59;
	v4 =	vld [tilespmem:s22+$0x6F00];
	[tilespmem:s18+$0x9E00] =	vst v63  }
0x1c4: {  	v62 =	vmov v17;
	v17 =	vld [tilespmem:s22+$0x9F00];
	[tilespmem:s18+$0x9E80] =	vst v38  }
0x1c5: {  	v38 =	vadd.f32 v3, v6;
	v3 =	vmul.f32 v15, v59;
	v6 =	vld [tilespmem:s22+$0x6F80];
	[tilespmem:s18+$0x9F00] =	vst v61  }
0x1c6: {  	s28 =	sor.u32 s16, s28;
	v61 =	vmov v18;
	v18 =	vld [tilespmem:s22+$0x9F80];
	[tilespmem:s18+$0x9F80] =	vst v40  }
0x1c7: {  	v40 =	vadd.f32 v3, v7;
	v7 =	vld [tilespmem:s28+$0x6C00];
	[tilespmem:s10+$0x9C00] =	vst v19  }
0x1c8: {  	v5 =	vmul.f32 v5, v58;
	v3 =	vmul.f32 v16, v59;
	[tilespmem:s14+$0x9D80] =	vst v8;
	v8 =	vld [tilespmem:$0x1FF30]  }
0x1c9: {  	[tilespmem:s10+$0x9C80] =	vst v41;
	v19 =	vld [tilespmem:s28+$0x9C00]  }
0x1ca: {  	v4 =	vmul.f32 v4, v58;
	v41 =	vadd.f32 v3, v5;
	v3 =	vmul.f32 v17, v59;
	v5 =	vld [tilespmem:s28+$0x6C80];
	[tilespmem:s10+$0x9D00] =	vst v20  }
0x1cb: {  	v20 =	vld [tilespmem:s28+$0x9C80];
	[tilespmem:s10+$0x9D80] =	vst v42  }
0x1cc: {  	v6 =	vmul.f32 v6, v58;
	v42 =	vadd.f32 v3, v4;
	v3 =	vmul.f32 v18, v59;
	v4 =	vld [tilespmem:s28+$0x6D00];
	[tilespmem:s10+$0x9E00] =	vst v21  }
0x1cd: {  	v21 =	vld [tilespmem:s28+$0x9D00];
	[tilespmem:s10+$0x9E80] =	vst v27  }
0x1ce: {  	v7 =	vmul.f32 v7, v51;
	v43 =	vadd.f32 v3, v6;
	v3 =	vmul.f32 v19, v52;
	v6 =	vld [tilespmem:s28+$0x6D80];
	[tilespmem:s10+$0x9F00] =	vst v23  }
0x1cf: {  	v23 =	vld [tilespmem:s28+$0x9D80];
	[tilespmem:s10+$0x9F80] =	vst v24;
	s10 =	smov.u32 s28  }
0x1d0: {  	[tilespmem:s14+$0x9E80] =	vst v47;
	v5 =	vmul.f32 v5, v51;
	v24 =	vld [tilespmem:s10+$0x9E00];
	v45 =	vadd.f32 v3, v7;
	v3 =	vmul.f32 v20, v52  }
0x1d1: {  	[tilespmem:s14+$0x9F00] =	vst v44;
	v7 =	vld [tilespmem:s10+$0x6E00]  }
0x1d2: {  	v63 =	vmovc v46;
	v27 =	vld [tilespmem:s10+$0x9E80];
	v4 =	vmul.f32 v4, v51;
	v46 =	vadd.f32 v3, v5;
	v3 =	vmul.f32 v21, v52  }
0x1d3: {  	[tilespmem:s14+$0x9E00] =	vst v8;
	s14 =	smov.u32 s20;
	v5 =	vld [tilespmem:s10+$0x6E80]  }
0x1d4: {  	[tilespmem:s14+$0x9F80] =	vst v32;
	v32 =	vld [tilespmem:s10+$0x9F00];
	v6 =	vmul.f32 v6, v51;
	v48 =	vadd.f32 v3, v4;
	v3 =	vmul.f32 v23, v52  }
0x1d5: {  	v4 =	vld [tilespmem:s10+$0x6F00]  }
0x1d6: {  	v39 =	vld [tilespmem:s10+$0x9F80];
	v7 =	vmul.f32 v7, v51;
	v50 =	vadd.f32 v3, v6;
	v3 =	vmul.f32 v24, v52  }
0x1d7: {  	v6 =	vld [tilespmem:s10+$0x6F80]  }
0x1d8: {  	v5 =	vmul.f32 v5, v51;
	v53 =	vadd.f32 v3, v7;
	v3 =	vmul.f32 v27, v52;
	v7 =	vld [tilespmem:s14+$0x6C00]  }
0x1d9: {  	v8 =	vld [tilespmem:s14+$0x9C00]  }
0x1da: {  	[tilespmem:$0x1FF50] =	vst v54;
	v9 =	vld [tilespmem:s14+$0x9C80];
	v4 =	vmul.f32 v4, v51;
	v54 =	vadd.f32 v3, v5;
	v3 =	vmul.f32 v32, v52  }
0x1db: {  	v5 =	vld [tilespmem:s14+$0x6C80]  }
0x1dc: {  	[tilespmem:s15+$0x9E00] =	vst v10;
	v10 =	vld [tilespmem:s14+$0x6D00];
	v6 =	vmul.f32 v6, v51;
	v55 =	vadd.f32 v3, v4;
	v3 =	vmul.f32 v39, v52  }
0x1dd: {  	[tilespmem:$0x1FF60] =	vst v56;
	v4 =	vmul.f32 v7, v2;
	v7 =	vld [tilespmem:s14+$0x9D00]  }
0x1de: {  	[tilespmem:s15+$0x9C80] =	vst v22;
	v22 =	vld [tilespmem:s14+$0x9D80];
	v56 =	vadd.f32 v3, v6;
	v3 =	vmul.f32 v8, v1;
	v6 =	vmul.f32 v8, v0  }
0x1df: {  	p0 =	slt.u32 s11, $0x5C;
	[tilespmem:$0x1FF80] =	vst v57;
	v8 =	vld [tilespmem:s14+$0x6D80]  }
.Ltmp3:
0x1e0: {  	v44 =	vld [tilespmem:s14+$0x9E00];
	v5 =	vmul.f32 v5, v2;
	v3 =	vadd.f32 v3, v4;
	[tilespmem:s14+$0x9C00] =	vst v6;
	v6 =	vmul.f32 v9, v1;
	(pc) =	sbr.rel @p0 .LBB2_5-.Ltmp3, $4  }
0x1e1: {  	[tilespmem:s15+$0x9F80] =	vst v49;
	v47 =	vld [tilespmem:s14+$0x9E80];
	v9 =	vmul.f32 v9, v0  }
0x1e2: {  	v10 =	vmul.f32 v10, v2;
	v4 =	vld [tilespmem:s14+$0x6E00];
	[tilespmem:s14+$0x6C00] =	vst v3;
	v6 =	vadd.f32 v6, v5;
	v60 =	vmul.f32 v7, v1  }
0x1e3: {  	v49 =	vmul.f32 v22, v1;
	v52 =	vmul.f32 v22, v0;
	v3 =	vld [tilespmem:s14+$0x6E80];
	[tilespmem:s14+$0x9C80] =	vst v9  }
0x1e4: {  	s15 =	smov.u32 s24;
	s18 =	smov.u32 s22;
	v51 =	vmul.f32 v7, v0;
	v5 =	vmul.f32 v8, v2;
	[tilespmem:s14+$0x6C80] =	vst v6;
	v57 =	vadd.f32 v60, v10;
	v6 =	vld [tilespmem:s14+$0x6F00]  }
0x1e5: {  	v7 =	vld [tilespmem:s19+$0x800];
	[tilespmem:s15+$0x6C00] =	vst v25  }
0x1e6: {  	[tilespmem:s15+$0x6C80] =	vst v26  }
0x1e7: {  	[tilespmem:s15+$0x6D00] =	vst v28  }
0x1e8: {  	[tilespmem:s15+$0x6D80] =	vst v29  }
0x1e9: {  	[tilespmem:s15+$0x6E00] =	vst v30  }
0x1ea: {  	[tilespmem:s15+$0x6E80] =	vst v31  }
0x1eb: {  	[tilespmem:s15+$0x6F00] =	vst v33  }
0x1ec: {  	[tilespmem:s15+$0x6F80] =	vst v34  }
0x1ed: {  	v8 =	vld [tilespmem:s9+$0x800];
	[tilespmem:s18+$0x6C00] =	vst v35  }
0x1ee: {  	[tilespmem:s18+$0x6C80] =	vst v36  }
0x1ef: {  	[tilespmem:s18+$0x6D00] =	vst v37  }
0x1f0: {  	[tilespmem:s18+$0x6D80] =	vst v38  }
0x1f1: {  	[tilespmem:s18+$0x6E00] =	vst v40  }
0x1f2: {  	[tilespmem:s18+$0x6E80] =	vst v41  }
0x1f3: {  	[tilespmem:s18+$0x6F00] =	vst v42  }
0x1f4: {  	[tilespmem:s18+$0x6F80] =	vst v43  }
0x1f5: {  	v9 =	vld [tilespmem:s6+$0x800];
	[tilespmem:s10+$0x6C00] =	vst v45  }
0x1f6: {  	[tilespmem:s10+$0x6C80] =	vst v46  }
0x1f7: {  	[tilespmem:s10+$0x6D00] =	vst v48  }
0x1f8: {  	[tilespmem:s10+$0x6D80] =	vst v50  }
0x1f9: {  	v10 =	vld [tilespmem:s14+$0x9F00];
	[tilespmem:s10+$0x6E00] =	vst v53  }
0x1fa: {  	[tilespmem:s10+$0x6E80] =	vst v54  }
0x1fb: {  	[tilespmem:s10+$0x6F00] =	vst v55  }
0x1fc: {  	v22 =	vmul.f32 v44, v1;
	[tilespmem:s10+$0x6F80] =	vst v56;
	v4 =	vmul.f32 v4, v2  }
0x1fd: {  	[tilespmem:s14+$0x9D00] =	vst v51;
	v5 =	vadd.f32 v49, v5;
	v25 =	vmul.f32 v47, v1;
	v3 =	vmul.f32 v3, v2  }
0x1fe: {  	[tilespmem:s14+$0x6D00] =	vst v57;
	v4 =	vadd.f32 v22, v4;
	v2 =	vmul.f32 v6, v2;
	v1 =	vmul.f32 v10, v1  }
0x1ff: {  	[tilespmem:s14+$0x6D80] =	vst v5;
	v3 =	vadd.f32 v25, v3  }
0x200: {  	[tilespmem:s14+$0x6E00] =	vst v4;
	v1 =	vadd.f32 v1, v2  }
0x201: {  	v2 =	vmul.f32 v61, v7;
	[tilespmem:s14+$0x6E80] =	vst v3  }
0x202: {  	[tilespmem:s14+$0x6F00] =	vst v1  }
0x203: {  	v3 =	vmul.f32 v62, v7;
	[tilespmem:s15+$0x9C00] =	vst v2  }
0x204: {  	v1 =	vmul.f32 v63, v7;
	v2 =	vld [tilespmem:$0x1FF40]  }
0x205: {  	[tilespmem:s15+$0x9C80] =	vst v3  }
0x206: {  	v3 =	vld [tilespmem:$0x1FF50];
	[tilespmem:s15+$0x9D00] =	vst v1  }
0x207: {  	v1 =	vld [tilespmem:$0x1FF60];
	_ =	sdelay $0x1  }
0x208: {  	v2 =	vmul.f32 v2, v7;
	_ =	sdelay $0x1  }
0x209: {  	v3 =	vmul.f32 v3, v7;
	[tilespmem:s15+$0x9D80] =	vst v2  }
0x20a: {  	v1 =	vmul.f32 v1, v7;
	v2 =	vld [tilespmem:$0x1FF70]  }
0x20b: {  	[tilespmem:s15+$0x9E00] =	vst v3  }
0x20c: {  	v3 =	vld [tilespmem:$0x1FF80];
	[tilespmem:s15+$0x9E80] =	vst v1;
	v1 =	vmul.f32 v11, v8;
	_ =	sdelay $0x1  }
0x20d: {  	[tilespmem:s18+$0x9C00] =	vst v1;
	v1 =	vmul.f32 v14, v8  }
0x20e: {  	[tilespmem:s14+$0x9D80] =	vst v52;
	v2 =	vmul.f32 v2, v7  }
0x20f: {  	[tilespmem:s18+$0x9D80] =	vst v1;
	v1 =	vmul.f32 v17, v8  }
0x210: {  	v3 =	vmul.f32 v3, v7;
	[tilespmem:s15+$0x9F00] =	vst v2  }
0x211: {  	v2 =	vmul.f32 v12, v8;
	[tilespmem:s18+$0x9F00] =	vst v1  }
0x212: {  	v1 =	vmul.f32 v20, v9;
	[tilespmem:s15+$0x9F80] =	vst v3  }
0x213: {  	v3 =	vmul.f32 v13, v8;
	[tilespmem:s18+$0x9C80] =	vst v2  }
0x214: {  	v2 =	vmul.f32 v15, v8;
	[tilespmem:s10+$0x9C80] =	vst v1  }
0x215: {  	v1 =	vmul.f32 v24, v9;
	[tilespmem:s18+$0x9D00] =	vst v3  }
0x216: {  	v3 =	vmul.f32 v16, v8;
	[tilespmem:s18+$0x9E00] =	vst v2  }
0x217: {  	v2 =	vmul.f32 v18, v8;
	[tilespmem:s10+$0x9E00] =	vst v1  }
0x218: {  	v1 =	vmul.f32 v39, v9;
	[tilespmem:s18+$0x9E80] =	vst v3  }
0x219: {  	v3 =	vmul.f32 v19, v9;
	[tilespmem:s18+$0x9F80] =	vst v2  }
0x21a: {  	v2 =	vmul.f32 v21, v9;
	[tilespmem:s10+$0x9F80] =	vst v1  }
0x21b: {  	v1 =	vmul.f32 v47, v0;
	[tilespmem:s10+$0x9C00] =	vst v3  }
0x21c: {  	v3 =	vmul.f32 v23, v9;
	[tilespmem:s10+$0x9D00] =	vst v2  }
0x21d: {  	v2 =	vmul.f32 v27, v9;
	[tilespmem:s14+$0x9E80] =	vst v1  }
0x21e: {  	s20 =	sor.u32 $0xC, s13;
	[tilespmem:s10+$0x9D80] =	vst v3;
	v3 =	vmul.f32 v32, v9  }
0x21f: {  	s21 =	sadd.s32 s5, s20;
	[tilespmem:s10+$0x9E80] =	vst v2;
	v2 =	vmul.f32 v44, v0  }
0x220: {  	s6 =	sadd.s32 s7, s20;
	s9 =	sshll.u32 s21, $0x7;
	v0 =	vmul.f32 v10, v0;
	[tilespmem:s10+$0x9F00] =	vst v3  }
0x221: {  	s6 =	sshll.u32 s6, $0x7;
	s9 =	sand.u32 $0x1FFFFE00, s9;
	[tilespmem:s14+$0x9E00] =	vst v2  }
0x222: {  	s22 =	simm.s32 $0x6C00;
	s6 =	sand.u32 $0x1FFFFE00, s6;
	s9 =	sadd.s32 s3, s9;
	[tilespmem:s14+$0x9F00] =	vst v0  }
0x223: {  	[hbm4b:s9+s4] =	stream.linear.scatter [tilespmem:s22], [sflag:$0x6], $0x3000, $0x38;
	[tilespmem:$0x18C00] =	vst v63  }
0x224: {  	s23 =	simm.s32 $0x9C00;
	p0 =	seq.s32 s12, $0x3;
	s6 =	sadd.s32 s3, s6  }
0x225: {  	[hbm4b:s6+s4] =	stream.linear.scatter [tilespmem:s23], [sflag:$0x6], $0x3000, $0x38;
	[tilespmem:$0x18C00] =	vst v63  }
0x226: {  	s6 =	simm.s32 @!p0 $0x5  }
0x227: {  	_ =	swait.ge @!p0 [sflag:s6], $0x3000  }
0x228: {  	[sflag:s6] =	ssyncset.done @!p0 $0x0  }
0x229: {  	s9 =	sadd.s32 @!p0 $0x30, s13;
	[sflag:s6] =	ssyncadd.s32 @!p0 $0xFFFFD000  }
0x22a: {  	s10 =	sadd.s32 @!p0 s5, s9;
	_ =	swait.ge @!p0 [sflag:s6], $0x3000  }
0x22b: {  	s10 =	sshll.u32 @!p0 s10, $0x7;
	[sflag:s6] =	ssyncset.done @!p0 $0x0  }
0x22c: {  	[sflag:s6] =	ssyncadd.s32 @!p0 $0xFFFFD000;
	s6 =	sand.u32 @!p0 $0x1FFFF800, s10  }
0x22d: {  	s11 =	simm.s32 @!p0 $0xC00;
	s10 =	simm.s32 @!p0 $0x0;
	s6 =	sadd.s32 @!p0 s2, s6  }
0x22e: {  	[tilespmem:s11], [sflag:$0x1] =	stream.linear.gather @!p0 [hbm4b:s6+s10], $0x3000, $0x38;
	[tilespmem:$0x18C00] =	vst v63  }
0x22f: {  	s6 =	sadd.s32 @!p0 s7, s9  }
0x230: {  	s6 =	sshll.u32 @!p0 s6, $0x7  }
0x231: {  	s6 =	sand.u32 @!p0 $0x1FFFF800, s6  }
0x232: {  	s9 =	simm.s32 @!p0 $0x3C00;
	s6 =	sadd.s32 @!p0 s2, s6  }
0x233: {  	[tilespmem:s9], [sflag:$0x1] =	stream.linear.gather @!p0 [hbm4b:s6+s10], $0x3000, $0x38;
	[tilespmem:$0x18C00] =	vst v63  }
0x234: {  	_ =	swait.ge [sflag:s0], $0x3000  }
0x235: {  	[sflag:s0] =	ssyncset.done $0x0  }
0x236: {  	s25 =	simm.s32 $0x0;
	s21 =	simm.s32 $0x0;
	[sflag:s0] =	ssyncadd.s32 $0xFFFFD000  }
0x237: {  	p1 =	por $0x1, $0x1;
	s24 =	sand.u32 $0x40, s21;
	_ =	swait.ge [sflag:s0], $0x3000  }
0x238: {  	s26 =	sor.u32 $0x30, s24;
	s15 =	simm.s32 $0xFFFFFD00;
	[sflag:s0] =	ssyncset.done $0x0  }
0x239: {  	s14 =	sor.u32 s25, s26;
	s6 =	simm.s32 $0x0;
	[sflag:s0] =	ssyncadd.s32 $0xFFFFD000  }
0x23a: {  	s15 =	smov.u32 @p1 s6;
	v3 =	vld [tilespmem:s14+$0xCF80]  }
0x23b: {  	s16 =	sor.u32 s26, s15;
	v4 =	vld [tilespmem:s14+$0xFF80]  }
0x23c: {  	v2 =	vld [tilespmem:s16+$0x0]  }
0x23d: {  	s19 =	sor.u32 s24, s15;
	v1 =	vld [tilespmem:s16+$0x400]  }
0x23e: {  	s28 =	sor.u32 $0x10, s24;
	v5 =	vld [tilespmem:s19+$0x0]  }
0x23f: {  	s9 =	sor.u32 s28, s15;
	v6 =	vld [tilespmem:s19+$0x400]  }
0x240: {  	s20 =	sor.u32 $0x20, s24;
	v39 =	vld [tilespmem:s9+$0x0]  }
0x241: {  	s6 =	sor.u32 s20, s15;
	v41 =	vld [tilespmem:s9+$0x400]  }
0x242: {  	v22 =	vld [tilespmem:s6+$0x0]  }
0x243: {  	s15 =	sor.u32 s24, s25;
	v47 =	vld [tilespmem:s6+$0x400]  }
0x244: {  	v19 =	vld [tilespmem:s15+$0xCC00]  }
0x245: {  	v61 =	vld [tilespmem:s15+$0xFC00]  }
0x246: {  	v0 =	vld [tilespmem:s16+$0x800]  }
0x247: {  	v20 =	vld [tilespmem:s15+$0xCC80]  }
0x248: {  	v62 =	vld [tilespmem:s15+$0xFC80]  }
0x249: {  	v21 =	vld [tilespmem:s15+$0xCD00]  }
0x24a: {  	v63 =	vld [tilespmem:s15+$0xFD00]  }
0x24b: {  	v23 =	vld [tilespmem:s15+$0xCD80]  }
0x24c: {  	v7 =	vld [tilespmem:s15+$0xFD80]  }
0x24d: {  	v24 =	vld [tilespmem:s15+$0xCE00]  }
0x24e: {  	v8 =	vld [tilespmem:s15+$0xFE00]  }
0x24f: {  	v27 =	vld [tilespmem:s15+$0xCE80]  }
0x250: {  	v9 =	vld [tilespmem:s15+$0xFE80]  }
0x251: {  	v30 =	vld [tilespmem:s15+$0xCF00]  }
0x252: {  	v10 =	vld [tilespmem:s15+$0xFF00]  }
0x253: {  	v31 =	vld [tilespmem:s15+$0xCF80]  }
0x254: {  	s18 =	sor.u32 s25, s28;
	v52 =	vld [tilespmem:s15+$0xFF80]  }
0x255: {  	v32 =	vld [tilespmem:s18+$0xCC00]  }
0x256: {  	v11 =	vld [tilespmem:s18+$0xFC00]  }
0x257: {  	v34 =	vld [tilespmem:s18+$0xCC80]  }
0x258: {  	v12 =	vld [tilespmem:s18+$0xFC80]  }
0x259: {  	v35 =	vld [tilespmem:s18+$0xCD00]  }
0x25a: {  	v13 =	vld [tilespmem:s18+$0xFD00]  }
0x25b: {  	v36 =	vld [tilespmem:s18+$0xCD80]  }
0x25c: {  	v14 =	vld [tilespmem:s18+$0xFD80]  }
0x25d: {  	v37 =	vld [tilespmem:s18+$0xCE00]  }
0x25e: {  	v15 =	vld [tilespmem:s18+$0xFE00]  }
0x25f: {  	v38 =	vld [tilespmem:s18+$0xCE80]  }
0x260: {  	v16 =	vld [tilespmem:s18+$0xFE80]  }
0x261: {  	v40 =	vld [tilespmem:s18+$0xCF00];
	v3 =	vmul.f32 v3, v2;
	v25 =	vmul.f32 v4, v1  }
0x262: {  	v17 =	vld [tilespmem:s18+$0xFF00];
	v26 =	vmul.f32 v19, v5;
	v28 =	vmul.f32 v61, v6  }
0x263: {  	v42 =	vld [tilespmem:s18+$0xCF80];
	v4 =	vmul.f32 v4, v0;
	v29 =	vmul.f32 v20, v5  }
0x264: {  	s10 =	sor.u32 s25, s20;
	v18 =	vld [tilespmem:s18+$0xFF80];
	v56 =	vmul.f32 v62, v6;
	v57 =	vmul.f32 v21, v5  }
0x265: {  	v43 =	vld [tilespmem:s10+$0xCC00];
	v58 =	vmul.f32 v63, v6;
	v59 =	vmul.f32 v23, v5  }
0x266: {  	v44 =	vld [tilespmem:s10+$0xCC80];
	v60 =	vmul.f32 v7, v6;
	v24 =	vmul.f32 v24, v5  }
0x267: {  	v48 =	vld [tilespmem:s10+$0xCD00];
	v54 =	vmul.f32 v8, v6;
	v27 =	vmul.f32 v27, v5  }
0x268: {  	v19 =	vld [tilespmem:s10+$0xFC00];
	v55 =	vmul.f32 v9, v6;
	v32 =	vmul.f32 v32, v39;
	v3 =	vadd.f32 v25, v3  }
0x269: {  	v20 =	vld [tilespmem:s10+$0xFC80];
	[tilespmem:$0x1FED0] =	vst v7;
	v46 =	vmul.f32 v18, v41;
	v25 =	vadd.f32 v28, v26;
	v26 =	vadd.f32 v56, v29  }
0x26a: {  	v21 =	vld [tilespmem:s10+$0xFD00];
	[tilespmem:$0x1FEE0] =	vst v8;
	v28 =	vadd.f32 v58, v57;
	v29 =	vadd.f32 v60, v59;
	v56 =	vmul.f32 v30, v5  }
0x26b: {  	v51 =	vld [tilespmem:s10+$0xCD80];
	[tilespmem:$0x1FEF0] =	vst v9;
	v57 =	vmul.f32 v10, v6;
	v30 =	vadd.f32 v54, v24;
	v5 =	vmul.f32 v31, v5  }
0x26c: {  	v6 =	vmul.f32 v52, v6;
	v31 =	vadd.f32 v55, v27;
	v58 =	vmul.f32 v11, v41;
	v23 =	vld [tilespmem:s10+$0xFD80];
	[tilespmem:$0x1FF00] =	vst v10  }
0x26d: {  	v59 =	vmul.f32 v34, v39;
	v60 =	vmul.f32 v12, v41;
	v50 =	vld [tilespmem:s10+$0xCE00];
	[tilespmem:$0x1FF10] =	vst v52;
	v33 =	vadd.f32 v57, v56  }
0x26e: {  	v34 =	vadd.f32 v6, v5;
	v5 =	vmul.f32 v35, v39;
	v6 =	vmul.f32 v13, v41;
	v24 =	vld [tilespmem:s10+$0xFE00]  }
0x26f: {  	v35 =	vadd.f32 v58, v32;
	v57 =	vmul.f32 v14, v41;
	v58 =	vmul.f32 v37, v39;
	v52 =	vld [tilespmem:s10+$0xCE80]  }
0x270: {  	v27 =	vld [tilespmem:s10+$0xFE80];
	[tilespmem:s14+$0xCF80] =	vst v3;
	v3 =	vmul.f32 v36, v39;
	v36 =	vadd.f32 v60, v59;
	v59 =	vmul.f32 v15, v41  }
0x271: {  	v54 =	vld [tilespmem:s10+$0xCF00];
	[tilespmem:s14+$0xFF80] =	vst v4;
	v4 =	vmul.f32 v38, v39;
	v37 =	vadd.f32 v6, v5;
	v5 =	vmul.f32 v16, v41  }
0x272: {  	v60 =	vmul.f32 v17, v41;
	v53 =	vld [tilespmem:s14+$0xFC00];
	v38 =	vadd.f32 v57, v3;
	v3 =	vmul.f32 v40, v39  }
0x273: {  	v32 =	vld [tilespmem:s10+$0xFF00];
	v39 =	vmul.f32 v42, v39;
	v41 =	vadd.f32 v5, v4;
	v4 =	vmul.f32 v43, v22  }
0x274: {  	v6 =	vld [tilespmem:s14+$0xCC00];
	v5 =	vmul.f32 v19, v47;
	v42 =	vadd.f32 v60, v3;
	v3 =	vmul.f32 v44, v22  }
0x275: {  	v49 =	vld [tilespmem:s14+$0xCC80];
	v60 =	vmul.f32 v20, v47;
	v43 =	vadd.f32 v46, v39;
	v39 =	vmul.f32 v48, v22  }
0x276: {  	v56 =	vld [tilespmem:s14+$0xFC80];
	v40 =	vadd.f32 v59, v58;
	v48 =	vmul.f32 v21, v47;
	v44 =	vmul.f32 v23, v47  }
0x277: {  	v55 =	vld [tilespmem:s10+$0xCF80];
	v45 =	vadd.f32 v5, v4;
	v5 =	vmul.f32 v51, v22;
	v4 =	vmul.f32 v53, v0  }
0x278: {  	v57 =	vld [tilespmem:s14+$0xCD00];
	v51 =	vmul.f32 v50, v22;
	v52 =	vmul.f32 v52, v22;
	v46 =	vadd.f32 v60, v3  }
0x279: {  	v58 =	vld [tilespmem:s14+$0xFD00];
	v3 =	vmul.f32 v6, v2;
	v6 =	vmul.f32 v53, v1;
	v48 =	vadd.f32 v48, v39  }
0x27a: {  	v39 =	vld [tilespmem:s10+$0xFF80];
	v53 =	vmul.f32 v24, v47;
	v50 =	vadd.f32 v44, v5;
	v5 =	vmul.f32 v27, v47  }
0x27b: {  	v59 =	vld [tilespmem:s14+$0xCD80];
	v3 =	vadd.f32 v6, v3;
	v6 =	vmul.f32 v49, v2;
	v49 =	vmul.f32 v56, v1  }
0x27c: {  	v60 =	vld [tilespmem:s14+$0xFD80];
	v53 =	vadd.f32 v53, v51;
	v51 =	vmul.f32 v56, v0;
	v56 =	vmul.f32 v54, v22  }
0x27d: {  	[tilespmem:s14+$0xFC00] =	vst v4;
	v4 =	vld [tilespmem:s14+$0xCE00];
	v22 =	vmul.f32 v55, v22;
	v54 =	vadd.f32 v5, v52;
	v5 =	vmul.f32 v32, v47  }
0x27e: {  	v44 =	vld [tilespmem:s14+$0xFE00];
	v52 =	vmul.f32 v57, v2;
	v57 =	vmul.f32 v58, v1;
	[tilespmem:s14+$0xCC00] =	vst v3  }
0x27f: {  	v3 =	vld [tilespmem:s14+$0xCE80];
	v6 =	vadd.f32 v49, v6;
	[tilespmem:s14+$0xFC80] =	vst v51;
	v51 =	vmul.f32 v58, v0;
	v49 =	vmul.f32 v39, v47  }
0x280: {  	v55 =	vadd.f32 v5, v56;
	v47 =	vld [tilespmem:s14+$0xFE80];
	v5 =	vmul.f32 v59, v2;
	v57 =	vadd.f32 v57, v52  }
0x281: {  	s11 =	simm.s32 $0x0;
	v52 =	vmul.f32 v60, v0;
	[tilespmem:s14+$0xCC80] =	vst v6;
	v6 =	vld [tilespmem:s14+$0xCF00];
	v56 =	vadd.f32 v49, v22;
	v49 =	vmul.f32 v60, v1  }
.LBB2_7:
0x282: {  	v58 =	vld [tilespmem:s14+$0xFF00];
	_ =	sdelay $0x3  }
0x283: {  	v60 =	vadd.f32 v49, v5;
	v4 =	vmul.f32 v4, v2;
	v5 =	vmul.f32 v44, v1  }
0x284: {  	v59 =	vld [tilespmem:s19+$0x800];
	v7 =	vmul.f32 v44, v0;
	v44 =	vmul.f32 v58, v0  }
0x285: {  	v5 =	vadd.f32 v5, v4;
	v4 =	vmul.f32 v47, v1;
	v47 =	vmul.f32 v47, v0;
	v0 =	vld [tilespmem:$0x1FED0];
	_ =	sdelay $0x4  }
0x286: {  	v9 =	vmul.f32 v0, v59;
	v0 =	vld [tilespmem:$0x1FEE0];
	_ =	sdelay $0x2  }
0x287: {  	s11 =	sadd.s32 $0x4, s11;
	s21 =	sadd.s32 $0x40, s21;
	[tilespmem:s15+$0xCC00] =	vst v25  }
0x288: {  	[tilespmem:s15+$0xCC80] =	vst v26;
	v25 =	vld [tilespmem:s9+$0x800];
	s16 =	sshrl.u32 s11, $0x3;
	s22 =	sand.u32 $0x40, s21  }
0x289: {  	[tilespmem:s15+$0xCD00] =	vst v28;
	s19 =	sshll.u32 s16, $0x7;
	s16 =	sshll.u32 s16, $0xA;
	s23 =	sor.u32 $0x30, s22;
	v10 =	vmul.f32 v0, v59;
	v0 =	vld [tilespmem:$0x1FEF0]  }
0x28a: {  	v26 =	vld [tilespmem:s6+$0x800];
	[tilespmem:s14+$0xFD00] =	vst v51;
	s20 =	sor.u32 s16, s23;
	v3 =	vmul.f32 v3, v2  }
0x28b: {  	[tilespmem:s15+$0xCD80] =	vst v29;
	v28 =	vld [tilespmem:s20+$0xCF80]  }
0x28c: {  	[tilespmem:s15+$0xCE00] =	vst v30;
	p2 =	slt.u32 s11, $0x30;
	s26 =	sadd.s32 $0xFFFFFD00, s19;
	s24 =	sor.u32 s22, s16;
	v6 =	vmul.f32 v6, v2;
	v29 =	vld [tilespmem:s20+$0xFF80];
	v30 =	vadd.f32 v4, v3;
	v3 =	vmul.f32 v58, v1  }
0x28d: {  	s26 =	smov.u32 @p2 s19;
	v22 =	vmul.f32 v62, v59;
	v62 =	vmul.f32 v13, v25;
	v13 =	vld [tilespmem:s24+$0xCD00]  }
0x28e: {  	[tilespmem:s15+$0xCE80] =	vst v31;
	s25 =	sor.u32 s23, s26;
	v31 =	vadd.f32 v3, v6;
	v6 =	vmul.f32 v0, v59;
	v0 =	vld [tilespmem:$0x1FF00]  }
0x28f: {  	[tilespmem:s15+$0xCF00] =	vst v33;
	s6 =	sor.u32 $0x10, s22;
	s28 =	sor.u32 $0x20, s22;
	s19 =	sor.u32 s22, s26;
	v2 =	vld [tilespmem:s25+$0x0]  }
0x290: {  	s9 =	sor.u32 s6, s26;
	s22 =	sor.u32 s16, s6;
	s6 =	sor.u32 s28, s26;
	v33 =	vld [tilespmem:s19+$0x0]  }
0x291: {  	[tilespmem:s18+$0xCC00] =	vst v35;
	v51 =	vld [tilespmem:s6+$0x0]  }
0x292: {  	[tilespmem:$0x1FEB0] =	vst v52;
	v1 =	vld [tilespmem:s25+$0x400]  }
0x293: {  	[tilespmem:$0x1FEC0] =	vst v7;
	v4 =	vmul.f32 v0, v59;
	v0 =	vld [tilespmem:$0x1FF10]  }
0x294: {  	[tilespmem:s15+$0xCF80] =	vst v34;
	v52 =	vld [tilespmem:s6+$0x400]  }
0x295: {  	v8 =	vmul.f32 v63, v59;
	[tilespmem:s10+$0xCC00] =	vst v45;
	v34 =	vld [tilespmem:s19+$0x400]  }
0x296: {  	v7 =	vmul.f32 v61, v59;
	v58 =	vld [tilespmem:s9+$0x0];
	[tilespmem:s18+$0xCC80] =	vst v36;
	v36 =	vmul.f32 v12, v25  }
0x297: {  	[tilespmem:s10+$0xCC80] =	vst v46;
	v12 =	vld [tilespmem:s24+$0xCC00];
	v3 =	vmul.f32 v11, v25;
	v11 =	vmul.f32 v29, v1  }
0x298: {  	[tilespmem:s10+$0xCD00] =	vst v48;
	v49 =	vmul.f32 v0, v59;
	v59 =	vld [tilespmem:s9+$0x400];
	v0 =	vmul.f32 v28, v2  }
0x299: {  	[tilespmem:s18+$0xCE00] =	vst v40;
	v40 =	vmul.f32 v18, v25;
	v18 =	vld [tilespmem:s24+$0xFC00]  }
0x29a: {  	v61 =	vmul.f32 v17, v25;
	[tilespmem:s10+$0xCD80] =	vst v50;
	v17 =	vld [tilespmem:s24+$0xFC80];
	v11 =	vadd.f32 v11, v0  }
0x29b: {  	v63 =	vmul.f32 v15, v25;
	[tilespmem:s10+$0xCE80] =	vst v54;
	v0 =	vld [tilespmem:s25+$0x800]  }
0x29c: {  	v19 =	vmul.f32 v19, v26;
	v27 =	vmul.f32 v27, v26;
	[tilespmem:s20+$0xCF80] =	vst v11;
	v11 =	vld [tilespmem:s24+$0xCC80]  }
0x29d: {  	v15 =	vld [tilespmem:s24+$0xCD80];
	v13 =	vmul.f32 v13, v33;
	v12 =	vmul.f32 v12, v33;
	[tilespmem:s18+$0xCD00] =	vst v37  }
0x29e: {  	v46 =	vld [tilespmem:s24+$0xFD00];
	v37 =	vmul.f32 v14, v25;
	[tilespmem:s18+$0xCD80] =	vst v38;
	v14 =	vmul.f32 v18, v34  }
0x29f: {  	v54 =	vld [tilespmem:s24+$0xFE00];
	v38 =	vmul.f32 v16, v25;
	[tilespmem:s18+$0xCE80] =	vst v41;
	v41 =	vmul.f32 v20, v26  }
0x2a0: {  	[tilespmem:s18+$0xCF00] =	vst v42;
	v20 =	vmul.f32 v21, v26;
	v42 =	vmul.f32 v23, v26;
	v25 =	vadd.f32 v14, v12;
	v14 =	vld [tilespmem:s24+$0xCE00]  }
0x2a1: {  	[tilespmem:s10+$0xCE00] =	vst v53;
	v16 =	vld [tilespmem:s24+$0xFD80];
	v12 =	vmul.f32 v17, v34;
	v11 =	vmul.f32 v11, v33  }
0x2a2: {  	[tilespmem:s10+$0xCF80] =	vst v56;
	v56 =	vld [tilespmem:s24+$0xFE80];
	v21 =	vmul.f32 v24, v26;
	v23 =	vmul.f32 v32, v26  }
0x2a3: {  	v24 =	vmul.f32 v39, v26;
	[tilespmem:s14+$0xCD00] =	vst v57;
	v57 =	vld [tilespmem:s24+$0xFF80];
	v26 =	vadd.f32 v12, v11;
	v11 =	vmul.f32 v46, v34  }
0x2a4: {  	[tilespmem:s18+$0xCF80] =	vst v43;
	v12 =	vld [tilespmem:s24+$0xCE80]  }
0x2a5: {  	[tilespmem:s14+$0xCE00] =	vst v5;
	v5 =	vmul.f32 v54, v34;
	v14 =	vmul.f32 v14, v33;
	v28 =	vadd.f32 v11, v13;
	v13 =	vld [tilespmem:s24+$0xCF00]  }
0x2a6: {  	v15 =	vmul.f32 v15, v33;
	[tilespmem:$0x1FED0] =	vst v16;
	v11 =	vmul.f32 v16, v34;
	v16 =	vld [tilespmem:s24+$0xFF00]  }
0x2a7: {  	[tilespmem:s14+$0xCE80] =	vst v30;
	v30 =	vadd.f32 v5, v14;
	v14 =	vld [tilespmem:s22+$0xCC00]  }
0x2a8: {  	[tilespmem:s14+$0xCF00] =	vst v31;
	v32 =	vmul.f32 v29, v0;
	v29 =	vadd.f32 v11, v15;
	v15 =	vld [tilespmem:s24+$0xCF80]  }
0x2a9: {  	v5 =	vmul.f32 v56, v34;
	[tilespmem:s15+$0xFC00] =	vst v7;
	v11 =	vld [tilespmem:s22+$0xFC00];
	v12 =	vmul.f32 v12, v33  }
0x2aa: {  	[tilespmem:s15+$0xFE80] =	vst v6;
	v6 =	vld [tilespmem:s22+$0xCD80]  }
0x2ab: {  	v7 =	vmul.f32 v13, v33;
	v31 =	vadd.f32 v5, v12;
	[tilespmem:$0x1FF00] =	vst v16;
	v5 =	vmul.f32 v16, v34;
	v16 =	vld [tilespmem:s22+$0xCC80]  }
0x2ac: {  	[tilespmem:s10+$0xCF00] =	vst v55;
	v12 =	vld [tilespmem:s22+$0xFC80]  }
0x2ad: {  	[tilespmem:s15+$0xFD00] =	vst v8;
	v13 =	vld [tilespmem:s22+$0xFD00];
	v8 =	vmul.f32 v15, v33;
	v33 =	vadd.f32 v5, v7;
	v5 =	vmul.f32 v57, v34  }
0x2ae: {  	[tilespmem:s14+$0xCD80] =	vst v60;
	v7 =	vld [tilespmem:s22+$0xCD00]  }
0x2af: {  	[tilespmem:s15+$0xFD80] =	vst v9;
	v9 =	vmul.f32 v14, v58;
	v34 =	vadd.f32 v5, v8;
	v5 =	vmul.f32 v11, v59;
	v8 =	vld [tilespmem:s22+$0xCE00]  }
0x2b0: {  	[tilespmem:s15+$0xFF00] =	vst v4;
	v14 =	vld [tilespmem:s22+$0xFD80]  }
0x2b1: {  	v15 =	vld [tilespmem:s22+$0xFE00];
	[tilespmem:s18+$0xFC00] =	vst v3;
	v4 =	vmul.f32 v16, v58;
	v35 =	vadd.f32 v5, v9;
	v5 =	vmul.f32 v12, v59  }
0x2b2: {  	[tilespmem:s18+$0xFC80] =	vst v36;
	v16 =	vld [tilespmem:s22+$0xFE80]  }
0x2b3: {  	v3 =	vmul.f32 v7, v58;
	v36 =	vadd.f32 v5, v4;
	v4 =	vmul.f32 v13, v59;
	v5 =	vld [tilespmem:s22+$0xCE80];
	[tilespmem:s18+$0xFD00] =	vst v62  }
0x2b4: {  	[tilespmem:s18+$0xFD80] =	vst v37;
	v7 =	vmul.f32 v8, v58;
	v8 =	vld [tilespmem:$0x1FEB0]  }
0x2b5: {  	v6 =	vmul.f32 v6, v58;
	v37 =	vadd.f32 v4, v3;
	v3 =	vmul.f32 v14, v59;
	v4 =	vld [tilespmem:s22+$0xCF00];
	[tilespmem:s18+$0xFE00] =	vst v63  }
0x2b6: {  	v62 =	vmov v17;
	v17 =	vld [tilespmem:s22+$0xFF00];
	[tilespmem:s18+$0xFE80] =	vst v38  }
0x2b7: {  	v38 =	vadd.f32 v3, v6;
	v3 =	vmul.f32 v15, v59;
	v6 =	vld [tilespmem:s22+$0xCF80];
	[tilespmem:s18+$0xFF00] =	vst v61  }
0x2b8: {  	s28 =	sor.u32 s16, s28;
	v61 =	vmov v18;
	v18 =	vld [tilespmem:s22+$0xFF80];
	[tilespmem:s18+$0xFF80] =	vst v40  }
0x2b9: {  	v40 =	vadd.f32 v3, v7;
	v7 =	vld [tilespmem:s28+$0xCC00];
	[tilespmem:s10+$0xFC00] =	vst v19  }
0x2ba: {  	v5 =	vmul.f32 v5, v58;
	v3 =	vmul.f32 v16, v59;
	[tilespmem:s14+$0xFD80] =	vst v8;
	v8 =	vld [tilespmem:$0x1FEC0]  }
0x2bb: {  	[tilespmem:s10+$0xFC80] =	vst v41;
	v19 =	vld [tilespmem:s28+$0xFC00]  }
0x2bc: {  	v4 =	vmul.f32 v4, v58;
	v41 =	vadd.f32 v3, v5;
	v3 =	vmul.f32 v17, v59;
	v5 =	vld [tilespmem:s28+$0xCC80];
	[tilespmem:s10+$0xFD00] =	vst v20  }
0x2bd: {  	v20 =	vld [tilespmem:s28+$0xFC80];
	[tilespmem:s10+$0xFD80] =	vst v42  }
0x2be: {  	v6 =	vmul.f32 v6, v58;
	v42 =	vadd.f32 v3, v4;
	v3 =	vmul.f32 v18, v59;
	v4 =	vld [tilespmem:s28+$0xCD00];
	[tilespmem:s10+$0xFE00] =	vst v21  }
0x2bf: {  	v21 =	vld [tilespmem:s28+$0xFD00];
	[tilespmem:s10+$0xFE80] =	vst v27  }
0x2c0: {  	v7 =	vmul.f32 v7, v51;
	v43 =	vadd.f32 v3, v6;
	v3 =	vmul.f32 v19, v52;
	v6 =	vld [tilespmem:s28+$0xCD80];
	[tilespmem:s10+$0xFF00] =	vst v23  }
0x2c1: {  	v23 =	vld [tilespmem:s28+$0xFD80];
	[tilespmem:s10+$0xFF80] =	vst v24;
	s10 =	smov.u32 s28  }
0x2c2: {  	[tilespmem:s14+$0xFE80] =	vst v47;
	v5 =	vmul.f32 v5, v51;
	v24 =	vld [tilespmem:s10+$0xFE00];
	v45 =	vadd.f32 v3, v7;
	v3 =	vmul.f32 v20, v52  }
0x2c3: {  	[tilespmem:s14+$0xFF00] =	vst v44;
	v7 =	vld [tilespmem:s10+$0xCE00]  }
0x2c4: {  	v63 =	vmovc v46;
	v27 =	vld [tilespmem:s10+$0xFE80];
	v4 =	vmul.f32 v4, v51;
	v46 =	vadd.f32 v3, v5;
	v3 =	vmul.f32 v21, v52  }
0x2c5: {  	[tilespmem:s14+$0xFE00] =	vst v8;
	s14 =	smov.u32 s20;
	v5 =	vld [tilespmem:s10+$0xCE80]  }
0x2c6: {  	[tilespmem:s14+$0xFF80] =	vst v32;
	v32 =	vld [tilespmem:s10+$0xFF00];
	v6 =	vmul.f32 v6, v51;
	v48 =	vadd.f32 v3, v4;
	v3 =	vmul.f32 v23, v52  }
0x2c7: {  	v4 =	vld [tilespmem:s10+$0xCF00]  }
0x2c8: {  	v39 =	vld [tilespmem:s10+$0xFF80];
	v7 =	vmul.f32 v7, v51;
	v50 =	vadd.f32 v3, v6;
	v3 =	vmul.f32 v24, v52  }
0x2c9: {  	v6 =	vld [tilespmem:s10+$0xCF80]  }
0x2ca: {  	v5 =	vmul.f32 v5, v51;
	v53 =	vadd.f32 v3, v7;
	v3 =	vmul.f32 v27, v52;
	v7 =	vld [tilespmem:s14+$0xCC00]  }
0x2cb: {  	v8 =	vld [tilespmem:s14+$0xFC00]  }
0x2cc: {  	[tilespmem:$0x1FEE0] =	vst v54;
	v9 =	vld [tilespmem:s14+$0xFC80];
	v4 =	vmul.f32 v4, v51;
	v54 =	vadd.f32 v3, v5;
	v3 =	vmul.f32 v32, v52  }
0x2cd: {  	v5 =	vld [tilespmem:s14+$0xCC80]  }
0x2ce: {  	[tilespmem:s15+$0xFE00] =	vst v10;
	v10 =	vld [tilespmem:s14+$0xCD00];
	v6 =	vmul.f32 v6, v51;
	v55 =	vadd.f32 v3, v4;
	v3 =	vmul.f32 v39, v52  }
0x2cf: {  	[tilespmem:$0x1FEF0] =	vst v56;
	v4 =	vmul.f32 v7, v2;
	v7 =	vld [tilespmem:s14+$0xFD00]  }
0x2d0: {  	[tilespmem:s15+$0xFC80] =	vst v22;
	v22 =	vld [tilespmem:s14+$0xFD80];
	v56 =	vadd.f32 v3, v6;
	v3 =	vmul.f32 v8, v1;
	v6 =	vmul.f32 v8, v0  }
0x2d1: {  	p1 =	slt.u32 s11, $0x5C;
	[tilespmem:$0x1FF10] =	vst v57;
	v8 =	vld [tilespmem:s14+$0xCD80]  }
.Ltmp4:
0x2d2: {  	v44 =	vld [tilespmem:s14+$0xFE00];
	v5 =	vmul.f32 v5, v2;
	v3 =	vadd.f32 v3, v4;
	[tilespmem:s14+$0xFC00] =	vst v6;
	v6 =	vmul.f32 v9, v1;
	(pc) =	sbr.rel @p1 .LBB2_7-.Ltmp4, $4  }
0x2d3: {  	[tilespmem:s15+$0xFF80] =	vst v49;
	v47 =	vld [tilespmem:s14+$0xFE80];
	v9 =	vmul.f32 v9, v0  }
0x2d4: {  	v10 =	vmul.f32 v10, v2;
	v4 =	vld [tilespmem:s14+$0xCE00];
	[tilespmem:s14+$0xCC00] =	vst v3;
	v6 =	vadd.f32 v6, v5;
	v60 =	vmul.f32 v7, v1  }
0x2d5: {  	v49 =	vmul.f32 v22, v1;
	v52 =	vmul.f32 v22, v0;
	v3 =	vld [tilespmem:s14+$0xCE80];
	[tilespmem:s14+$0xFC80] =	vst v9  }
0x2d6: {  	s15 =	smov.u32 s24;
	s18 =	smov.u32 s22;
	v51 =	vmul.f32 v7, v0;
	v5 =	vmul.f32 v8, v2;
	[tilespmem:s14+$0xCC80] =	vst v6;
	v57 =	vadd.f32 v60, v10;
	v6 =	vld [tilespmem:s14+$0xCF00]  }
0x2d7: {  	v7 =	vld [tilespmem:s19+$0x800];
	[tilespmem:s15+$0xCC00] =	vst v25  }
0x2d8: {  	[tilespmem:s15+$0xCC80] =	vst v26  }
0x2d9: {  	[tilespmem:s15+$0xCD00] =	vst v28  }
0x2da: {  	[tilespmem:s15+$0xCD80] =	vst v29  }
0x2db: {  	[tilespmem:s15+$0xCE00] =	vst v30  }
0x2dc: {  	[tilespmem:s15+$0xCE80] =	vst v31  }
0x2dd: {  	[tilespmem:s15+$0xCF00] =	vst v33  }
0x2de: {  	[tilespmem:s15+$0xCF80] =	vst v34  }
0x2df: {  	v8 =	vld [tilespmem:s9+$0x800];
	[tilespmem:s18+$0xCC00] =	vst v35  }
0x2e0: {  	[tilespmem:s18+$0xCC80] =	vst v36  }
0x2e1: {  	[tilespmem:s18+$0xCD00] =	vst v37  }
0x2e2: {  	[tilespmem:s18+$0xCD80] =	vst v38  }
0x2e3: {  	[tilespmem:s18+$0xCE00] =	vst v40  }
0x2e4: {  	[tilespmem:s18+$0xCE80] =	vst v41  }
0x2e5: {  	[tilespmem:s18+$0xCF00] =	vst v42  }
0x2e6: {  	[tilespmem:s18+$0xCF80] =	vst v43  }
0x2e7: {  	v9 =	vld [tilespmem:s6+$0x800];
	[tilespmem:s10+$0xCC00] =	vst v45  }
0x2e8: {  	[tilespmem:s10+$0xCC80] =	vst v46  }
0x2e9: {  	[tilespmem:s10+$0xCD00] =	vst v48  }
0x2ea: {  	[tilespmem:s10+$0xCD80] =	vst v50  }
0x2eb: {  	v10 =	vld [tilespmem:s14+$0xFF00];
	[tilespmem:s10+$0xCE00] =	vst v53  }
0x2ec: {  	[tilespmem:s10+$0xCE80] =	vst v54  }
0x2ed: {  	[tilespmem:s10+$0xCF00] =	vst v55  }
0x2ee: {  	v22 =	vmul.f32 v44, v1;
	[tilespmem:s10+$0xCF80] =	vst v56;
	v4 =	vmul.f32 v4, v2  }
0x2ef: {  	[tilespmem:s14+$0xFD00] =	vst v51;
	v5 =	vadd.f32 v49, v5;
	v25 =	vmul.f32 v47, v1;
	v3 =	vmul.f32 v3, v2  }
0x2f0: {  	[tilespmem:s14+$0xCD00] =	vst v57;
	v4 =	vadd.f32 v22, v4;
	v2 =	vmul.f32 v6, v2;
	v1 =	vmul.f32 v10, v1  }
0x2f1: {  	[tilespmem:s14+$0xCD80] =	vst v5;
	v3 =	vadd.f32 v25, v3  }
0x2f2: {  	[tilespmem:s14+$0xCE00] =	vst v4;
	v1 =	vadd.f32 v1, v2  }
0x2f3: {  	v2 =	vmul.f32 v61, v7;
	[tilespmem:s14+$0xCE80] =	vst v3  }
0x2f4: {  	[tilespmem:s14+$0xCF00] =	vst v1  }
0x2f5: {  	v3 =	vmul.f32 v62, v7;
	[tilespmem:s15+$0xFC00] =	vst v2  }
0x2f6: {  	v1 =	vmul.f32 v63, v7;
	v2 =	vld [tilespmem:$0x1FED0]  }
0x2f7: {  	[tilespmem:s15+$0xFC80] =	vst v3  }
0x2f8: {  	v3 =	vld [tilespmem:$0x1FEE0];
	[tilespmem:s15+$0xFD00] =	vst v1  }
0x2f9: {  	v1 =	vld [tilespmem:$0x1FEF0];
	_ =	sdelay $0x1  }
0x2fa: {  	v2 =	vmul.f32 v2, v7;
	_ =	sdelay $0x1  }
0x2fb: {  	v3 =	vmul.f32 v3, v7;
	[tilespmem:s15+$0xFD80] =	vst v2  }
0x2fc: {  	v1 =	vmul.f32 v1, v7;
	v2 =	vld [tilespmem:$0x1FF00]  }
0x2fd: {  	[tilespmem:s15+$0xFE00] =	vst v3  }
0x2fe: {  	v3 =	vld [tilespmem:$0x1FF10];
	[tilespmem:s15+$0xFE80] =	vst v1;
	v1 =	vmul.f32 v11, v8;
	_ =	sdelay $0x1  }
0x2ff: {  	[tilespmem:s18+$0xFC00] =	vst v1;
	v1 =	vmul.f32 v14, v8  }
0x300: {  	[tilespmem:s14+$0xFD80] =	vst v52;
	v2 =	vmul.f32 v2, v7  }
0x301: {  	[tilespmem:s18+$0xFD80] =	vst v1;
	v1 =	vmul.f32 v17, v8  }
0x302: {  	v3 =	vmul.f32 v3, v7;
	[tilespmem:s15+$0xFF00] =	vst v2  }
0x303: {  	v2 =	vmul.f32 v12, v8;
	[tilespmem:s18+$0xFF00] =	vst v1  }
0x304: {  	v1 =	vmul.f32 v20, v9;
	[tilespmem:s15+$0xFF80] =	vst v3  }
0x305: {  	v3 =	vmul.f32 v13, v8;
	[tilespmem:s18+$0xFC80] =	vst v2  }
0x306: {  	v2 =	vmul.f32 v15, v8;
	[tilespmem:s10+$0xFC80] =	vst v1  }
0x307: {  	v1 =	vmul.f32 v24, v9;
	[tilespmem:s18+$0xFD00] =	vst v3  }
0x308: {  	v3 =	vmul.f32 v16, v8;
	[tilespmem:s18+$0xFE00] =	vst v2  }
0x309: {  	v2 =	vmul.f32 v18, v8;
	[tilespmem:s10+$0xFE00] =	vst v1  }
0x30a: {  	v1 =	vmul.f32 v39, v9;
	[tilespmem:s18+$0xFE80] =	vst v3  }
0x30b: {  	v3 =	vmul.f32 v19, v9;
	[tilespmem:s18+$0xFF80] =	vst v2  }
0x30c: {  	v2 =	vmul.f32 v21, v9;
	[tilespmem:s10+$0xFF80] =	vst v1  }
0x30d: {  	v1 =	vmul.f32 v47, v0;
	[tilespmem:s10+$0xFC00] =	vst v3  }
0x30e: {  	v3 =	vmul.f32 v23, v9;
	[tilespmem:s10+$0xFD00] =	vst v2  }
0x30f: {  	v2 =	vmul.f32 v27, v9;
	[tilespmem:s14+$0xFE80] =	vst v1  }
0x310: {  	s20 =	sadd.s32 $0x18, s13;
	[tilespmem:s10+$0xFD80] =	vst v3;
	v3 =	vmul.f32 v32, v9  }
0x311: {  	s21 =	sadd.s32 s5, s20;
	[tilespmem:s10+$0xFE80] =	vst v2;
	v2 =	vmul.f32 v44, v0  }
0x312: {  	s6 =	sadd.s32 s7, s20;
	s9 =	sshll.u32 s21, $0x7;
	v0 =	vmul.f32 v10, v0;
	[tilespmem:s10+$0xFF00] =	vst v3  }
0x313: {  	s6 =	sshll.u32 s6, $0x7;
	s9 =	sand.u32 $0x1FFFFC00, s9;
	[tilespmem:s14+$0xFE00] =	vst v2  }
0x314: {  	s22 =	simm.s32 $0xCC00;
	s6 =	sand.u32 $0x1FFFFC00, s6;
	s9 =	sadd.s32 s3, s9;
	[tilespmem:s14+$0xFF00] =	vst v0  }
0x315: {  	[hbm4b:s9+s4] =	stream.linear.scatter [tilespmem:s22], [sflag:$0x7], $0x3000, $0x38;
	[tilespmem:$0x18C00] =	vst v63  }
0x316: {  	s23 =	simm.s32 $0xFC00;
	s6 =	sadd.s32 s3, s6  }
0x317: {  	[hbm4b:s6+s4] =	stream.linear.scatter [tilespmem:s23], [sflag:$0x7], $0x3000, $0x38;
	[tilespmem:$0x18C00] =	vst v63  }
0x318: {  	s6 =	simm.s32 @!p0 $0x6  }
0x319: {  	_ =	swait.ge @!p0 [sflag:s6], $0x3000  }
0x31a: {  	[sflag:s6] =	ssyncset.done @!p0 $0x0  }
0x31b: {  	s9 =	sadd.s32 @!p0 $0x3C, s13;
	[sflag:s6] =	ssyncadd.s32 @!p0 $0xFFFFD000  }
0x31c: {  	s10 =	sadd.s32 @!p0 s5, s9;
	_ =	swait.ge @!p0 [sflag:s6], $0x3000  }
0x31d: {  	s10 =	sshll.u32 @!p0 s10, $0x7;
	[sflag:s6] =	ssyncset.done @!p0 $0x0  }
0x31e: {  	[sflag:s6] =	ssyncadd.s32 @!p0 $0xFFFFD000;
	s6 =	sand.u32 @!p0 $0x1FFFFE00, s10  }
0x31f: {  	s11 =	simm.s32 @!p0 $0x6C00;
	s10 =	simm.s32 @!p0 $0x0;
	s6 =	sadd.s32 @!p0 s2, s6  }
0x320: {  	[tilespmem:s11], [sflag:$0x2] =	stream.linear.gather @!p0 [hbm4b:s6+s10], $0x3000, $0x38;
	[tilespmem:$0x18C00] =	vst v63  }
0x321: {  	s6 =	sadd.s32 @!p0 s7, s9  }
0x322: {  	s6 =	sshll.u32 @!p0 s6, $0x7  }
0x323: {  	s6 =	sand.u32 @!p0 $0x1FFFFE00, s6  }
0x324: {  	s9 =	simm.s32 @!p0 $0x9C00;
	s6 =	sadd.s32 @!p0 s2, s6  }
0x325: {  	[tilespmem:s9], [sflag:$0x2] =	stream.linear.gather @!p0 [hbm4b:s6+s10], $0x3000, $0x38;
	[tilespmem:$0x18C00] =	vst v63  }
0x326: {  	_ =	swait.ge [sflag:s1], $0x3000  }
0x327: {  	[sflag:s1] =	ssyncset.done $0x0  }
0x328: {  	s25 =	simm.s32 $0x0;
	s21 =	simm.s32 $0x0;
	[sflag:s1] =	ssyncadd.s32 $0xFFFFD000  }
0x329: {  	p1 =	por $0x1, $0x1;
	s24 =	sand.u32 $0x40, s21;
	_ =	swait.ge [sflag:s1], $0x3000  }
0x32a: {  	s26 =	sor.u32 $0x30, s24;
	s15 =	simm.s32 $0xFFFFFD00;
	[sflag:s1] =	ssyncset.done $0x0  }
0x32b: {  	s14 =	sor.u32 s25, s26;
	s6 =	simm.s32 $0x0;
	[sflag:s1] =	ssyncadd.s32 $0xFFFFD000  }
0x32c: {  	s15 =	smov.u32 @p1 s6;
	v3 =	vld [tilespmem:s14+$0x12F80]  }
0x32d: {  	s16 =	sor.u32 s26, s15;
	v4 =	vld [tilespmem:s14+$0x15F80]  }
0x32e: {  	v2 =	vld [tilespmem:s16+$0x0]  }
0x32f: {  	s19 =	sor.u32 s24, s15;
	v1 =	vld [tilespmem:s16+$0x400]  }
0x330: {  	s28 =	sor.u32 $0x10, s24;
	v5 =	vld [tilespmem:s19+$0x0]  }
0x331: {  	s9 =	sor.u32 s28, s15;
	v6 =	vld [tilespmem:s19+$0x400]  }
0x332: {  	s20 =	sor.u32 $0x20, s24;
	v39 =	vld [tilespmem:s9+$0x0]  }
0x333: {  	s6 =	sor.u32 s20, s15;
	v41 =	vld [tilespmem:s9+$0x400]  }
0x334: {  	v22 =	vld [tilespmem:s6+$0x0]  }
0x335: {  	s15 =	sor.u32 s24, s25;
	v47 =	vld [tilespmem:s6+$0x400]  }
0x336: {  	v19 =	vld [tilespmem:s15+$0x12C00]  }
0x337: {  	v61 =	vld [tilespmem:s15+$0x15C00]  }
0x338: {  	v0 =	vld [tilespmem:s16+$0x800]  }
0x339: {  	v20 =	vld [tilespmem:s15+$0x12C80]  }
0x33a: {  	v62 =	vld [tilespmem:s15+$0x15C80]  }
0x33b: {  	v21 =	vld [tilespmem:s15+$0x12D00]  }
0x33c: {  	v63 =	vld [tilespmem:s15+$0x15D00]  }
0x33d: {  	v23 =	vld [tilespmem:s15+$0x12D80]  }
0x33e: {  	v7 =	vld [tilespmem:s15+$0x15D80]  }
0x33f: {  	v24 =	vld [tilespmem:s15+$0x12E00]  }
0x340: {  	v8 =	vld [tilespmem:s15+$0x15E00]  }
0x341: {  	v27 =	vld [tilespmem:s15+$0x12E80]  }
0x342: {  	v9 =	vld [tilespmem:s15+$0x15E80]  }
0x343: {  	v30 =	vld [tilespmem:s15+$0x12F00]  }
0x344: {  	v10 =	vld [tilespmem:s15+$0x15F00]  }
0x345: {  	v31 =	vld [tilespmem:s15+$0x12F80]  }
0x346: {  	s18 =	sor.u32 s25, s28;
	v52 =	vld [tilespmem:s15+$0x15F80]  }
0x347: {  	v32 =	vld [tilespmem:s18+$0x12C00]  }
0x348: {  	v11 =	vld [tilespmem:s18+$0x15C00]  }
0x349: {  	v34 =	vld [tilespmem:s18+$0x12C80]  }
0x34a: {  	v12 =	vld [tilespmem:s18+$0x15C80]  }
0x34b: {  	v35 =	vld [tilespmem:s18+$0x12D00]  }
0x34c: {  	v13 =	vld [tilespmem:s18+$0x15D00]  }
0x34d: {  	v36 =	vld [tilespmem:s18+$0x12D80]  }
0x34e: {  	v14 =	vld [tilespmem:s18+$0x15D80]  }
0x34f: {  	v37 =	vld [tilespmem:s18+$0x12E00]  }
0x350: {  	v15 =	vld [tilespmem:s18+$0x15E00]  }
0x351: {  	v38 =	vld [tilespmem:s18+$0x12E80]  }
0x352: {  	v16 =	vld [tilespmem:s18+$0x15E80]  }
0x353: {  	v40 =	vld [tilespmem:s18+$0x12F00];
	v3 =	vmul.f32 v3, v2;
	v25 =	vmul.f32 v4, v1  }
0x354: {  	v17 =	vld [tilespmem:s18+$0x15F00];
	v26 =	vmul.f32 v19, v5;
	v28 =	vmul.f32 v61, v6  }
0x355: {  	v42 =	vld [tilespmem:s18+$0x12F80];
	v4 =	vmul.f32 v4, v0;
	v29 =	vmul.f32 v20, v5  }
0x356: {  	s10 =	sor.u32 s25, s20;
	v18 =	vld [tilespmem:s18+$0x15F80];
	v56 =	vmul.f32 v62, v6;
	v57 =	vmul.f32 v21, v5  }
0x357: {  	v43 =	vld [tilespmem:s10+$0x12C00];
	v58 =	vmul.f32 v63, v6;
	v59 =	vmul.f32 v23, v5  }
0x358: {  	v44 =	vld [tilespmem:s10+$0x12C80];
	v60 =	vmul.f32 v7, v6;
	v24 =	vmul.f32 v24, v5  }
0x359: {  	v48 =	vld [tilespmem:s10+$0x12D00];
	v54 =	vmul.f32 v8, v6;
	v27 =	vmul.f32 v27, v5  }
0x35a: {  	v19 =	vld [tilespmem:s10+$0x15C00];
	v55 =	vmul.f32 v9, v6;
	v32 =	vmul.f32 v32, v39;
	v3 =	vadd.f32 v25, v3  }
0x35b: {  	v20 =	vld [tilespmem:s10+$0x15C80];
	[tilespmem:$0x1FE60] =	vst v7;
	v46 =	vmul.f32 v18, v41;
	v25 =	vadd.f32 v28, v26;
	v26 =	vadd.f32 v56, v29  }
0x35c: {  	v21 =	vld [tilespmem:s10+$0x15D00];
	[tilespmem:$0x1FE70] =	vst v8;
	v28 =	vadd.f32 v58, v57;
	v29 =	vadd.f32 v60, v59;
	v56 =	vmul.f32 v30, v5  }
0x35d: {  	v51 =	vld [tilespmem:s10+$0x12D80];
	[tilespmem:$0x1FE80] =	vst v9;
	v57 =	vmul.f32 v10, v6;
	v30 =	vadd.f32 v54, v24;
	v5 =	vmul.f32 v31, v5  }
0x35e: {  	v6 =	vmul.f32 v52, v6;
	v31 =	vadd.f32 v55, v27;
	v58 =	vmul.f32 v11, v41;
	v23 =	vld [tilespmem:s10+$0x15D80];
	[tilespmem:$0x1FE90] =	vst v10  }
0x35f: {  	v59 =	vmul.f32 v34, v39;
	v60 =	vmul.f32 v12, v41;
	v50 =	vld [tilespmem:s10+$0x12E00];
	[tilespmem:$0x1FEA0] =	vst v52;
	v33 =	vadd.f32 v57, v56  }
0x360: {  	v34 =	vadd.f32 v6, v5;
	v5 =	vmul.f32 v35, v39;
	v6 =	vmul.f32 v13, v41;
	v24 =	vld [tilespmem:s10+$0x15E00]  }
0x361: {  	v35 =	vadd.f32 v58, v32;
	v57 =	vmul.f32 v14, v41;
	v58 =	vmul.f32 v37, v39;
	v52 =	vld [tilespmem:s10+$0x12E80]  }
0x362: {  	v27 =	vld [tilespmem:s10+$0x15E80];
	[tilespmem:s14+$0x12F80] =	vst v3;
	v3 =	vmul.f32 v36, v39;
	v36 =	vadd.f32 v60, v59;
	v59 =	vmul.f32 v15, v41  }
0x363: {  	v54 =	vld [tilespmem:s10+$0x12F00];
	[tilespmem:s14+$0x15F80] =	vst v4;
	v4 =	vmul.f32 v38, v39;
	v37 =	vadd.f32 v6, v5;
	v5 =	vmul.f32 v16, v41  }
0x364: {  	v60 =	vmul.f32 v17, v41;
	v53 =	vld [tilespmem:s14+$0x15C00];
	v38 =	vadd.f32 v57, v3;
	v3 =	vmul.f32 v40, v39  }
0x365: {  	v32 =	vld [tilespmem:s10+$0x15F00];
	v39 =	vmul.f32 v42, v39;
	v41 =	vadd.f32 v5, v4;
	v4 =	vmul.f32 v43, v22  }
0x366: {  	v6 =	vld [tilespmem:s14+$0x12C00];
	v5 =	vmul.f32 v19, v47;
	v42 =	vadd.f32 v60, v3;
	v3 =	vmul.f32 v44, v22  }
0x367: {  	v49 =	vld [tilespmem:s14+$0x12C80];
	v60 =	vmul.f32 v20, v47;
	v43 =	vadd.f32 v46, v39;
	v39 =	vmul.f32 v48, v22  }
0x368: {  	v56 =	vld [tilespmem:s14+$0x15C80];
	v40 =	vadd.f32 v59, v58;
	v48 =	vmul.f32 v21, v47;
	v44 =	vmul.f32 v23, v47  }
0x369: {  	v55 =	vld [tilespmem:s10+$0x12F80];
	v45 =	vadd.f32 v5, v4;
	v5 =	vmul.f32 v51, v22;
	v4 =	vmul.f32 v53, v0  }
0x36a: {  	v57 =	vld [tilespmem:s14+$0x12D00];
	v51 =	vmul.f32 v50, v22;
	v52 =	vmul.f32 v52, v22;
	v46 =	vadd.f32 v60, v3  }
0x36b: {  	v58 =	vld [tilespmem:s14+$0x15D00];
	v3 =	vmul.f32 v6, v2;
	v6 =	vmul.f32 v53, v1;
	v48 =	vadd.f32 v48, v39  }
0x36c: {  	v39 =	vld [tilespmem:s10+$0x15F80];
	v53 =	vmul.f32 v24, v47;
	v50 =	vadd.f32 v44, v5;
	v5 =	vmul.f32 v27, v47  }
0x36d: {  	v59 =	vld [tilespmem:s14+$0x12D80];
	v3 =	vadd.f32 v6, v3;
	v6 =	vmul.f32 v49, v2;
	v49 =	vmul.f32 v56, v1  }
0x36e: {  	v60 =	vld [tilespmem:s14+$0x15D80];
	v53 =	vadd.f32 v53, v51;
	v51 =	vmul.f32 v56, v0;
	v56 =	vmul.f32 v54, v22  }
0x36f: {  	[tilespmem:s14+$0x15C00] =	vst v4;
	v4 =	vld [tilespmem:s14+$0x12E00];
	v22 =	vmul.f32 v55, v22;
	v54 =	vadd.f32 v5, v52;
	v5 =	vmul.f32 v32, v47  }
0x370: {  	v44 =	vld [tilespmem:s14+$0x15E00];
	v52 =	vmul.f32 v57, v2;
	v57 =	vmul.f32 v58, v1;
	[tilespmem:s14+$0x12C00] =	vst v3  }
0x371: {  	v3 =	vld [tilespmem:s14+$0x12E80];
	v6 =	vadd.f32 v49, v6;
	[tilespmem:s14+$0x15C80] =	vst v51;
	v51 =	vmul.f32 v58, v0;
	v49 =	vmul.f32 v39, v47  }
0x372: {  	v55 =	vadd.f32 v5, v56;
	v47 =	vld [tilespmem:s14+$0x15E80];
	v5 =	vmul.f32 v59, v2;
	v57 =	vadd.f32 v57, v52  }
0x373: {  	s11 =	simm.s32 $0x0;
	v52 =	vmul.f32 v60, v0;
	[tilespmem:s14+$0x12C80] =	vst v6;
	v6 =	vld [tilespmem:s14+$0x12F00];
	v56 =	vadd.f32 v49, v22;
	v49 =	vmul.f32 v60, v1  }
.LBB2_9:
0x374: {  	v58 =	vld [tilespmem:s14+$0x15F00];
	_ =	sdelay $0x3  }
0x375: {  	v60 =	vadd.f32 v49, v5;
	v4 =	vmul.f32 v4, v2;
	v5 =	vmul.f32 v44, v1  }
0x376: {  	v59 =	vld [tilespmem:s19+$0x800];
	v7 =	vmul.f32 v44, v0;
	v44 =	vmul.f32 v58, v0  }
0x377: {  	v5 =	vadd.f32 v5, v4;
	v4 =	vmul.f32 v47, v1;
	v47 =	vmul.f32 v47, v0;
	v0 =	vld [tilespmem:$0x1FE60];
	_ =	sdelay $0x4  }
0x378: {  	v9 =	vmul.f32 v0, v59;
	v0 =	vld [tilespmem:$0x1FE70];
	_ =	sdelay $0x2  }
0x379: {  	s11 =	sadd.s32 $0x4, s11;
	s21 =	sadd.s32 $0x40, s21;
	[tilespmem:s15+$0x12C00] =	vst v25  }
0x37a: {  	[tilespmem:s15+$0x12C80] =	vst v26;
	v25 =	vld [tilespmem:s9+$0x800];
	s16 =	sshrl.u32 s11, $0x3;
	s22 =	sand.u32 $0x40, s21  }
0x37b: {  	[tilespmem:s15+$0x12D00] =	vst v28;
	s19 =	sshll.u32 s16, $0x7;
	s16 =	sshll.u32 s16, $0xA;
	s23 =	sor.u32 $0x30, s22;
	v10 =	vmul.f32 v0, v59;
	v0 =	vld [tilespmem:$0x1FE80]  }
0x37c: {  	v26 =	vld [tilespmem:s6+$0x800];
	[tilespmem:s14+$0x15D00] =	vst v51;
	s20 =	sor.u32 s16, s23;
	v3 =	vmul.f32 v3, v2  }
0x37d: {  	[tilespmem:s15+$0x12D80] =	vst v29;
	v28 =	vld [tilespmem:s20+$0x12F80]  }
0x37e: {  	[tilespmem:s15+$0x12E00] =	vst v30;
	p2 =	slt.u32 s11, $0x30;
	s26 =	sadd.s32 $0xFFFFFD00, s19;
	s24 =	sor.u32 s22, s16;
	v6 =	vmul.f32 v6, v2;
	v29 =	vld [tilespmem:s20+$0x15F80];
	v30 =	vadd.f32 v4, v3;
	v3 =	vmul.f32 v58, v1  }
0x37f: {  	s26 =	smov.u32 @p2 s19;
	v22 =	vmul.f32 v62, v59;
	v62 =	vmul.f32 v13, v25;
	v13 =	vld [tilespmem:s24+$0x12D00]  }
0x380: {  	[tilespmem:s15+$0x12E80] =	vst v31;
	s25 =	sor.u32 s23, s26;
	v31 =	vadd.f32 v3, v6;
	v6 =	vmul.f32 v0, v59;
	v0 =	vld [tilespmem:$0x1FE90]  }
0x381: {  	[tilespmem:s15+$0x12F00] =	vst v33;
	s6 =	sor.u32 $0x10, s22;
	s28 =	sor.u32 $0x20, s22;
	s19 =	sor.u32 s22, s26;
	v2 =	vld [tilespmem:s25+$0x0]  }
0x382: {  	s9 =	sor.u32 s6, s26;
	s22 =	sor.u32 s16, s6;
	s6 =	sor.u32 s28, s26;
	v33 =	vld [tilespmem:s19+$0x0]  }
0x383: {  	[tilespmem:s18+$0x12C00] =	vst v35;
	v51 =	vld [tilespmem:s6+$0x0]  }
0x384: {  	[tilespmem:$0x1FE40] =	vst v52;
	v1 =	vld [tilespmem:s25+$0x400]  }
0x385: {  	[tilespmem:$0x1FE50] =	vst v7;
	v4 =	vmul.f32 v0, v59;
	v0 =	vld [tilespmem:$0x1FEA0]  }
0x386: {  	[tilespmem:s15+$0x12F80] =	vst v34;
	v52 =	vld [tilespmem:s6+$0x400]  }
0x387: {  	v8 =	vmul.f32 v63, v59;
	[tilespmem:s10+$0x12C00] =	vst v45;
	v34 =	vld [tilespmem:s19+$0x400]  }
0x388: {  	v7 =	vmul.f32 v61, v59;
	v58 =	vld [tilespmem:s9+$0x0];
	[tilespmem:s18+$0x12C80] =	vst v36;
	v36 =	vmul.f32 v12, v25  }
0x389: {  	[tilespmem:s10+$0x12C80] =	vst v46;
	v12 =	vld [tilespmem:s24+$0x12C00];
	v3 =	vmul.f32 v11, v25;
	v11 =	vmul.f32 v29, v1  }
0x38a: {  	[tilespmem:s10+$0x12D00] =	vst v48;
	v49 =	vmul.f32 v0, v59;
	v59 =	vld [tilespmem:s9+$0x400];
	v0 =	vmul.f32 v28, v2  }
0x38b: {  	[tilespmem:s18+$0x12E00] =	vst v40;
	v40 =	vmul.f32 v18, v25;
	v18 =	vld [tilespmem:s24+$0x15C00]  }
0x38c: {  	v61 =	vmul.f32 v17, v25;
	[tilespmem:s10+$0x12D80] =	vst v50;
	v17 =	vld [tilespmem:s24+$0x15C80];
	v11 =	vadd.f32 v11, v0  }
0x38d: {  	v63 =	vmul.f32 v15, v25;
	[tilespmem:s10+$0x12E80] =	vst v54;
	v0 =	vld [tilespmem:s25+$0x800]  }
0x38e: {  	v19 =	vmul.f32 v19, v26;
	v27 =	vmul.f32 v27, v26;
	[tilespmem:s20+$0x12F80] =	vst v11;
	v11 =	vld [tilespmem:s24+$0x12C80]  }
0x38f: {  	v15 =	vld [tilespmem:s24+$0x12D80];
	v13 =	vmul.f32 v13, v33;
	v12 =	vmul.f32 v12, v33;
	[tilespmem:s18+$0x12D00] =	vst v37  }
0x390: {  	v46 =	vld [tilespmem:s24+$0x15D00];
	v37 =	vmul.f32 v14, v25;
	[tilespmem:s18+$0x12D80] =	vst v38;
	v14 =	vmul.f32 v18, v34  }
0x391: {  	v54 =	vld [tilespmem:s24+$0x15E00];
	v38 =	vmul.f32 v16, v25;
	[tilespmem:s18+$0x12E80] =	vst v41;
	v41 =	vmul.f32 v20, v26  }
0x392: {  	[tilespmem:s18+$0x12F00] =	vst v42;
	v20 =	vmul.f32 v21, v26;
	v42 =	vmul.f32 v23, v26;
	v25 =	vadd.f32 v14, v12;
	v14 =	vld [tilespmem:s24+$0x12E00]  }
0x393: {  	[tilespmem:s10+$0x12E00] =	vst v53;
	v16 =	vld [tilespmem:s24+$0x15D80];
	v12 =	vmul.f32 v17, v34;
	v11 =	vmul.f32 v11, v33  }
0x394: {  	[tilespmem:s10+$0x12F80] =	vst v56;
	v56 =	vld [tilespmem:s24+$0x15E80];
	v21 =	vmul.f32 v24, v26;
	v23 =	vmul.f32 v32, v26  }
0x395: {  	v24 =	vmul.f32 v39, v26;
	[tilespmem:s14+$0x12D00] =	vst v57;
	v57 =	vld [tilespmem:s24+$0x15F80];
	v26 =	vadd.f32 v12, v11;
	v11 =	vmul.f32 v46, v34  }
0x396: {  	[tilespmem:s18+$0x12F80] =	vst v43;
	v12 =	vld [tilespmem:s24+$0x12E80]  }
0x397: {  	[tilespmem:s14+$0x12E00] =	vst v5;
	v5 =	vmul.f32 v54, v34;
	v14 =	vmul.f32 v14, v33;
	v28 =	vadd.f32 v11, v13;
	v13 =	vld [tilespmem:s24+$0x12F00]  }
0x398: {  	v15 =	vmul.f32 v15, v33;
	[tilespmem:$0x1FE60] =	vst v16;
	v11 =	vmul.f32 v16, v34;
	v16 =	vld [tilespmem:s24+$0x15F00]  }
0x399: {  	[tilespmem:s14+$0x12E80] =	vst v30;
	v30 =	vadd.f32 v5, v14;
	v14 =	vld [tilespmem:s22+$0x12C00]  }
0x39a: {  	[tilespmem:s14+$0x12F00] =	vst v31;
	v32 =	vmul.f32 v29, v0;
	v29 =	vadd.f32 v11, v15;
	v15 =	vld [tilespmem:s24+$0x12F80]  }
0x39b: {  	v5 =	vmul.f32 v56, v34;
	[tilespmem:s15+$0x15C00] =	vst v7;
	v11 =	vld [tilespmem:s22+$0x15C00];
	v12 =	vmul.f32 v12, v33  }
0x39c: {  	[tilespmem:s15+$0x15E80] =	vst v6;
	v6 =	vld [tilespmem:s22+$0x12D80]  }
0x39d: {  	v7 =	vmul.f32 v13, v33;
	v31 =	vadd.f32 v5, v12;
	[tilespmem:$0x1FE90] =	vst v16;
	v5 =	vmul.f32 v16, v34;
	v16 =	vld [tilespmem:s22+$0x12C80]  }
0x39e: {  	[tilespmem:s10+$0x12F00] =	vst v55;
	v12 =	vld [tilespmem:s22+$0x15C80]  }
0x39f: {  	[tilespmem:s15+$0x15D00] =	vst v8;
	v13 =	vld [tilespmem:s22+$0x15D00];
	v8 =	vmul.f32 v15, v33;
	v33 =	vadd.f32 v5, v7;
	v5 =	vmul.f32 v57, v34  }
0x3a0: {  	[tilespmem:s14+$0x12D80] =	vst v60;
	v7 =	vld [tilespmem:s22+$0x12D00]  }
0x3a1: {  	[tilespmem:s15+$0x15D80] =	vst v9;
	v9 =	vmul.f32 v14, v58;
	v34 =	vadd.f32 v5, v8;
	v5 =	vmul.f32 v11, v59;
	v8 =	vld [tilespmem:s22+$0x12E00]  }
0x3a2: {  	[tilespmem:s15+$0x15F00] =	vst v4;
	v14 =	vld [tilespmem:s22+$0x15D80]  }
0x3a3: {  	v15 =	vld [tilespmem:s22+$0x15E00];
	[tilespmem:s18+$0x15C00] =	vst v3;
	v4 =	vmul.f32 v16, v58;
	v35 =	vadd.f32 v5, v9;
	v5 =	vmul.f32 v12, v59  }
0x3a4: {  	[tilespmem:s18+$0x15C80] =	vst v36;
	v16 =	vld [tilespmem:s22+$0x15E80]  }
0x3a5: {  	v3 =	vmul.f32 v7, v58;
	v36 =	vadd.f32 v5, v4;
	v4 =	vmul.f32 v13, v59;
	v5 =	vld [tilespmem:s22+$0x12E80];
	[tilespmem:s18+$0x15D00] =	vst v62  }
0x3a6: {  	[tilespmem:s18+$0x15D80] =	vst v37;
	v7 =	vmul.f32 v8, v58;
	v8 =	vld [tilespmem:$0x1FE40]  }
0x3a7: {  	v6 =	vmul.f32 v6, v58;
	v37 =	vadd.f32 v4, v3;
	v3 =	vmul.f32 v14, v59;
	v4 =	vld [tilespmem:s22+$0x12F00];
	[tilespmem:s18+$0x15E00] =	vst v63  }
0x3a8: {  	v62 =	vmov v17;
	v17 =	vld [tilespmem:s22+$0x15F00];
	[tilespmem:s18+$0x15E80] =	vst v38  }
0x3a9: {  	v38 =	vadd.f32 v3, v6;
	v3 =	vmul.f32 v15, v59;
	v6 =	vld [tilespmem:s22+$0x12F80];
	[tilespmem:s18+$0x15F00] =	vst v61  }
0x3aa: {  	s28 =	sor.u32 s16, s28;
	v61 =	vmov v18;
	v18 =	vld [tilespmem:s22+$0x15F80];
	[tilespmem:s18+$0x15F80] =	vst v40  }
0x3ab: {  	v40 =	vadd.f32 v3, v7;
	v7 =	vld [tilespmem:s28+$0x12C00];
	[tilespmem:s10+$0x15C00] =	vst v19  }
0x3ac: {  	v5 =	vmul.f32 v5, v58;
	v3 =	vmul.f32 v16, v59;
	[tilespmem:s14+$0x15D80] =	vst v8;
	v8 =	vld [tilespmem:$0x1FE50]  }
0x3ad: {  	[tilespmem:s10+$0x15C80] =	vst v41;
	v19 =	vld [tilespmem:s28+$0x15C00]  }
0x3ae: {  	v4 =	vmul.f32 v4, v58;
	v41 =	vadd.f32 v3, v5;
	v3 =	vmul.f32 v17, v59;
	v5 =	vld [tilespmem:s28+$0x12C80];
	[tilespmem:s10+$0x15D00] =	vst v20  }
0x3af: {  	v20 =	vld [tilespmem:s28+$0x15C80];
	[tilespmem:s10+$0x15D80] =	vst v42  }
0x3b0: {  	v6 =	vmul.f32 v6, v58;
	v42 =	vadd.f32 v3, v4;
	v3 =	vmul.f32 v18, v59;
	v4 =	vld [tilespmem:s28+$0x12D00];
	[tilespmem:s10+$0x15E00] =	vst v21  }
0x3b1: {  	v21 =	vld [tilespmem:s28+$0x15D00];
	[tilespmem:s10+$0x15E80] =	vst v27  }
0x3b2: {  	v7 =	vmul.f32 v7, v51;
	v43 =	vadd.f32 v3, v6;
	v3 =	vmul.f32 v19, v52;
	v6 =	vld [tilespmem:s28+$0x12D80];
	[tilespmem:s10+$0x15F00] =	vst v23  }
0x3b3: {  	v23 =	vld [tilespmem:s28+$0x15D80];
	[tilespmem:s10+$0x15F80] =	vst v24;
	s10 =	smov.u32 s28  }
0x3b4: {  	[tilespmem:s14+$0x15E80] =	vst v47;
	v5 =	vmul.f32 v5, v51;
	v24 =	vld [tilespmem:s10+$0x15E00];
	v45 =	vadd.f32 v3, v7;
	v3 =	vmul.f32 v20, v52  }
0x3b5: {  	[tilespmem:s14+$0x15F00] =	vst v44;
	v7 =	vld [tilespmem:s10+$0x12E00]  }
0x3b6: {  	v63 =	vmovc v46;
	v27 =	vld [tilespmem:s10+$0x15E80];
	v4 =	vmul.f32 v4, v51;
	v46 =	vadd.f32 v3, v5;
	v3 =	vmul.f32 v21, v52  }
0x3b7: {  	[tilespmem:s14+$0x15E00] =	vst v8;
	s14 =	smov.u32 s20;
	v5 =	vld [tilespmem:s10+$0x12E80]  }
0x3b8: {  	[tilespmem:s14+$0x15F80] =	vst v32;
	v32 =	vld [tilespmem:s10+$0x15F00];
	v6 =	vmul.f32 v6, v51;
	v48 =	vadd.f32 v3, v4;
	v3 =	vmul.f32 v23, v52  }
0x3b9: {  	v4 =	vld [tilespmem:s10+$0x12F00]  }
0x3ba: {  	v39 =	vld [tilespmem:s10+$0x15F80];
	v7 =	vmul.f32 v7, v51;
	v50 =	vadd.f32 v3, v6;
	v3 =	vmul.f32 v24, v52  }
0x3bb: {  	v6 =	vld [tilespmem:s10+$0x12F80]  }
0x3bc: {  	v5 =	vmul.f32 v5, v51;
	v53 =	vadd.f32 v3, v7;
	v3 =	vmul.f32 v27, v52;
	v7 =	vld [tilespmem:s14+$0x12C00]  }
0x3bd: {  	v8 =	vld [tilespmem:s14+$0x15C00]  }
0x3be: {  	[tilespmem:$0x1FE70] =	vst v54;
	v9 =	vld [tilespmem:s14+$0x15C80];
	v4 =	vmul.f32 v4, v51;
	v54 =	vadd.f32 v3, v5;
	v3 =	vmul.f32 v32, v52  }
0x3bf: {  	v5 =	vld [tilespmem:s14+$0x12C80]  }
0x3c0: {  	[tilespmem:s15+$0x15E00] =	vst v10;
	v10 =	vld [tilespmem:s14+$0x12D00];
	v6 =	vmul.f32 v6, v51;
	v55 =	vadd.f32 v3, v4;
	v3 =	vmul.f32 v39, v52  }
0x3c1: {  	[tilespmem:$0x1FE80] =	vst v56;
	v4 =	vmul.f32 v7, v2;
	v7 =	vld [tilespmem:s14+$0x15D00]  }
0x3c2: {  	[tilespmem:s15+$0x15C80] =	vst v22;
	v22 =	vld [tilespmem:s14+$0x15D80];
	v56 =	vadd.f32 v3, v6;
	v3 =	vmul.f32 v8, v1;
	v6 =	vmul.f32 v8, v0  }
0x3c3: {  	p1 =	slt.u32 s11, $0x5C;
	[tilespmem:$0x1FEA0] =	vst v57;
	v8 =	vld [tilespmem:s14+$0x12D80]  }
.Ltmp5:
0x3c4: {  	v44 =	vld [tilespmem:s14+$0x15E00];
	v5 =	vmul.f32 v5, v2;
	v3 =	vadd.f32 v3, v4;
	[tilespmem:s14+$0x15C00] =	vst v6;
	v6 =	vmul.f32 v9, v1;
	(pc) =	sbr.rel @p1 .LBB2_9-.Ltmp5, $4  }
0x3c5: {  	[tilespmem:s15+$0x15F80] =	vst v49;
	v47 =	vld [tilespmem:s14+$0x15E80];
	v9 =	vmul.f32 v9, v0  }
0x3c6: {  	v10 =	vmul.f32 v10, v2;
	v4 =	vld [tilespmem:s14+$0x12E00];
	[tilespmem:s14+$0x12C00] =	vst v3;
	v6 =	vadd.f32 v6, v5;
	v60 =	vmul.f32 v7, v1  }
0x3c7: {  	v49 =	vmul.f32 v22, v1;
	v52 =	vmul.f32 v22, v0;
	v3 =	vld [tilespmem:s14+$0x12E80];
	[tilespmem:s14+$0x15C80] =	vst v9  }
0x3c8: {  	s15 =	smov.u32 s24;
	s18 =	smov.u32 s22;
	v51 =	vmul.f32 v7, v0;
	v5 =	vmul.f32 v8, v2;
	[tilespmem:s14+$0x12C80] =	vst v6;
	v57 =	vadd.f32 v60, v10;
	v6 =	vld [tilespmem:s14+$0x12F00]  }
0x3c9: {  	v7 =	vld [tilespmem:s19+$0x800];
	[tilespmem:s15+$0x12C00] =	vst v25  }
0x3ca: {  	[tilespmem:s15+$0x12C80] =	vst v26  }
0x3cb: {  	[tilespmem:s15+$0x12D00] =	vst v28  }
0x3cc: {  	[tilespmem:s15+$0x12D80] =	vst v29  }
0x3cd: {  	[tilespmem:s15+$0x12E00] =	vst v30  }
0x3ce: {  	[tilespmem:s15+$0x12E80] =	vst v31  }
0x3cf: {  	[tilespmem:s15+$0x12F00] =	vst v33  }
0x3d0: {  	[tilespmem:s15+$0x12F80] =	vst v34  }
0x3d1: {  	v8 =	vld [tilespmem:s9+$0x800];
	[tilespmem:s18+$0x12C00] =	vst v35  }
0x3d2: {  	[tilespmem:s18+$0x12C80] =	vst v36  }
0x3d3: {  	[tilespmem:s18+$0x12D00] =	vst v37  }
0x3d4: {  	[tilespmem:s18+$0x12D80] =	vst v38  }
0x3d5: {  	[tilespmem:s18+$0x12E00] =	vst v40  }
0x3d6: {  	[tilespmem:s18+$0x12E80] =	vst v41  }
0x3d7: {  	[tilespmem:s18+$0x12F00] =	vst v42  }
0x3d8: {  	[tilespmem:s18+$0x12F80] =	vst v43  }
0x3d9: {  	v9 =	vld [tilespmem:s6+$0x800];
	[tilespmem:s10+$0x12C00] =	vst v45  }
0x3da: {  	[tilespmem:s10+$0x12C80] =	vst v46  }
0x3db: {  	[tilespmem:s10+$0x12D00] =	vst v48  }
0x3dc: {  	[tilespmem:s10+$0x12D80] =	vst v50  }
0x3dd: {  	[tilespmem:s10+$0x12E00] =	vst v53  }
0x3de: {  	v10 =	vld [tilespmem:s14+$0x15F00];
	[tilespmem:s10+$0x12E80] =	vst v54  }
0x3df: {  	[tilespmem:s10+$0x12F00] =	vst v55  }
0x3e0: {  	v22 =	vmul.f32 v44, v1;
	[tilespmem:s10+$0x12F80] =	vst v56;
	v4 =	vmul.f32 v4, v2  }
0x3e1: {  	[tilespmem:s14+$0x15D00] =	vst v51;
	v5 =	vadd.f32 v49, v5;
	v35 =	vmul.f32 v47, v1;
	v3 =	vmul.f32 v3, v2  }
0x3e2: {  	[tilespmem:s14+$0x12D00] =	vst v57;
	v4 =	vadd.f32 v22, v4  }
0x3e3: {  	[tilespmem:s14+$0x12D80] =	vst v5;
	v36 =	vmul.f32 v6, v2;
	v37 =	vmul.f32 v10, v1;
	v3 =	vadd.f32 v35, v3  }
0x3e4: {  	v38 =	vmul.f32 v61, v7;
	[tilespmem:s14+$0x12E00] =	vst v4  }
0x3e5: {  	v1 =	vadd.f32 v37, v36;
	[tilespmem:s14+$0x12E80] =	vst v3  }
0x3e6: {  	v40 =	vmul.f32 v62, v7;
	[tilespmem:s15+$0x15C00] =	vst v38  }
0x3e7: {  	v41 =	vmul.f32 v63, v7;
	[tilespmem:s14+$0x12F00] =	vst v1  }
0x3e8: {  	v2 =	vld [tilespmem:$0x1FE60];
	[tilespmem:s15+$0x15C80] =	vst v40  }
0x3e9: {  	v3 =	vld [tilespmem:$0x1FE70];
	[tilespmem:s15+$0x15D00] =	vst v41  }
0x3ea: {  	v1 =	vld [tilespmem:$0x1FE80];
	_ =	sdelay $0x2  }
0x3eb: {  	v2 =	vmul.f32 v2, v7  }
0x3ec: {  	v3 =	vmul.f32 v3, v7  }
0x3ed: {  	v1 =	vmul.f32 v1, v7;
	[tilespmem:s15+$0x15D80] =	vst v2  }
0x3ee: {  	v42 =	vmul.f32 v11, v8;
	v2 =	vld [tilespmem:$0x1FE90];
	[tilespmem:s15+$0x15E00] =	vst v3  }
0x3ef: {  	v43 =	vmul.f32 v12, v8;
	v3 =	vld [tilespmem:$0x1FEA0];
	[tilespmem:s15+$0x15E80] =	vst v1  }
0x3f0: {  	v45 =	vmul.f32 v13, v8;
	[tilespmem:s18+$0x15C00] =	vst v42  }
0x3f1: {  	v46 =	vmul.f32 v14, v8;
	[tilespmem:s18+$0x15C80] =	vst v43  }
0x3f2: {  	v48 =	vmul.f32 v15, v8;
	[tilespmem:s18+$0x15D00] =	vst v45  }
0x3f3: {  	v49 =	vmul.f32 v16, v8;
	[tilespmem:s18+$0x15D80] =	vst v46  }
0x3f4: {  	v50 =	vmul.f32 v17, v8;
	[tilespmem:s18+$0x15E00] =	vst v48  }
0x3f5: {  	v51 =	vmul.f32 v18, v8;
	[tilespmem:s18+$0x15E80] =	vst v49  }
0x3f6: {  	v53 =	vmul.f32 v19, v9;
	[tilespmem:s18+$0x15F00] =	vst v50  }
0x3f7: {  	v54 =	vmul.f32 v20, v9;
	[tilespmem:s18+$0x15F80] =	vst v51  }
0x3f8: {  	v55 =	vmul.f32 v21, v9;
	[tilespmem:s10+$0x15C00] =	vst v53  }
0x3f9: {  	v56 =	vmul.f32 v23, v9;
	[tilespmem:s10+$0x15C80] =	vst v54  }
0x3fa: {  	v57 =	vmul.f32 v24, v9;
	[tilespmem:s10+$0x15D00] =	vst v55  }
0x3fb: {  	v58 =	vmul.f32 v27, v9;
	[tilespmem:s10+$0x15D80] =	vst v56  }
0x3fc: {  	v59 =	vmul.f32 v32, v9;
	[tilespmem:s10+$0x15E00] =	vst v57  }
0x3fd: {  	v60 =	vmul.f32 v39, v9;
	[tilespmem:s10+$0x15E80] =	vst v58  }
0x3fe: {  	[tilespmem:s10+$0x15F00] =	vst v59  }
0x3ff: {  	v61 =	vmul.f32 v44, v0;
	[tilespmem:s10+$0x15F80] =	vst v60  }
0x400: {  	v62 =	vmul.f32 v47, v0;
	[tilespmem:s14+$0x15D80] =	vst v52  }
0x401: {  	s25 =	sadd.s32 $0x24, s13;
	v63 =	vmul.f32 v10, v0;
	[tilespmem:s14+$0x15E00] =	vst v61  }
0x402: {  	s26 =	sadd.s32 s5, s25;
	[tilespmem:s14+$0x15E80] =	vst v62;
	v2 =	vmul.f32 v2, v7  }
0x403: {  	s6 =	sadd.s32 s7, s25;
	s9 =	sshll.u32 s26, $0x7;
	[tilespmem:s14+$0x15F00] =	vst v63;
	v3 =	vmul.f32 v3, v7  }
.Ltmp6:
0x404: {  	s6 =	sshll.u32 s6, $0x7;
	s9 =	sand.u32 $0x1FFFFA00, s9;
	[tilespmem:s15+$0x15F00] =	vst v2;
	(pc) =	sbr.rel @p0 .LBB2_12-.Ltmp6, $4  }
0x405: {  	s28 =	simm.s32 $0x12C00;
	s6 =	sand.u32 $0x1FFFFA00, s6;
	s9 =	sadd.s32 s3, s9;
	[tilespmem:s15+$0x15F80] =	vst v3  }
0x406: {  	[hbm4b:s9+s4] =	stream.linear.scatter [tilespmem:s28], [sflag:$0x8], $0x3000, $0x38;
	[tilespmem:$0x18C00] =	vst v63  }
0x407: {  	s6 =	sadd.s32 s3, s6  }
0x408: {  	[hbm4b:s6+s4] =	stream.linear.scatter [tilespmem:s30], [sflag:$0x8], $0x3000, $0x38;
	[tilespmem:$0x18C00] =	vst v63  }
0x409: {  	_ =	swait.ge [sflag:s8], $0x3000  }
0x40a: {  	s6 =	sadd.s32 $0x48, s13;
	s10 =	simm.s32 $0xCC00;
	[sflag:s8] =	ssyncset.done $0x0  }
0x40b: {  	s9 =	sadd.s32 s5, s6;
	s6 =	sadd.s32 s7, s6;
	[sflag:s8] =	ssyncadd.s32 $0xFFFFD000  }
0x40c: {  	s9 =	sshll.u32 s9, $0x7;
	s6 =	sshll.u32 s6, $0x7;
	_ =	swait.ge [sflag:s8], $0x3000  }
.Ltmp7:
0x40d: {  	s9 =	sand.u32 $0x1FFFFC00, s9;
	[sflag:s8] =	ssyncset.done $0x0;
	(pc) =	sbr.rel .LBB2_2-.Ltmp7, $4  }
0x40e: {  	s6 =	sand.u32 $0x1FFFFC00, s6;
	s9 =	sadd.s32 s2, s9;
	[sflag:s8] =	ssyncadd.s32 $0xFFFFD000  }
0x40f: {  	[tilespmem:s10], [sflag:$0x3] =	stream.linear.gather [hbm4b:s9+s4], $0x3000, $0x38;
	[tilespmem:$0x18C00] =	vst v63  }
0x410: {  	s28 =	simm.s32 $0xFC00;
	s12 =	sadd.s32 $0x1, s12;
	s6 =	sadd.s32 s2, s6  }
0x411: {  	[tilespmem:s28], [sflag:$0x3] =	stream.linear.gather [hbm4b:s6+s4], $0x3000, $0x38;
	[tilespmem:$0x18C00] =	vst v63  }
.LBB2_13:
0x412: {  	_ =	sfence.sel $0x180000  }
0x413: {  	[bflag:$0x0] =	sbarrier.arrive $0xFFFF  }
0x414: {  	_ =	strace $0x90000047  }
0x415: {  	s0 =	stileid.u32;
	[bflag:$0x2] =	sbarrier.arrive $0xFFFF  }
0x416: {  	p0 =	sne.s32 s0, $0x0;
	s0 =	rddreg [dreg:$0x3]  }
0x417: {  	s0 =	sadd.s32 @!p0 $0x100000, s0  }
0x418: {  	[sflag:s0] =	ssyncadd.tile.s32 @!p0 $0x1;
	_ =	shalt  }
.Lfunc_end2:
_tile_overlayer_lowered:
.L_overlay_start_2:
0x419: {  	(tag) =	ssettag $0x2  }
0x41a: {  	s0 =	rddreg [dreg:$0x0];
	s2 =	stileid.u32  }
0x41b: {  	s1 =	rddreg [dreg:$0x1];
	p0 =	sne.s32 s2, $0x0  }
0x41c: {  	s3 =	rddreg [dreg:$0x2];
	[bflag:$0x3] =	sbarrier.arrive $0xFFFF;
	s2 =	simm.s32 @!p0 $0x1C09  }
0x41d: {  	[timem:s3], [sflag:s2] =	dma.local @!p0 [hbm:s0], s1  }
0x41e: {  	s0 =	simm.s32 @!p0 $0x9  }
0x41f: {  	_ =	swait.ge @!p0 [sflag:s0], s1  }
0x420: {  	s1 =	ssub.s32 @!p0 $0x0, s1;
	[sflag:s0] =	ssyncset.done @!p0 $0x0  }
0x421: {  	[sflag:s0] =	ssyncadd.s32 @!p0 s1  }
0x422: {  	[bflag:$0x3] =	sbarrier.arrive $0xFFFF  }
0x423: {  	_ =	shalt  }

</sc_bundles>
